<compile_context>
chip_gen: v7x
topology: tpu7x:2x2x1
jax: 0.10.2.dev20260603
libtpu: 0.0.44.dev20260713+nightly
codegen_flags: <defaults>
</compile_context>

<pallas_src>
import functools

import jax
import jax.numpy as jnp
from jax import lax
from jax.experimental import pallas as pl
from jax.experimental.pallas import tpu as pltpu
from jax.experimental.pallas import tpu_sc as plsc

_N = 10000
_NPAD = 10240
_D = 128
_NC = 2
_NS = 16
_NW = _NC * _NS
_CHUNK = 100
_CDEG = 80
_BR = 256
_EPS = 1e-5



def _deg_body(dst2_hbm, zerosn_hbm, out_hbm, didx, hist, *, epw):
    cid = lax.axis_index("c")
    sid = lax.axis_index("s")
    wid = cid * _NS + sid
    nch = epw // _CDEG
    pltpu.sync_copy(dst2_hbm.at[wid], didx)
    pltpu.sync_copy(zerosn_hbm, hist)
    ones16 = jnp.ones((16,), jnp.float32)

    def body(j, carry):
        for k in range(_CDEG // 16):
            idx16 = didx[j, pl.ds(k * 16, 16)]
            plsc.addupdate_scatter(hist, [idx16], ones16)
        return carry

    lax.fori_loop(0, nch, body, 0)
    pltpu.sync_copy(hist, out_hbm.at[wid])


def _agg_body(s2_hbm, src3_hbm, dst3_hbm, out_hbm,
              sidx, didx, r0b, r1b, r2b, r3b, r4b, acc, sem_g, sem_s, *, epw):
    rows = [r0b, r1b, r2b, r3b, r4b]
    nbuf = len(rows)
    lag = 2
    cid = lax.axis_index("c")
    sid = lax.axis_index("s")
    rpt = _NPAD // _NS
    r0 = sid * rpt
    nch = epw // _CHUNK
    half = s2_hbm.at[cid]

    pltpu.sync_copy(half.at[pl.ds(r0, rpt)], acc.at[pl.ds(r0, rpt)])

    pltpu.sync_copy(src3_hbm.at[sid], sidx)
    pltpu.sync_copy(dst3_hbm.at[sid], didx)
    plsc.subcore_barrier()

    for b in range(nbuf - lag):
        pltpu.async_copy(half.at[sidx.at[b]], rows[b], sem_g)

    ngrp = nch // nbuf

    def grp_body(g, carry):
        for b in range(nbuf):
            j = g * nbuf + b
            pltpu.make_async_copy(half.at[sidx.at[b]], rows[b],
                                  sem_g).wait()
            pltpu.async_copy(rows[b], acc.at[didx.at[j]], sem_s, add=True)

            @pl.when(j >= lag)
            def _():
                pltpu.make_async_copy(rows[b], acc.at[didx.at[j]],
                                      sem_s).wait()

            @pl.when(j + nbuf - lag < nch)
            def _():
                nb = (b + nbuf - lag) % nbuf
                pltpu.async_copy(half.at[sidx.at[j + nbuf - lag]], rows[nb],
                                 sem_g)
        return carry

    lax.fori_loop(0, ngrp, grp_body, 0)
    for _ in range(lag):
        pltpu.make_async_copy(rows[0], acc.at[didx.at[0]], sem_s).wait()
    plsc.subcore_barrier()
    pltpu.sync_copy(acc.at[pl.ds(r0, rpt)], out_hbm.at[cid, pl.ds(r0, rpt)])



def _init_body(x_ref, w_ref, b_ref, degt_ref, wc_ref, h_ref, s_ref,
               dinv_ref):
    h = jnp.dot(x_ref[...], w_ref[...], preferred_element_type=jnp.float32)
    h = jnp.maximum(h + b_ref[...], 0.0)
    h_ref[...] = h
    deg = jnp.sum(degt_ref[...], axis=1, keepdims=True) + 1.0
    dinv = lax.rsqrt(deg)
    dinv_ref[...] = dinv
    hw = jnp.dot(h, wc_ref[...], preferred_element_type=jnp.float32) * dinv
    s_ref[0] = hw[:, :_D // 2]
    s_ref[1] = hw[:, _D // 2:]


def _bn_scale_shift(st, gb):
    mu = st[0:1] / float(_N)
    var = st[1:2] / float(_N) - mu * mu
    a = gb[0:1] * lax.rsqrt(var + _EPS)
    return a, gb[1:2] - mu * a


def _phase0(p_ref, dinv_ref, b_ref, y_scr, st_scr):
    i = pl.program_id(1)
    pb = p_ref[...]
    y = jnp.concatenate([pb[0], pb[1]], axis=1) * dinv_ref[...] + b_ref[...]
    y_scr[pl.ds(i * _BR, _BR), :] = y
    rowid = lax.broadcasted_iota(jnp.int32, (_BR, 1), 0) + i * _BR
    ym = jnp.where(rowid < _N, y, 0.0)
    snew = jnp.concatenate([jnp.sum(ym, axis=0, keepdims=True),
                            jnp.sum(ym * ym, axis=0, keepdims=True)], axis=0)

    @pl.when(i == 0)
    def _():
        st_scr[...] = snew

    @pl.when(i > 0)
    def _():
        st_scr[...] = st_scr[...] + snew


def _conv_epi_body(*refs, has_res):
    if has_res:
        (p_ref, dinv_ref, b_ref, gb_ref, wc_ref, hin_ref,
         h_ref, s_ref, y_scr, st_scr) = refs
    else:
        (p_ref, dinv_ref, b_ref, gb_ref, wc_ref,
         h_ref, s_ref, y_scr, st_scr) = refs
    ph = pl.program_id(0)
    i = pl.program_id(1)

    @pl.when(ph == 0)
    def _():
        _phase0(p_ref, dinv_ref, b_ref, y_scr, st_scr)

    @pl.when(ph == 1)
    def _():
        y = y_scr[pl.ds(i * _BR, _BR), :]
        a, c = _bn_scale_shift(st_scr[...], gb_ref[...])
        h = jnp.maximum(y * a + c, 0.0)
        if has_res:
            h = h + hin_ref[...]
        h_ref[...] = h
        hw = jnp.dot(h, wc_ref[...], preferred_element_type=jnp.float32)
        hw = hw * dinv_ref[...]
        s_ref[0] = hw[:, :_D // 2]
        s_ref[1] = hw[:, _D // 2:]


def _conv_head_body(p_ref, dinv_ref, b_ref, gb_ref, hin_ref, w1_ref, b1_ref,
                    w2_ref, b2_ref, o_ref, y_scr, st_scr):
    ph = pl.program_id(0)
    i = pl.program_id(1)

    @pl.when(ph == 0)
    def _():
        _phase0(p_ref, dinv_ref, b_ref, y_scr, st_scr)

    @pl.when(ph == 1)
    def _():
        y = y_scr[pl.ds(i * _BR, _BR), :]
        a, c = _bn_scale_shift(st_scr[...], gb_ref[...])
        h = jnp.maximum(y * a + c, 0.0) + hin_ref[...]
        r = jnp.dot(h, w1_ref[...], preferred_element_type=jnp.float32)
        r = jnp.maximum(r + b1_ref[...], 0.0)
        o = jnp.sum(r * w2_ref[...], axis=1, keepdims=True) + b2_ref[...]
        o_ref[...] = o



def _row_spec(i_map=lambda i: (i, 0), shape=(_BR, _D)):
    return pl.BlockSpec(shape, i_map)


_FULL = lambda i: (0, 0)


def kernel(x, edge_index, W_in, b_in, conv_W, conv_b, bn_g, bn_b,
           Wo1, bo1, Wo2, bo2):
    n, d = x.shape
    e = edge_index.shape[1]
    epw = e // _NW
    assert n == _N and d == _D and e % (_NW * _CDEG) == 0

    ept = e // _NS
    assert ept % (_CHUNK * 5) == 0
    src = edge_index[0]
    dst = edge_index[1]
    dst2 = dst.reshape(_NW, epw // _CDEG, _CDEG)
    src3 = src.reshape(_NS, ept // _CHUNK, _CHUNK)
    dst3 = dst.reshape(_NS, ept // _CHUNK, _CHUNK)
    xp = jnp.pad(x, ((0, _NPAD - n), (0, 0)))
    zerosn = jnp.zeros((_NPAD,), jnp.float32)

    mesh = plsc.VectorSubcoreMesh(core_axis_name="c", subcore_axis_name="s",
                                  num_cores=_NC, num_subcores=_NS)

    deg_call = pl.kernel(
        functools.partial(_deg_body, epw=epw),
        out_type=jax.ShapeDtypeStruct((_NW, _NPAD), jnp.float32),
        mesh=mesh,
        compiler_params=pltpu.CompilerParams(needs_layout_passes=False),
        scratch_types=[
            pltpu.VMEM((epw // _CDEG, _CDEG), jnp.int32),
            pltpu.VMEM((_NPAD,), jnp.float32),
        ],
    )
    agg_call = pl.kernel(
        functools.partial(_agg_body, epw=ept),
        out_type=jax.ShapeDtypeStruct((_NC, _NPAD, d // 2), jnp.float32),
        mesh=mesh,
        compiler_params=pltpu.CompilerParams(use_tc_tiling_on_sc=False),
        scratch_types=[
            pltpu.VMEM((ept // _CHUNK, _CHUNK), jnp.int32),
            pltpu.VMEM((ept // _CHUNK, _CHUNK), jnp.int32),
        ] + [pltpu.VMEM((_CHUNK, d // 2), jnp.float32)] * 5 + [
            pltpu.VMEM_SHARED((_NPAD, d // 2), jnp.float32),
            pltpu.SemaphoreType.DMA,
            pltpu.SemaphoreType.DMA,
        ],
    )

    nblk = _NPAD // _BR
    degp = deg_call(dst2, zerosn)
    degt = degp.T

    init_call = pl.pallas_call(
        _init_body,
        grid=(nblk,),
        in_specs=[_row_spec(),
                  pl.BlockSpec((_D, _D), _FULL),
                  pl.BlockSpec((1, _D), _FULL),
                  _row_spec(shape=(_BR, _NW)),
                  pl.BlockSpec((_D, _D), _FULL)],
        out_specs=[_row_spec(),
                   pl.BlockSpec((2, _BR, _D // 2), lambda i: (0, i, 0)),
                   pl.BlockSpec((_BR, 1), lambda i: (i, 0))],
        out_shape=[jax.ShapeDtypeStruct((_NPAD, _D), jnp.float32),
                   jax.ShapeDtypeStruct((2, _NPAD, _D // 2), jnp.float32),
                   jax.ShapeDtypeStruct((_NPAD, 1), jnp.float32)],
    )
    h, s, dinv = init_call(xp, W_in, b_in.reshape(1, _D), degt, conv_W[0])

    dmid = Wo1.shape[1]
    out = None
    for i in range(3):
        p = agg_call(s, src3, dst3)
        gb = jnp.stack([bn_g[i], bn_b[i]])
        base_specs = [
            pl.BlockSpec((_NC, _BR, _D // 2),
                         lambda ph, ib: (0, ib * (1 - ph), 0)),
            pl.BlockSpec((_BR, 1), lambda ph, ib: (ib, 0)),
            pl.BlockSpec((1, _D), lambda ph, ib: (0, 0)),
            pl.BlockSpec((2, _D), lambda ph, ib: (0, 0)),
        ]
        scr = [pltpu.VMEM((_NPAD, _D), jnp.float32),
               pltpu.VMEM((2, _D), jnp.float32)]
        if i < 2:
            has_res = i > 0
            specs = base_specs + [
                pl.BlockSpec((_D, _D), lambda ph, ib: (0, 0))]
            args = [p, dinv, conv_b[i].reshape(1, _D), gb, conv_W[i + 1]]
            if has_res:
                specs.append(pl.BlockSpec((_BR, _D),
                                          lambda ph, ib: (ib * ph, 0)))
                args.append(h)
            fused_call = pl.pallas_call(
                functools.partial(_conv_epi_body, has_res=has_res),
                grid=(2, nblk),
                in_specs=specs,
                out_specs=[pl.BlockSpec((_BR, _D),
                                        lambda ph, ib: (ib * ph, 0)),
                           pl.BlockSpec((2, _BR, _D // 2),
                                        lambda ph, ib: (0, ib * ph, 0))],
                out_shape=[jax.ShapeDtypeStruct((_NPAD, _D), jnp.float32),
                           jax.ShapeDtypeStruct((2, _NPAD, _D // 2),
                                                jnp.float32)],
                scratch_shapes=scr,
            )
            h, s = fused_call(*args)
        else:
            specs = base_specs + [
                pl.BlockSpec((_BR, _D), lambda ph, ib: (ib * ph, 0)),
                pl.BlockSpec((_D, dmid), lambda ph, ib: (0, 0)),
                pl.BlockSpec((1, dmid), lambda ph, ib: (0, 0)),
                pl.BlockSpec((1, dmid), lambda ph, ib: (0, 0)),
                pl.BlockSpec((1, 1), lambda ph, ib: (0, 0))]
            fused_call = pl.pallas_call(
                _conv_head_body,
                grid=(2, nblk),
                in_specs=specs,
                out_specs=[pl.BlockSpec((_BR, 1),
                                        lambda ph, ib: (ib * ph, 0))],
                out_shape=[jax.ShapeDtypeStruct((_NPAD, 1), jnp.float32)],
                scratch_shapes=scr,
            )
            (o2,) = fused_call(p, dinv, conv_b[i].reshape(1, _D), gb, h,
                               Wo1, bo1.reshape(1, dmid),
                               Wo2.reshape(1, dmid), bo2.reshape(1, 1))
            out = o2[:n, 0]
    return out

# --- scband reference (transcript-rebuilt; emitter-appended) ---
"""Pipeline reference for scband-atom-exposure-gnn-20212116095605 (READ-ONLY COPY).

The authoritative reference and input builder live on the scoring server;
editing this copy changes nothing except your own understanding.
"""

import jax, jax.numpy as jnp
import numpy as np

N = 10000
E = 320000
D = 128
H = 128
L = 3
EPS = 1e-5


def setup_inputs(seed: int = 0) -> dict:
    key = jax.random.key(seed)
    ks = jax.random.split(key, 8)
    s = 0.05
    inp = {}
    inp["x"] = jax.random.normal(ks[0], (N, D), dtype=jnp.float32)
    inp["edge_index"] = jax.random.randint(ks[1], (2, E), 0, N, dtype=jnp.int32)
    inp["W_in"] = jax.random.normal(ks[2], (D, H), dtype=jnp.float32) * s
    inp["b_in"] = jnp.zeros((H,), dtype=jnp.float32)
    inp["conv_W"] = jax.random.normal(ks[3], (L, H, H), dtype=jnp.float32) * s
    inp["conv_b"] = jnp.zeros((L, H), dtype=jnp.float32)
    inp["bn_g"] = jnp.ones((L, H), dtype=jnp.float32)
    inp["bn_b"] = jnp.zeros((L, H), dtype=jnp.float32)
    inp["Wo1"] = jax.random.normal(ks[4], (H, H // 2), dtype=jnp.float32) * s
    inp["bo1"] = jnp.zeros((H // 2,), dtype=jnp.float32)
    inp["Wo2"] = jax.random.normal(ks[5], (H // 2, 1), dtype=jnp.float32) * s
    inp["bo2"] = jnp.zeros((1,), dtype=jnp.float32)
    return inp


def gcn_conv(x, src, dst, W, b):
    # PyG GCNConv: linear transform, add self-loops, sym-normalized mean aggregation
    x = x @ W
    loop = jnp.arange(N, dtype=src.dtype)
    s = jnp.concatenate([src, loop])
    d = jnp.concatenate([dst, loop])
    deg = jax.ops.segment_sum(jnp.ones(s.shape[0], dtype=x.dtype), d, num_segments=N)
    dinv = deg ** -0.5  # deg >= 1 due to self loops
    norm = dinv[s] * dinv[d]
    msg = x[s] * norm[:, None]
    out = jax.ops.segment_sum(msg, d, num_segments=N)
    return out + b


def batch_norm(x, g, b):
    mu = jnp.mean(x, axis=0)
    var = jnp.var(x, axis=0)
    return g * (x - mu) / jnp.sqrt(var + EPS) + b


def reference(x, edge_index, W_in, b_in, conv_W, conv_b, bn_g, bn_b, Wo1, bo1, Wo2, bo2):
    src, dst = edge_index[0], edge_index[1]
    h = jax.nn.relu(x @ W_in + b_in)
    for i in range(L):
        h_in = h
        h = gcn_conv(h, src, dst, conv_W[i], conv_b[i])
        h = batch_norm(h, bn_g[i], bn_b[i])
        h = jax.nn.relu(h)
        if i > 0:
            h = h + h_in
        # dropout is identity in eval mode
    out = jax.nn.relu(h @ Wo1 + bo1)
    out = out @ Wo2 + bo2
    return out.squeeze(-1)

if __name__ == "__main__":
    import jax
    _d = setup_inputs()
    print(jax.jit(kernel)(*tuple(_d.values())))

</pallas_src>

<mosaic_0001>
#map = affine_map<(d0, d1) -> (0, 0, 0)>
#map1 = affine_map<(d0, d1) -> (0)>
#map2 = affine_map<(d0, d1) -> (0, 0)>
module attributes {stable_mosaic.version = 14 : i64} {
  func.func @_deg_body(%arg0: i32, %arg1: i32, %arg2: memref<32x125x80xi32, #tpu.memory_space<hbm>>, %arg3: memref<10240xf32, #tpu.memory_space<hbm>>, %arg4: memref<32x10240xf32, #tpu.memory_space<hbm>>, %arg5: memref<125x80xi32, #tpu.memory_space<vmem>>, %arg6: memref<10240xf32, #tpu.memory_space<vmem>>) attributes {dimension_semantics = [#tpu.dimension_semantics<core_parallel>, #tpu.dimension_semantics<subcore_parallel>], iteration_bounds = array<i64: 2, 16>, scalar_prefetch = 0 : i64, scratch_operands = 2 : i64, tpu.core_type = #tpu.core_type<sc_vector_subcore>, window_params = [{transform_indices = #map}, {transform_indices = #map1}, {transform_indices = #map2}]} {
    %mul3A = arith.constant 16 : i32
    %mul3A_0 = arith.muli %arg0, %mul3A : i32
    %add3A = arith.addi %mul3A_0, %arg1 : i32
    "tpu.region"() ({
      %run_scoped3A = tpu.sem_alloc : memref<!tpu.dma_semaphore, #tpu.memory_space<semaphore_mem>>
      %dma_start3A = arith.constant 0 : i32
      %dma_start3A_7 = arith.constant 0 : i32
      %dma_start3A_8 = tpu.memref_slice %arg2[%add3A, %dma_start3A, %dma_start3A_7] : memref<32x125x80xi32, #tpu.memory_space<hbm>> -> memref<1x125x80xi32, #tpu.memory_space<hbm>>
      %dma_start3A_9 = tpu.memref_squeeze %dma_start3A_8 : memref<1x125x80xi32, #tpu.memory_space<hbm>> -> memref<125x80xi32, #tpu.memory_space<hbm>>
      %dma_start3A_10 = arith.constant 0 : i32
      %dma_start3A_11 = arith.constant 0 : i32
      %dma_start3A_12 = tpu.memref_slice %arg2[%add3A, %dma_start3A_10, %dma_start3A_11] : memref<32x125x80xi32, #tpu.memory_space<hbm>> -> memref<1x125x80xi32, #tpu.memory_space<hbm>>
      %dma_start3A_13 = tpu.memref_squeeze %dma_start3A_12 : memref<1x125x80xi32, #tpu.memory_space<hbm>> -> memref<125x80xi32, #tpu.memory_space<hbm>>
      tpu.enqueue_dma source(%dma_start3A_13 : memref<125x80xi32, #tpu.memory_space<hbm>>) target(%arg5 : memref<125x80xi32, #tpu.memory_space<vmem>>) target_semaphore(%run_scoped3A : memref<!tpu.dma_semaphore, #tpu.memory_space<semaphore_mem>>)
      %dma_wait3A = arith.constant 0 : i32
      %dma_wait3A_14 = arith.constant 0 : i32
      %dma_wait3A_15 = tpu.memref_slice %arg2[%add3A, %dma_wait3A, %dma_wait3A_14] : memref<32x125x80xi32, #tpu.memory_space<hbm>> -> memref<1x125x80xi32, #tpu.memory_space<hbm>>
      %dma_wait3A_16 = tpu.memref_squeeze %dma_wait3A_15 : memref<1x125x80xi32, #tpu.memory_space<hbm>> -> memref<125x80xi32, #tpu.memory_space<hbm>>
      %dma_wait3A_17 = arith.constant 0 : i32
      %dma_wait3A_18 = arith.constant 0 : i32
      %dma_wait3A_19 = tpu.memref_slice %arg2[%add3A, %dma_wait3A_17, %dma_wait3A_18] : memref<32x125x80xi32, #tpu.memory_space<hbm>> -> memref<1x125x80xi32, #tpu.memory_space<hbm>>
      %dma_wait3A_20 = tpu.memref_squeeze %dma_wait3A_19 : memref<1x125x80xi32, #tpu.memory_space<hbm>> -> memref<125x80xi32, #tpu.memory_space<hbm>>
      tpu.wait_dma2 semaphore(%run_scoped3A : memref<!tpu.dma_semaphore, #tpu.memory_space<semaphore_mem>>) src(%dma_wait3A_20 : memref<125x80xi32, #tpu.memory_space<hbm>>) dst(%arg5 : memref<125x80xi32, #tpu.memory_space<vmem>>)
      tpu.yield
    }) : () -> ()
    "tpu.region"() ({
      %run_scoped3A = tpu.sem_alloc : memref<!tpu.dma_semaphore, #tpu.memory_space<semaphore_mem>>
      tpu.enqueue_dma source(%arg3 : memref<10240xf32, #tpu.memory_space<hbm>>) target(%arg6 : memref<10240xf32, #tpu.memory_space<vmem>>) target_semaphore(%run_scoped3A : memref<!tpu.dma_semaphore, #tpu.memory_space<semaphore_mem>>)
      tpu.wait_dma2 semaphore(%run_scoped3A : memref<!tpu.dma_semaphore, #tpu.memory_space<semaphore_mem>>) src(%arg3 : memref<10240xf32, #tpu.memory_space<hbm>>) dst(%arg6 : memref<10240xf32, #tpu.memory_space<vmem>>)
      tpu.yield
    }) : () -> ()
    %broadcast_in_dim3A = arith.constant 1.000000e+00 : f32
    %broadcast_in_dim3A_1 = vector.broadcast %broadcast_in_dim3A : f32 to vector<16xf32>
    %scan3A = arith.constant 0 : i32
    %scan3A_2 = arith.constant 0 : i32
    %scan3A_3 = arith.constant 125 : i32
    %scan3A_4 = arith.addi %scan3A_2, %scan3A_3 : i32
    %scan3A_5 = arith.constant 1 : i32
    scf.for %scan3A_7 = %scan3A_2 to %scan3A_4 step %scan3A_5  : i32 {
      %get3A = arith.index_cast %scan3A_7 : i32 to index
      %get3A_8 = arith.constant 0 : index
      %get3A_9 = tpu.vector_load %arg5[%get3A, %get3A_8] {strides = array<i32>} : memref<125x80xi32, #tpu.memory_space<vmem>>, vector<16xi32>,
      tpu.vector_store_idx %arg6[%get3A_9], %broadcast_in_dim3A_1 {add = true} : memref<10240xf32, #tpu.memory_space<vmem>>[vector<16xi32>], vector<16xf32>,
      %get3A_10 = arith.index_cast %scan3A_7 : i32 to index
      %get3A_11 = arith.constant 16 : index
      %get3A_12 = tpu.vector_load %arg5[%get3A_10, %get3A_11] {strides = array<i32>} : memref<125x80xi32, #tpu.memory_space<vmem>>, vector<16xi32>,
      tpu.vector_store_idx %arg6[%get3A_12], %broadcast_in_dim3A_1 {add = true} : memref<10240xf32, #tpu.memory_space<vmem>>[vector<16xi32>], vector<16xf32>,
      %get3A_13 = arith.index_cast %scan3A_7 : i32 to index
      %get3A_14 = arith.constant 32 : index
      %get3A_15 = tpu.vector_load %arg5[%get3A_13, %get3A_14] {strides = array<i32>} : memref<125x80xi32, #tpu.memory_space<vmem>>, vector<16xi32>,
      tpu.vector_store_idx %arg6[%get3A_15], %broadcast_in_dim3A_1 {add = true} : memref<10240xf32, #tpu.memory_space<vmem>>[vector<16xi32>], vector<16xf32>,
      %get3A_16 = arith.index_cast %scan3A_7 : i32 to index
      %get3A_17 = arith.constant 48 : index
      %get3A_18 = tpu.vector_load %arg5[%get3A_16, %get3A_17] {strides = array<i32>} : memref<125x80xi32, #tpu.memory_space<vmem>>, vector<16xi32>,
      tpu.vector_store_idx %arg6[%get3A_18], %broadcast_in_dim3A_1 {add = true} : memref<10240xf32, #tpu.memory_space<vmem>>[vector<16xi32>], vector<16xf32>,
      %get3A_19 = arith.index_cast %scan3A_7 : i32 to index
      %get3A_20 = arith.constant 64 : index
      %get3A_21 = tpu.vector_load %arg5[%get3A_19, %get3A_20] {strides = array<i32>} : memref<125x80xi32, #tpu.memory_space<vmem>>, vector<16xi32>,
      tpu.vector_store_idx %arg6[%get3A_21], %broadcast_in_dim3A_1 {add = true} : memref<10240xf32, #tpu.memory_space<vmem>>[vector<16xi32>], vector<16xf32>,
    }
    %scan3A_6 = arith.constant 125 : i32
    "tpu.region"() ({
      %run_scoped3A = tpu.sem_alloc : memref<!tpu.dma_semaphore, #tpu.memory_space<semaphore_mem>>
      %dma_start3A = arith.constant 0 : i32
      %dma_start3A_7 = tpu.memref_slice %arg4[%add3A, %dma_start3A] : memref<32x10240xf32, #tpu.memory_space<hbm>> -> memref<1x10240xf32, #tpu.memory_space<hbm>>
      %dma_start3A_8 = tpu.memref_squeeze %dma_start3A_7 : memref<1x10240xf32, #tpu.memory_space<hbm>> -> memref<10240xf32, #tpu.memory_space<hbm>>
      %dma_start3A_9 = arith.constant 0 : i32
      %dma_start3A_10 = tpu.memref_slice %arg4[%add3A, %dma_start3A_9] : memref<32x10240xf32, #tpu.memory_space<hbm>> -> memref<1x10240xf32, #tpu.memory_space<hbm>>
      %dma_start3A_11 = tpu.memref_squeeze %dma_start3A_10 : memref<1x10240xf32, #tpu.memory_space<hbm>> -> memref<10240xf32, #tpu.memory_space<hbm>>
      tpu.enqueue_dma source(%arg6 : memref<10240xf32, #tpu.memory_space<vmem>>) target(%dma_start3A_11 : memref<10240xf32, #tpu.memory_space<hbm>>) target_semaphore(%run_scoped3A : memref<!tpu.dma_semaphore, #tpu.memory_space<semaphore_mem>>)
      %dma_wait3A = arith.constant 0 : i32
      %dma_wait3A_12 = tpu.memref_slice %arg4[%add3A, %dma_wait3A] : memref<32x10240xf32, #tpu.memory_space<hbm>> -> memref<1x10240xf32, #tpu.memory_space<hbm>>
      %dma_wait3A_13 = tpu.memref_squeeze %dma_wait3A_12 : memref<1x10240xf32, #tpu.memory_space<hbm>> -> memref<10240xf32, #tpu.memory_space<hbm>>
      %dma_wait3A_14 = arith.constant 0 : i32
      %dma_wait3A_15 = tpu.memref_slice %arg4[%add3A, %dma_wait3A_14] : memref<32x10240xf32, #tpu.memory_space<hbm>> -> memref<1x10240xf32, #tpu.memory_space<hbm>>
      %dma_wait3A_16 = tpu.memref_squeeze %dma_wait3A_15 : memref<1x10240xf32, #tpu.memory_space<hbm>> -> memref<10240xf32, #tpu.memory_space<hbm>>
      tpu.wait_dma2 semaphore(%run_scoped3A : memref<!tpu.dma_semaphore, #tpu.memory_space<semaphore_mem>>) src(%arg6 : memref<10240xf32, #tpu.memory_space<vmem>>) dst(%dma_wait3A_16 : memref<10240xf32, #tpu.memory_space<hbm>>)
      tpu.yield
    }) : () -> ()
    return
  }
}

#map = affine_map<(d0, d1) -> (0, 0, 0)>
module attributes {stable_mosaic.version = 14 : i64} {
  func.func @_agg_body(%arg0: i32, %arg1: i32, %arg2: memref<2x10240x64xf32, #tpu.memory_space<hbm>>, %arg3: memref<16x200x100xi32, #tpu.memory_space<hbm>>, %arg4: memref<16x200x100xi32, #tpu.memory_space<hbm>>, %arg5: memref<2x10240x64xf32, #tpu.memory_space<hbm>>, %arg6: memref<200x100xi32, #tpu.memory_space<vmem>>, %arg7: memref<200x100xi32, #tpu.memory_space<vmem>>, %arg8: memref<100x64xf32, #tpu.memory_space<vmem>>, %arg9: memref<100x64xf32, #tpu.memory_space<vmem>>, %arg10: memref<100x64xf32, #tpu.memory_space<vmem>>, %arg11: memref<100x64xf32, #tpu.memory_space<vmem>>, %arg12: memref<100x64xf32, #tpu.memory_space<vmem>>, %arg13: memref<10240x64xf32, #tpu.memory_space<vmem_shared>>, %arg14: memref<!tpu.dma_semaphore, #tpu.memory_space<semaphore_mem>>, %arg15: memref<!tpu.dma_semaphore, #tpu.memory_space<semaphore_mem>>) attributes {dimension_semantics = [#tpu.dimension_semantics<core_parallel>, #tpu.dimension_semantics<subcore_parallel>], iteration_bounds = array<i64: 2, 16>, scalar_prefetch = 0 : i64, scratch_operands = 10 : i64, tpu.core_type = #tpu.core_type<sc_vector_subcore>, window_params = [{transform_indices = #map}, {transform_indices = #map}, {transform_indices = #map}, {transform_indices = #map}]} {
    %mul3A = arith.constant 640 : i32
    %mul3A_0 = arith.muli %arg1, %mul3A : i32
    "tpu.region"() ({
      %run_scoped3A = tpu.sem_alloc : memref<!tpu.dma_semaphore, #tpu.memory_space<semaphore_mem>>
      %dma_start3A_52 = arith.constant 0 : i32
      %dma_start3A_53 = tpu.memref_slice %arg13[%mul3A_0, %dma_start3A_52] : memref<10240x64xf32, #tpu.memory_space<vmem_shared>> -> memref<640x64xf32, #tpu.memory_space<vmem_shared>>
      %dma_start3A_54 = arith.constant 0 : i32
      %dma_start3A_55 = arith.constant 0 : i32
      %dma_start3A_56 = tpu.memref_slice %arg2[%arg0, %dma_start3A_54, %dma_start3A_55] : memref<2x10240x64xf32, #tpu.memory_space<hbm>> -> memref<1x10240x64xf32, #tpu.memory_space<hbm>>
      %dma_start3A_57 = tpu.memref_squeeze %dma_start3A_56 : memref<1x10240x64xf32, #tpu.memory_space<hbm>> -> memref<10240x64xf32, #tpu.memory_space<hbm>>
      %dma_start3A_58 = arith.constant 0 : i32
      %dma_start3A_59 = tpu.memref_slice %dma_start3A_57[%mul3A_0, %dma_start3A_58] : memref<10240x64xf32, #tpu.memory_space<hbm>> -> memref<640x64xf32, #tpu.memory_space<hbm>>
      tpu.enqueue_dma source(%dma_start3A_59 : memref<640x64xf32, #tpu.memory_space<hbm>>) target(%dma_start3A_53 : memref<640x64xf32, #tpu.memory_space<vmem_shared>>) target_semaphore(%run_scoped3A : memref<!tpu.dma_semaphore, #tpu.memory_space<semaphore_mem>>)
      %dma_wait3A_60 = arith.constant 0 : i32
      %dma_wait3A_61 = tpu.memref_slice %arg13[%mul3A_0, %dma_wait3A_60] : memref<10240x64xf32, #tpu.memory_space<vmem_shared>> -> memref<640x64xf32, #tpu.memory_space<vmem_shared>>
      %dma_wait3A_62 = arith.constant 0 : i32
      %dma_wait3A_63 = arith.constant 0 : i32
      %dma_wait3A_64 = tpu.memref_slice %arg2[%arg0, %dma_wait3A_62, %dma_wait3A_63] : memref<2x10240x64xf32, #tpu.memory_space<hbm>> -> memref<1x10240x64xf32, #tpu.memory_space<hbm>>
      %dma_wait3A_65 = tpu.memref_squeeze %dma_wait3A_64 : memref<1x10240x64xf32, #tpu.memory_space<hbm>> -> memref<10240x64xf32, #tpu.memory_space<hbm>>
      %dma_wait3A_66 = arith.constant 0 : i32
      %dma_wait3A_67 = tpu.memref_slice %dma_wait3A_65[%mul3A_0, %dma_wait3A_66] : memref<10240x64xf32, #tpu.memory_space<hbm>> -> memref<640x64xf32, #tpu.memory_space<hbm>>
      tpu.wait_dma2 semaphore(%run_scoped3A : memref<!tpu.dma_semaphore, #tpu.memory_space<semaphore_mem>>) src(%dma_wait3A_67 : memref<640x64xf32, #tpu.memory_space<hbm>>) dst(%dma_wait3A_61 : memref<640x64xf32, #tpu.memory_space<vmem_shared>>)
      tpu.yield
    }) : () -> ()
    "tpu.region"() ({
      %run_scoped3A = tpu.sem_alloc : memref<!tpu.dma_semaphore, #tpu.memory_space<semaphore_mem>>
      %dma_start3A_52 = arith.constant 0 : i32
      %dma_start3A_53 = arith.constant 0 : i32
      %dma_start3A_54 = tpu.memref_slice %arg3[%arg1, %dma_start3A_52, %dma_start3A_53] : memref<16x200x100xi32, #tpu.memory_space<hbm>> -> memref<1x200x100xi32, #tpu.memory_space<hbm>>
      %dma_start3A_55 = tpu.memref_squeeze %dma_start3A_54 : memref<1x200x100xi32, #tpu.memory_space<hbm>> -> memref<200x100xi32, #tpu.memory_space<hbm>>
      %dma_start3A_56 = arith.constant 0 : i32
      %dma_start3A_57 = arith.constant 0 : i32
      %dma_start3A_58 = tpu.memref_slice %arg3[%arg1, %dma_start3A_56, %dma_start3A_57] : memref<16x200x100xi32, #tpu.memory_space<hbm>> -> memref<1x200x100xi32, #tpu.memory_space<hbm>>
      %dma_start3A_59 = tpu.memref_squeeze %dma_start3A_58 : memref<1x200x100xi32, #tpu.memory_space<hbm>> -> memref<200x100xi32, #tpu.memory_space<hbm>>
      tpu.enqueue_dma source(%dma_start3A_59 : memref<200x100xi32, #tpu.memory_space<hbm>>) target(%arg6 : memref<200x100xi32, #tpu.memory_space<vmem>>) target_semaphore(%run_scoped3A : memref<!tpu.dma_semaphore, #tpu.memory_space<semaphore_mem>>)
      %dma_wait3A_60 = arith.constant 0 : i32
      %dma_wait3A_61 = arith.constant 0 : i32
      %dma_wait3A_62 = tpu.memref_slice %arg3[%arg1, %dma_wait3A_60, %dma_wait3A_61] : memref<16x200x100xi32, #tpu.memory_space<hbm>> -> memref<1x200x100xi32, #tpu.memory_space<hbm>>
      %dma_wait3A_63 = tpu.memref_squeeze %dma_wait3A_62 : memref<1x200x100xi32, #tpu.memory_space<hbm>> -> memref<200x100xi32, #tpu.memory_space<hbm>>
      %dma_wait3A_64 = arith.constant 0 : i32
      %dma_wait3A_65 = arith.constant 0 : i32
      %dma_wait3A_66 = tpu.memref_slice %arg3[%arg1, %dma_wait3A_64, %dma_wait3A_65] : memref<16x200x100xi32, #tpu.memory_space<hbm>> -> memref<1x200x100xi32, #tpu.memory_space<hbm>>
      %dma_wait3A_67 = tpu.memref_squeeze %dma_wait3A_66 : memref<1x200x100xi32, #tpu.memory_space<hbm>> -> memref<200x100xi32, #tpu.memory_space<hbm>>
      tpu.wait_dma2 semaphore(%run_scoped3A : memref<!tpu.dma_semaphore, #tpu.memory_space<semaphore_mem>>) src(%dma_wait3A_67 : memref<200x100xi32, #tpu.memory_space<hbm>>) dst(%arg6 : memref<200x100xi32, #tpu.memory_space<vmem>>)
      tpu.yield
    }) : () -> ()
    "tpu.region"() ({
      %run_scoped3A = tpu.sem_alloc : memref<!tpu.dma_semaphore, #tpu.memory_space<semaphore_mem>>
      %dma_start3A_52 = arith.constant 0 : i32
      %dma_start3A_53 = arith.constant 0 : i32
      %dma_start3A_54 = tpu.memref_slice %arg4[%arg1, %dma_start3A_52, %dma_start3A_53] : memref<16x200x100xi32, #tpu.memory_space<hbm>> -> memref<1x200x100xi32, #tpu.memory_space<hbm>>
      %dma_start3A_55 = tpu.memref_squeeze %dma_start3A_54 : memref<1x200x100xi32, #tpu.memory_space<hbm>> -> memref<200x100xi32, #tpu.memory_space<hbm>>
      %dma_start3A_56 = arith.constant 0 : i32
      %dma_start3A_57 = arith.constant 0 : i32
      %dma_start3A_58 = tpu.memref_slice %arg4[%arg1, %dma_start3A_56, %dma_start3A_57] : memref<16x200x100xi32, #tpu.memory_space<hbm>> -> memref<1x200x100xi32, #tpu.memory_space<hbm>>
      %dma_start3A_59 = tpu.memref_squeeze %dma_start3A_58 : memref<1x200x100xi32, #tpu.memory_space<hbm>> -> memref<200x100xi32, #tpu.memory_space<hbm>>
      tpu.enqueue_dma source(%dma_start3A_59 : memref<200x100xi32, #tpu.memory_space<hbm>>) target(%arg7 : memref<200x100xi32, #tpu.memory_space<vmem>>) target_semaphore(%run_scoped3A : memref<!tpu.dma_semaphore, #tpu.memory_space<semaphore_mem>>)
      %dma_wait3A_60 = arith.constant 0 : i32
      %dma_wait3A_61 = arith.constant 0 : i32
      %dma_wait3A_62 = tpu.memref_slice %arg4[%arg1, %dma_wait3A_60, %dma_wait3A_61] : memref<16x200x100xi32, #tpu.memory_space<hbm>> -> memref<1x200x100xi32, #tpu.memory_space<hbm>>
      %dma_wait3A_63 = tpu.memref_squeeze %dma_wait3A_62 : memref<1x200x100xi32, #tpu.memory_space<hbm>> -> memref<200x100xi32, #tpu.memory_space<hbm>>
      %dma_wait3A_64 = arith.constant 0 : i32
      %dma_wait3A_65 = arith.constant 0 : i32
      %dma_wait3A_66 = tpu.memref_slice %arg4[%arg1, %dma_wait3A_64, %dma_wait3A_65] : memref<16x200x100xi32, #tpu.memory_space<hbm>> -> memref<1x200x100xi32, #tpu.memory_space<hbm>>
      %dma_wait3A_67 = tpu.memref_squeeze %dma_wait3A_66 : memref<1x200x100xi32, #tpu.memory_space<hbm>> -> memref<200x100xi32, #tpu.memory_space<hbm>>
      tpu.wait_dma2 semaphore(%run_scoped3A : memref<!tpu.dma_semaphore, #tpu.memory_space<semaphore_mem>>) src(%dma_wait3A_67 : memref<200x100xi32, #tpu.memory_space<hbm>>) dst(%arg7 : memref<200x100xi32, #tpu.memory_space<vmem>>)
      tpu.yield
    }) : () -> ()
    %barrier3A = arith.constant 0 : index
    tpu.barrier barrier_id(%barrier3A)
    %dma_start3A = arith.constant 0 : i32
    %dma_start3A_1 = arith.constant 0 : i32
    %dma_start3A_2 = tpu.memref_slice %arg6[%dma_start3A, %dma_start3A_1] : memref<200x100xi32, #tpu.memory_space<vmem>> -> memref<1x100xi32, #tpu.memory_space<vmem>>
    %dma_start3A_3 = tpu.memref_squeeze %dma_start3A_2 : memref<1x100xi32, #tpu.memory_space<vmem>> -> memref<100xi32, #tpu.memory_space<vmem>>
    %dma_start3A_4 = arith.constant 0 : i32
    %dma_start3A_5 = arith.constant 0 : i32
    %dma_start3A_6 = tpu.memref_slice %arg2[%arg0, %dma_start3A_4, %dma_start3A_5] : memref<2x10240x64xf32, #tpu.memory_space<hbm>> -> memref<1x10240x64xf32, #tpu.memory_space<hbm>>
    %dma_start3A_7 = tpu.memref_squeeze %dma_start3A_6 : memref<1x10240x64xf32, #tpu.memory_space<hbm>> -> memref<10240x64xf32, #tpu.memory_space<hbm>>
    %dma_start3A_8 = arith.constant 0 : i32
    %dma_start3A_9 = arith.constant 0 : i32
    %dma_start3A_10 = tpu.memref_slice %dma_start3A_7[%dma_start3A_8, %dma_start3A_9] : memref<10240x64xf32, #tpu.memory_space<hbm>> -> memref<10240x64xf32, #tpu.memory_space<hbm>>
    tpu.enqueue_indirect_dma source(%dma_start3A_10 : memref<10240x64xf32, #tpu.memory_space<hbm>>) target(%arg8 : memref<100x64xf32, #tpu.memory_space<vmem>>) offsets(%dma_start3A_3 : memref<100xi32, #tpu.memory_space<vmem>>) semaphore(%arg14 : memref<!tpu.dma_semaphore, #tpu.memory_space<semaphore_mem>>)
    %dma_start3A_11 = arith.constant 1 : i32
    %dma_start3A_12 = arith.constant 0 : i32
    %dma_start3A_13 = tpu.memref_slice %arg6[%dma_start3A_11, %dma_start3A_12] : memref<200x100xi32, #tpu.memory_space<vmem>> -> memref<1x100xi32, #tpu.memory_space<vmem>>
    %dma_start3A_14 = tpu.memref_squeeze %dma_start3A_13 : memref<1x100xi32, #tpu.memory_space<vmem>> -> memref<100xi32, #tpu.memory_space<vmem>>
    %dma_start3A_15 = arith.constant 0 : i32
    %dma_start3A_16 = arith.constant 0 : i32
    %dma_start3A_17 = tpu.memref_slice %arg2[%arg0, %dma_start3A_15, %dma_start3A_16] : memref<2x10240x64xf32, #tpu.memory_space<hbm>> -> memref<1x10240x64xf32, #tpu.memory_space<hbm>>
    %dma_start3A_18 = tpu.memref_squeeze %dma_start3A_17 : memref<1x10240x64xf32, #tpu.memory_space<hbm>> -> memref<10240x64xf32, #tpu.memory_space<hbm>>
    %dma_start3A_19 = arith.constant 0 : i32
    %dma_start3A_20 = arith.constant 0 : i32
    %dma_start3A_21 = tpu.memref_slice %dma_start3A_18[%dma_start3A_19, %dma_start3A_20] : memref<10240x64xf32, #tpu.memory_space<hbm>> -> memref<10240x64xf32, #tpu.memory_space<hbm>>
    tpu.enqueue_indirect_dma source(%dma_start3A_21 : memref<10240x64xf32, #tpu.memory_space<hbm>>) target(%arg9 : memref<100x64xf32, #tpu.memory_space<vmem>>) offsets(%dma_start3A_14 : memref<100xi32, #tpu.memory_space<vmem>>) semaphore(%arg14 : memref<!tpu.dma_semaphore, #tpu.memory_space<semaphore_mem>>)
    %dma_start3A_22 = arith.constant 2 : i32
    %dma_start3A_23 = arith.constant 0 : i32
    %dma_start3A_24 = tpu.memref_slice %arg6[%dma_start3A_22, %dma_start3A_23] : memref<200x100xi32, #tpu.memory_space<vmem>> -> memref<1x100xi32, #tpu.memory_space<vmem>>
    %dma_start3A_25 = tpu.memref_squeeze %dma_start3A_24 : memref<1x100xi32, #tpu.memory_space<vmem>> -> memref<100xi32, #tpu.memory_space<vmem>>
    %dma_start3A_26 = arith.constant 0 : i32
    %dma_start3A_27 = arith.constant 0 : i32
    %dma_start3A_28 = tpu.memref_slice %arg2[%arg0, %dma_start3A_26, %dma_start3A_27] : memref<2x10240x64xf32, #tpu.memory_space<hbm>> -> memref<1x10240x64xf32, #tpu.memory_space<hbm>>
    %dma_start3A_29 = tpu.memref_squeeze %dma_start3A_28 : memref<1x10240x64xf32, #tpu.memory_space<hbm>> -> memref<10240x64xf32, #tpu.memory_space<hbm>>
    %dma_start3A_30 = arith.constant 0 : i32
    %dma_start3A_31 = arith.constant 0 : i32
    %dma_start3A_32 = tpu.memref_slice %dma_start3A_29[%dma_start3A_30, %dma_start3A_31] : memref<10240x64xf32, #tpu.memory_space<hbm>> -> memref<10240x64xf32, #tpu.memory_space<hbm>>
    tpu.enqueue_indirect_dma source(%dma_start3A_32 : memref<10240x64xf32, #tpu.memory_space<hbm>>) target(%arg10 : memref<100x64xf32, #tpu.memory_space<vmem>>) offsets(%dma_start3A_25 : memref<100xi32, #tpu.memory_space<vmem>>) semaphore(%arg14 : memref<!tpu.dma_semaphore, #tpu.memory_space<semaphore_mem>>)
    %scan3A = arith.constant 0 : i32
    %scan3A_33 = arith.constant 0 : i32
    %scan3A_34 = arith.constant 40 : i32
    %scan3A_35 = arith.addi %scan3A_33, %scan3A_34 : i32
    %scan3A_36 = arith.constant 1 : i32
    scf.for %scan3A_52 = %scan3A_33 to %scan3A_35 step %scan3A_36  : i32 {
      %mul3A_53 = arith.constant 5 : i32
      %mul3A_54 = arith.muli %scan3A_52, %mul3A_53 : i32
      %add3A = arith.constant 0 : i32
      %add3A_55 = arith.addi %mul3A_54, %add3A : i32
      %dma_wait3A_56 = arith.constant 0 : i32
      %dma_wait3A_57 = arith.constant 0 : i32
      %dma_wait3A_58 = tpu.memref_slice %arg6[%dma_wait3A_56, %dma_wait3A_57] : memref<200x100xi32, #tpu.memory_space<vmem>> -> memref<1x100xi32, #tpu.memory_space<vmem>>
      %dma_wait3A_59 = tpu.memref_squeeze %dma_wait3A_58 : memref<1x100xi32, #tpu.memory_space<vmem>> -> memref<100xi32, #tpu.memory_space<vmem>>
      %dma_wait3A_60 = arith.constant 0 : i32
      %dma_wait3A_61 = arith.constant 0 : i32
      %dma_wait3A_62 = tpu.memref_slice %arg2[%arg0, %dma_wait3A_60, %dma_wait3A_61] : memref<2x10240x64xf32, #tpu.memory_space<hbm>> -> memref<1x10240x64xf32, #tpu.memory_space<hbm>>
      %dma_wait3A_63 = tpu.memref_squeeze %dma_wait3A_62 : memref<1x10240x64xf32, #tpu.memory_space<hbm>> -> memref<10240x64xf32, #tpu.memory_space<hbm>>
      %dma_wait3A_64 = arith.constant 0 : i32
      %dma_wait3A_65 = arith.constant 0 : i32
      %dma_wait3A_66 = tpu.memref_slice %dma_wait3A_63[%dma_wait3A_64, %dma_wait3A_65] : memref<10240x64xf32, #tpu.memory_space<hbm>> -> memref<10240x64xf32, #tpu.memory_space<hbm>>
      tpu.wait_indirect_dma semaphore(%arg14 : memref<!tpu.dma_semaphore, #tpu.memory_space<semaphore_mem>>) src(%dma_wait3A_66 : memref<10240x64xf32, #tpu.memory_space<hbm>>) dst(%arg8 : memref<100x64xf32, #tpu.memory_space<vmem>>)
      %dma_start3A_67 = arith.constant 0 : i32
      %dma_start3A_68 = tpu.memref_slice %arg7[%add3A_55, %dma_start3A_67] : memref<200x100xi32, #tpu.memory_space<vmem>> -> memref<1x100xi32, #tpu.memory_space<vmem>>
      %dma_start3A_69 = tpu.memref_squeeze %dma_start3A_68 : memref<1x100xi32, #tpu.memory_space<vmem>> -> memref<100xi32, #tpu.memory_space<vmem>>
      %dma_start3A_70 = arith.constant 0 : i32
      %dma_start3A_71 = arith.constant 0 : i32
      %dma_start3A_72 = tpu.memref_slice %arg13[%dma_start3A_70, %dma_start3A_71] : memref<10240x64xf32, #tpu.memory_space<vmem_shared>> -> memref<10240x64xf32, #tpu.memory_space<vmem_shared>>
      tpu.enqueue_indirect_dma source(%arg8 : memref<100x64xf32, #tpu.memory_space<vmem>>) target(%dma_start3A_72 : memref<10240x64xf32, #tpu.memory_space<vmem_shared>>) offsets(%dma_start3A_69 : memref<100xi32, #tpu.memory_space<vmem>>) semaphore(%arg15 : memref<!tpu.dma_semaphore, #tpu.memory_space<semaphore_mem>>) {add = true}
      %ge3A = arith.constant 2 : i32
      %ge3A_73 = arith.cmpi sge, %add3A_55, %ge3A : i32
      %convert_element_type3A = arith.extui %ge3A_73 : i1 to i32
      %cond3A = arith.constant 0 : i32
      %cond3A_74 = arith.cmpi ne, %convert_element_type3A, %cond3A : i32
      scf.if %cond3A_74 {
        %dma_wait3A_222 = arith.constant 0 : i32
        %dma_wait3A_223 = tpu.memref_slice %arg7[%add3A_55, %dma_wait3A_222] : memref<200x100xi32, #tpu.memory_space<vmem>> -> memref<1x100xi32, #tpu.memory_space<vmem>>
        %dma_wait3A_224 = tpu.memref_squeeze %dma_wait3A_223 : memref<1x100xi32, #tpu.memory_space<vmem>> -> memref<100xi32, #tpu.memory_space<vmem>>
        %dma_wait3A_225 = arith.constant 0 : i32
        %dma_wait3A_226 = arith.constant 0 : i32
        %dma_wait3A_227 = tpu.memref_slice %arg13[%dma_wait3A_225, %dma_wait3A_226] : memref<10240x64xf32, #tpu.memory_space<vmem_shared>> -> memref<10240x64xf32, #tpu.memory_space<vmem_shared>>
        tpu.wait_indirect_dma semaphore(%arg15 : memref<!tpu.dma_semaphore, #tpu.memory_space<semaphore_mem>>) src(%arg8 : memref<100x64xf32, #tpu.memory_space<vmem>>) dst(%dma_wait3A_227 : memref<10240x64xf32, #tpu.memory_space<vmem_shared>>)
      } else {
      }
      %add3A_75 = arith.constant 5 : i32
      %add3A_76 = arith.addi %add3A_55, %add3A_75 : i32
      %sub3A = arith.constant 2 : i32
      %sub3A_77 = arith.subi %add3A_76, %sub3A : i32
      %lt3A = arith.constant 200 : i32
      %lt3A_78 = arith.cmpi slt, %sub3A_77, %lt3A : i32
      %convert_element_type3A_79 = arith.extui %lt3A_78 : i1 to i32
      %cond3A_80 = arith.constant 0 : i32
      %cond3A_81 = arith.cmpi ne, %convert_element_type3A_79, %cond3A_80 : i32
      scf.if %cond3A_81 {
        %add3A_222 = arith.constant 5 : i32
        %add3A_223 = arith.addi %add3A_55, %add3A_222 : i32
        %sub3A_224 = arith.constant 2 : i32
        %sub3A_225 = arith.subi %add3A_223, %sub3A_224 : i32
        %dma_start3A_226 = arith.constant 0 : i32
        %dma_start3A_227 = tpu.memref_slice %arg6[%sub3A_225, %dma_start3A_226] : memref<200x100xi32, #tpu.memory_space<vmem>> -> memref<1x100xi32, #tpu.memory_space<vmem>>
        %dma_start3A_228 = tpu.memref_squeeze %dma_start3A_227 : memref<1x100xi32, #tpu.memory_space<vmem>> -> memref<100xi32, #tpu.memory_space<vmem>>
        %dma_start3A_229 = arith.constant 0 : i32
        %dma_start3A_230 = arith.constant 0 : i32
        %dma_start3A_231 = tpu.memref_slice %arg2[%arg0, %dma_start3A_229, %dma_start3A_230] : memref<2x10240x64xf32, #tpu.memory_space<hbm>> -> memref<1x10240x64xf32, #tpu.memory_space<hbm>>
        %dma_start3A_232 = tpu.memref_squeeze %dma_start3A_231 : memref<1x10240x64xf32, #tpu.memory_space<hbm>> -> memref<10240x64xf32, #tpu.memory_space<hbm>>
        %dma_start3A_233 = arith.constant 0 : i32
        %dma_start3A_234 = arith.constant 0 : i32
        %dma_start3A_235 = tpu.memref_slice %dma_start3A_232[%dma_start3A_233, %dma_start3A_234] : memref<10240x64xf32, #tpu.memory_space<hbm>> -> memref<10240x64xf32, #tpu.memory_space<hbm>>
        tpu.enqueue_indirect_dma source(%dma_start3A_235 : memref<10240x64xf32, #tpu.memory_space<hbm>>) target(%arg11 : memref<100x64xf32, #tpu.memory_space<vmem>>) offsets(%dma_start3A_228 : memref<100xi32, #tpu.memory_space<vmem>>) semaphore(%arg14 : memref<!tpu.dma_semaphore, #tpu.memory_space<semaphore_mem>>)
      } else {
      }
      %mul3A_82 = arith.constant 5 : i32
      %mul3A_83 = arith.muli %scan3A_52, %mul3A_82 : i32
      %add3A_84 = arith.constant 1 : i32
      %add3A_85 = arith.addi %mul3A_83, %add3A_84 : i32
      %dma_wait3A_86 = arith.constant 1 : i32
      %dma_wait3A_87 = arith.constant 0 : i32
      %dma_wait3A_88 = tpu.memref_slice %arg6[%dma_wait3A_86, %dma_wait3A_87] : memref<200x100xi32, #tpu.memory_space<vmem>> -> memref<1x100xi32, #tpu.memory_space<vmem>>
      %dma_wait3A_89 = tpu.memref_squeeze %dma_wait3A_88 : memref<1x100xi32, #tpu.memory_space<vmem>> -> memref<100xi32, #tpu.memory_space<vmem>>
      %dma_wait3A_90 = arith.constant 0 : i32
      %dma_wait3A_91 = arith.constant 0 : i32
      %dma_wait3A_92 = tpu.memref_slice %arg2[%arg0, %dma_wait3A_90, %dma_wait3A_91] : memref<2x10240x64xf32, #tpu.memory_space<hbm>> -> memref<1x10240x64xf32, #tpu.memory_space<hbm>>
      %dma_wait3A_93 = tpu.memref_squeeze %dma_wait3A_92 : memref<1x10240x64xf32, #tpu.memory_space<hbm>> -> memref<10240x64xf32, #tpu.memory_space<hbm>>
      %dma_wait3A_94 = arith.constant 0 : i32
      %dma_wait3A_95 = arith.constant 0 : i32
      %dma_wait3A_96 = tpu.memref_slice %dma_wait3A_93[%dma_wait3A_94, %dma_wait3A_95] : memref<10240x64xf32, #tpu.memory_space<hbm>> -> memref<10240x64xf32, #tpu.memory_space<hbm>>
      tpu.wait_indirect_dma semaphore(%arg14 : memref<!tpu.dma_semaphore, #tpu.memory_space<semaphore_mem>>) src(%dma_wait3A_96 : memref<10240x64xf32, #tpu.memory_space<hbm>>) dst(%arg9 : memref<100x64xf32, #tpu.memory_space<vmem>>)
      %dma_start3A_97 = arith.constant 0 : i32
      %dma_start3A_98 = tpu.memref_slice %arg7[%add3A_85, %dma_start3A_97] : memref<200x100xi32, #tpu.memory_space<vmem>> -> memref<1x100xi32, #tpu.memory_space<vmem>>
      %dma_start3A_99 = tpu.memref_squeeze %dma_start3A_98 : memref<1x100xi32, #tpu.memory_space<vmem>> -> memref<100xi32, #tpu.memory_space<vmem>>
      %dma_start3A_100 = arith.constant 0 : i32
      %dma_start3A_101 = arith.constant 0 : i32
      %dma_start3A_102 = tpu.memref_slice %arg13[%dma_start3A_100, %dma_start3A_101] : memref<10240x64xf32, #tpu.memory_space<vmem_shared>> -> memref<10240x64xf32, #tpu.memory_space<vmem_shared>>
      tpu.enqueue_indirect_dma source(%arg9 : memref<100x64xf32, #tpu.memory_space<vmem>>) target(%dma_start3A_102 : memref<10240x64xf32, #tpu.memory_space<vmem_shared>>) offsets(%dma_start3A_99 : memref<100xi32, #tpu.memory_space<vmem>>) semaphore(%arg15 : memref<!tpu.dma_semaphore, #tpu.memory_space<semaphore_mem>>) {add = true}
      %ge3A_103 = arith.constant 2 : i32
      %ge3A_104 = arith.cmpi sge, %add3A_85, %ge3A_103 : i32
      %convert_element_type3A_105 = arith.extui %ge3A_104 : i1 to i32
      %cond3A_106 = arith.constant 0 : i32
      %cond3A_107 = arith.cmpi ne, %convert_element_type3A_105, %cond3A_106 : i32
      scf.if %cond3A_107 {
        %dma_wait3A_222 = arith.constant 0 : i32
        %dma_wait3A_223 = tpu.memref_slice %arg7[%add3A_85, %dma_wait3A_222] : memref<200x100xi32, #tpu.memory_space<vmem>> -> memref<1x100xi32, #tpu.memory_space<vmem>>
        %dma_wait3A_224 = tpu.memref_squeeze %dma_wait3A_223 : memref<1x100xi32, #tpu.memory_space<vmem>> -> memref<100xi32, #tpu.memory_space<vmem>>
        %dma_wait3A_225 = arith.constant 0 : i32
        %dma_wait3A_226 = arith.constant 0 : i32
        %dma_wait3A_227 = tpu.memref_slice %arg13[%dma_wait3A_225, %dma_wait3A_226] : memref<10240x64xf32, #tpu.memory_space<vmem_shared>> -> memref<10240x64xf32, #tpu.memory_space<vmem_shared>>
        tpu.wait_indirect_dma semaphore(%arg15 : memref<!tpu.dma_semaphore, #tpu.memory_space<semaphore_mem>>) src(%arg9 : memref<100x64xf32, #tpu.memory_space<vmem>>) dst(%dma_wait3A_227 : memref<10240x64xf32, #tpu.memory_space<vmem_shared>>)
      } else {
      }
      %add3A_108 = arith.constant 5 : i32
      %add3A_109 = arith.addi %add3A_85, %add3A_108 : i32
      %sub3A_110 = arith.constant 2 : i32
      %sub3A_111 = arith.subi %add3A_109, %sub3A_110 : i32
      %lt3A_112 = arith.constant 200 : i32
      %lt3A_113 = arith.cmpi slt, %sub3A_111, %lt3A_112 : i32
      %convert_element_type3A_114 = arith.extui %lt3A_113 : i1 to i32
      %cond3A_115 = arith.constant 0 : i32
      %cond3A_116 = arith.cmpi ne, %convert_element_type3A_114, %cond3A_115 : i32
      scf.if %cond3A_116 {
        %add3A_222 = arith.constant 5 : i32
        %add3A_223 = arith.addi %add3A_85, %add3A_222 : i32
        %sub3A_224 = arith.constant 2 : i32
        %sub3A_225 = arith.subi %add3A_223, %sub3A_224 : i32
        %dma_start3A_226 = arith.constant 0 : i32
        %dma_start3A_227 = tpu.memref_slice %arg6[%sub3A_225, %dma_start3A_226] : memref<200x100xi32, #tpu.memory_space<vmem>> -> memref<1x100xi32, #tpu.memory_space<vmem>>
        %dma_start3A_228 = tpu.memref_squeeze %dma_start3A_227 : memref<1x100xi32, #tpu.memory_space<vmem>> -> memref<100xi32, #tpu.memory_space<vmem>>
        %dma_start3A_229 = arith.constant 0 : i32
        %dma_start3A_230 = arith.constant 0 : i32
        %dma_start3A_231 = tpu.memref_slice %arg2[%arg0, %dma_start3A_229, %dma_start3A_230] : memref<2x10240x64xf32, #tpu.memory_space<hbm>> -> memref<1x10240x64xf32, #tpu.memory_space<hbm>>
        %dma_start3A_232 = tpu.memref_squeeze %dma_start3A_231 : memref<1x10240x64xf32, #tpu.memory_space<hbm>> -> memref<10240x64xf32, #tpu.memory_space<hbm>>
        %dma_start3A_233 = arith.constant 0 : i32
        %dma_start3A_234 = arith.constant 0 : i32
        %dma_start3A_235 = tpu.memref_slice %dma_start3A_232[%dma_start3A_233, %dma_start3A_234] : memref<10240x64xf32, #tpu.memory_space<hbm>> -> memref<10240x64xf32, #tpu.memory_space<hbm>>
        tpu.enqueue_indirect_dma source(%dma_start3A_235 : memref<10240x64xf32, #tpu.memory_space<hbm>>) target(%arg12 : memref<100x64xf32, #tpu.memory_space<vmem>>) offsets(%dma_start3A_228 : memref<100xi32, #tpu.memory_space<vmem>>) semaphore(%arg14 : memref<!tpu.dma_semaphore, #tpu.memory_space<semaphore_mem>>)
      } else {
      }
      %mul3A_117 = arith.constant 5 : i32
      %mul3A_118 = arith.muli %scan3A_52, %mul3A_117 : i32
      %add3A_119 = arith.constant 2 : i32
      %add3A_120 = arith.addi %mul3A_118, %add3A_119 : i32
      %dma_wait3A_121 = arith.constant 2 : i32
      %dma_wait3A_122 = arith.constant 0 : i32
      %dma_wait3A_123 = tpu.memref_slice %arg6[%dma_wait3A_121, %dma_wait3A_122] : memref<200x100xi32, #tpu.memory_space<vmem>> -> memref<1x100xi32, #tpu.memory_space<vmem>>
      %dma_wait3A_124 = tpu.memref_squeeze %dma_wait3A_123 : memref<1x100xi32, #tpu.memory_space<vmem>> -> memref<100xi32, #tpu.memory_space<vmem>>
      %dma_wait3A_125 = arith.constant 0 : i32
      %dma_wait3A_126 = arith.constant 0 : i32
      %dma_wait3A_127 = tpu.memref_slice %arg2[%arg0, %dma_wait3A_125, %dma_wait3A_126] : memref<2x10240x64xf32, #tpu.memory_space<hbm>> -> memref<1x10240x64xf32, #tpu.memory_space<hbm>>
      %dma_wait3A_128 = tpu.memref_squeeze %dma_wait3A_127 : memref<1x10240x64xf32, #tpu.memory_space<hbm>> -> memref<10240x64xf32, #tpu.memory_space<hbm>>
      %dma_wait3A_129 = arith.constant 0 : i32
      %dma_wait3A_130 = arith.constant 0 : i32
      %dma_wait3A_131 = tpu.memref_slice %dma_wait3A_128[%dma_wait3A_129, %dma_wait3A_130] : memref<10240x64xf32, #tpu.memory_space<hbm>> -> memref<10240x64xf32, #tpu.memory_space<hbm>>
      tpu.wait_indirect_dma semaphore(%arg14 : memref<!tpu.dma_semaphore, #tpu.memory_space<semaphore_mem>>) src(%dma_wait3A_131 : memref<10240x64xf32, #tpu.memory_space<hbm>>) dst(%arg10 : memref<100x64xf32, #tpu.memory_space<vmem>>)
      %dma_start3A_132 = arith.constant 0 : i32
      %dma_start3A_133 = tpu.memref_slice %arg7[%add3A_120, %dma_start3A_132] : memref<200x100xi32, #tpu.memory_space<vmem>> -> memref<1x100xi32, #tpu.memory_space<vmem>>
      %dma_start3A_134 = tpu.memref_squeeze %dma_start3A_133 : memref<1x100xi32, #tpu.memory_space<vmem>> -> memref<100xi32, #tpu.memory_space<vmem>>
      %dma_start3A_135 = arith.constant 0 : i32
      %dma_start3A_136 = arith.constant 0 : i32
      %dma_start3A_137 = tpu.memref_slice %arg13[%dma_start3A_135, %dma_start3A_136] : memref<10240x64xf32, #tpu.memory_space<vmem_shared>> -> memref<10240x64xf32, #tpu.memory_space<vmem_shared>>
      tpu.enqueue_indirect_dma source(%arg10 : memref<100x64xf32, #tpu.memory_space<vmem>>) target(%dma_start3A_137 : memref<10240x64xf32, #tpu.memory_space<vmem_shared>>) offsets(%dma_start3A_134 : memref<100xi32, #tpu.memory_space<vmem>>) semaphore(%arg15 : memref<!tpu.dma_semaphore, #tpu.memory_space<semaphore_mem>>) {add = true}
      %ge3A_138 = arith.constant 2 : i32
      %ge3A_139 = arith.cmpi sge, %add3A_120, %ge3A_138 : i32
      %convert_element_type3A_140 = arith.extui %ge3A_139 : i1 to i32
      %cond3A_141 = arith.constant 0 : i32
      %cond3A_142 = arith.cmpi ne, %convert_element_type3A_140, %cond3A_141 : i32
      scf.if %cond3A_142 {
        %dma_wait3A_222 = arith.constant 0 : i32
        %dma_wait3A_223 = tpu.memref_slice %arg7[%add3A_120, %dma_wait3A_222] : memref<200x100xi32, #tpu.memory_space<vmem>> -> memref<1x100xi32, #tpu.memory_space<vmem>>
        %dma_wait3A_224 = tpu.memref_squeeze %dma_wait3A_223 : memref<1x100xi32, #tpu.memory_space<vmem>> -> memref<100xi32, #tpu.memory_space<vmem>>
        %dma_wait3A_225 = arith.constant 0 : i32
        %dma_wait3A_226 = arith.constant 0 : i32
        %dma_wait3A_227 = tpu.memref_slice %arg13[%dma_wait3A_225, %dma_wait3A_226] : memref<10240x64xf32, #tpu.memory_space<vmem_shared>> -> memref<10240x64xf32, #tpu.memory_space<vmem_shared>>
        tpu.wait_indirect_dma semaphore(%arg15 : memref<!tpu.dma_semaphore, #tpu.memory_space<semaphore_mem>>) src(%arg10 : memref<100x64xf32, #tpu.memory_space<vmem>>) dst(%dma_wait3A_227 : memref<10240x64xf32, #tpu.memory_space<vmem_shared>>)
      } else {
      }
      %add3A_143 = arith.constant 5 : i32
      %add3A_144 = arith.addi %add3A_120, %add3A_143 : i32
      %sub3A_145 = arith.constant 2 : i32
      %sub3A_146 = arith.subi %add3A_144, %sub3A_145 : i32
      %lt3A_147 = arith.constant 200 : i32
      %lt3A_148 = arith.cmpi slt, %sub3A_146, %lt3A_147 : i32
      %convert_element_type3A_149 = arith.extui %lt3A_148 : i1 to i32
      %cond3A_150 = arith.constant 0 : i32
      %cond3A_151 = arith.cmpi ne, %convert_element_type3A_149, %cond3A_150 : i32
      scf.if %cond3A_151 {
        %add3A_222 = arith.constant 5 : i32
        %add3A_223 = arith.addi %add3A_120, %add3A_222 : i32
        %sub3A_224 = arith.constant 2 : i32
        %sub3A_225 = arith.subi %add3A_223, %sub3A_224 : i32
        %dma_start3A_226 = arith.constant 0 : i32
        %dma_start3A_227 = tpu.memref_slice %arg6[%sub3A_225, %dma_start3A_226] : memref<200x100xi32, #tpu.memory_space<vmem>> -> memref<1x100xi32, #tpu.memory_space<vmem>>
        %dma_start3A_228 = tpu.memref_squeeze %dma_start3A_227 : memref<1x100xi32, #tpu.memory_space<vmem>> -> memref<100xi32, #tpu.memory_space<vmem>>
        %dma_start3A_229 = arith.constant 0 : i32
        %dma_start3A_230 = arith.constant 0 : i32
        %dma_start3A_231 = tpu.memref_slice %arg2[%arg0, %dma_start3A_229, %dma_start3A_230] : memref<2x10240x64xf32, #tpu.memory_space<hbm>> -> memref<1x10240x64xf32, #tpu.memory_space<hbm>>
        %dma_start3A_232 = tpu.memref_squeeze %dma_start3A_231 : memref<1x10240x64xf32, #tpu.memory_space<hbm>> -> memref<10240x64xf32, #tpu.memory_space<hbm>>
        %dma_start3A_233 = arith.constant 0 : i32
        %dma_start3A_234 = arith.constant 0 : i32
        %dma_start3A_235 = tpu.memref_slice %dma_start3A_232[%dma_start3A_233, %dma_start3A_234] : memref<10240x64xf32, #tpu.memory_space<hbm>> -> memref<10240x64xf32, #tpu.memory_space<hbm>>
        tpu.enqueue_indirect_dma source(%dma_start3A_235 : memref<10240x64xf32, #tpu.memory_space<hbm>>) target(%arg8 : memref<100x64xf32, #tpu.memory_space<vmem>>) offsets(%dma_start3A_228 : memref<100xi32, #tpu.memory_space<vmem>>) semaphore(%arg14 : memref<!tpu.dma_semaphore, #tpu.memory_space<semaphore_mem>>)
      } else {
      }
      %mul3A_152 = arith.constant 5 : i32
      %mul3A_153 = arith.muli %scan3A_52, %mul3A_152 : i32
      %add3A_154 = arith.constant 3 : i32
      %add3A_155 = arith.addi %mul3A_153, %add3A_154 : i32
      %dma_wait3A_156 = arith.constant 3 : i32
      %dma_wait3A_157 = arith.constant 0 : i32
      %dma_wait3A_158 = tpu.memref_slice %arg6[%dma_wait3A_156, %dma_wait3A_157] : memref<200x100xi32, #tpu.memory_space<vmem>> -> memref<1x100xi32, #tpu.memory_space<vmem>>
      %dma_wait3A_159 = tpu.memref_squeeze %dma_wait3A_158 : memref<1x100xi32, #tpu.memory_space<vmem>> -> memref<100xi32, #tpu.memory_space<vmem>>
      %dma_wait3A_160 = arith.constant 0 : i32
      %dma_wait3A_161 = arith.constant 0 : i32
      %dma_wait3A_162 = tpu.memref_slice %arg2[%arg0, %dma_wait3A_160, %dma_wait3A_161] : memref<2x10240x64xf32, #tpu.memory_space<hbm>> -> memref<1x10240x64xf32, #tpu.memory_space<hbm>>
      %dma_wait3A_163 = tpu.memref_squeeze %dma_wait3A_162 : memref<1x10240x64xf32, #tpu.memory_space<hbm>> -> memref<10240x64xf32, #tpu.memory_space<hbm>>
      %dma_wait3A_164 = arith.constant 0 : i32
      %dma_wait3A_165 = arith.constant 0 : i32
      %dma_wait3A_166 = tpu.memref_slice %dma_wait3A_163[%dma_wait3A_164, %dma_wait3A_165] : memref<10240x64xf32, #tpu.memory_space<hbm>> -> memref<10240x64xf32, #tpu.memory_space<hbm>>
      tpu.wait_indirect_dma semaphore(%arg14 : memref<!tpu.dma_semaphore, #tpu.memory_space<semaphore_mem>>) src(%dma_wait3A_166 : memref<10240x64xf32, #tpu.memory_space<hbm>>) dst(%arg11 : memref<100x64xf32, #tpu.memory_space<vmem>>)
      %dma_start3A_167 = arith.constant 0 : i32
      %dma_start3A_168 = tpu.memref_slice %arg7[%add3A_155, %dma_start3A_167] : memref<200x100xi32, #tpu.memory_space<vmem>> -> memref<1x100xi32, #tpu.memory_space<vmem>>
      %dma_start3A_169 = tpu.memref_squeeze %dma_start3A_168 : memref<1x100xi32, #tpu.memory_space<vmem>> -> memref<100xi32, #tpu.memory_space<vmem>>
      %dma_start3A_170 = arith.constant 0 : i32
      %dma_start3A_171 = arith.constant 0 : i32
      %dma_start3A_172 = tpu.memref_slice %arg13[%dma_start3A_170, %dma_start3A_171] : memref<10240x64xf32, #tpu.memory_space<vmem_shared>> -> memref<10240x64xf32, #tpu.memory_space<vmem_shared>>
      tpu.enqueue_indirect_dma source(%arg11 : memref<100x64xf32, #tpu.memory_space<vmem>>) target(%dma_start3A_172 : memref<10240x64xf32, #tpu.memory_space<vmem_shared>>) offsets(%dma_start3A_169 : memref<100xi32, #tpu.memory_space<vmem>>) semaphore(%arg15 : memref<!tpu.dma_semaphore, #tpu.memory_space<semaphore_mem>>) {add = true}
      %ge3A_173 = arith.constant 2 : i32
      %ge3A_174 = arith.cmpi sge, %add3A_155, %ge3A_173 : i32
      %convert_element_type3A_175 = arith.extui %ge3A_174 : i1 to i32
      %cond3A_176 = arith.constant 0 : i32
      %cond3A_177 = arith.cmpi ne, %convert_element_type3A_175, %cond3A_176 : i32
      scf.if %cond3A_177 {
        %dma_wait3A_222 = arith.constant 0 : i32
        %dma_wait3A_223 = tpu.memref_slice %arg7[%add3A_155, %dma_wait3A_222] : memref<200x100xi32, #tpu.memory_space<vmem>> -> memref<1x100xi32, #tpu.memory_space<vmem>>
        %dma_wait3A_224 = tpu.memref_squeeze %dma_wait3A_223 : memref<1x100xi32, #tpu.memory_space<vmem>> -> memref<100xi32, #tpu.memory_space<vmem>>
        %dma_wait3A_225 = arith.constant 0 : i32
        %dma_wait3A_226 = arith.constant 0 : i32
        %dma_wait3A_227 = tpu.memref_slice %arg13[%dma_wait3A_225, %dma_wait3A_226] : memref<10240x64xf32, #tpu.memory_space<vmem_shared>> -> memref<10240x64xf32, #tpu.memory_space<vmem_shared>>
        tpu.wait_indirect_dma semaphore(%arg15 : memref<!tpu.dma_semaphore, #tpu.memory_space<semaphore_mem>>) src(%arg11 : memref<100x64xf32, #tpu.memory_space<vmem>>) dst(%dma_wait3A_227 : memref<10240x64xf32, #tpu.memory_space<vmem_shared>>)
      } else {
      }
      %add3A_178 = arith.constant 5 : i32
      %add3A_179 = arith.addi %add3A_155, %add3A_178 : i32
      %sub3A_180 = arith.constant 2 : i32
      %sub3A_181 = arith.subi %add3A_179, %sub3A_180 : i32
      %lt3A_182 = arith.constant 200 : i32
      %lt3A_183 = arith.cmpi slt, %sub3A_181, %lt3A_182 : i32
      %convert_element_type3A_184 = arith.extui %lt3A_183 : i1 to i32
      %cond3A_185 = arith.constant 0 : i32
      %cond3A_186 = arith.cmpi ne, %convert_element_type3A_184, %cond3A_185 : i32
      scf.if %cond3A_186 {
        %add3A_222 = arith.constant 5 : i32
        %add3A_223 = arith.addi %add3A_155, %add3A_222 : i32
        %sub3A_224 = arith.constant 2 : i32
        %sub3A_225 = arith.subi %add3A_223, %sub3A_224 : i32
        %dma_start3A_226 = arith.constant 0 : i32
        %dma_start3A_227 = tpu.memref_slice %arg6[%sub3A_225, %dma_start3A_226] : memref<200x100xi32, #tpu.memory_space<vmem>> -> memref<1x100xi32, #tpu.memory_space<vmem>>
        %dma_start3A_228 = tpu.memref_squeeze %dma_start3A_227 : memref<1x100xi32, #tpu.memory_space<vmem>> -> memref<100xi32, #tpu.memory_space<vmem>>
        %dma_start3A_229 = arith.constant 0 : i32
        %dma_start3A_230 = arith.constant 0 : i32
        %dma_start3A_231 = tpu.memref_slice %arg2[%arg0, %dma_start3A_229, %dma_start3A_230] : memref<2x10240x64xf32, #tpu.memory_space<hbm>> -> memref<1x10240x64xf32, #tpu.memory_space<hbm>>
        %dma_start3A_232 = tpu.memref_squeeze %dma_start3A_231 : memref<1x10240x64xf32, #tpu.memory_space<hbm>> -> memref<10240x64xf32, #tpu.memory_space<hbm>>
        %dma_start3A_233 = arith.constant 0 : i32
        %dma_start3A_234 = arith.constant 0 : i32
        %dma_start3A_235 = tpu.memref_slice %dma_start3A_232[%dma_start3A_233, %dma_start3A_234] : memref<10240x64xf32, #tpu.memory_space<hbm>> -> memref<10240x64xf32, #tpu.memory_space<hbm>>
        tpu.enqueue_indirect_dma source(%dma_start3A_235 : memref<10240x64xf32, #tpu.memory_space<hbm>>) target(%arg9 : memref<100x64xf32, #tpu.memory_space<vmem>>) offsets(%dma_start3A_228 : memref<100xi32, #tpu.memory_space<vmem>>) semaphore(%arg14 : memref<!tpu.dma_semaphore, #tpu.memory_space<semaphore_mem>>)
      } else {
      }
      %mul3A_187 = arith.constant 5 : i32
      %mul3A_188 = arith.muli %scan3A_52, %mul3A_187 : i32
      %add3A_189 = arith.constant 4 : i32
      %add3A_190 = arith.addi %mul3A_188, %add3A_189 : i32
      %dma_wait3A_191 = arith.constant 4 : i32
      %dma_wait3A_192 = arith.constant 0 : i32
      %dma_wait3A_193 = tpu.memref_slice %arg6[%dma_wait3A_191, %dma_wait3A_192] : memref<200x100xi32, #tpu.memory_space<vmem>> -> memref<1x100xi32, #tpu.memory_space<vmem>>
      %dma_wait3A_194 = tpu.memref_squeeze %dma_wait3A_193 : memref<1x100xi32, #tpu.memory_space<vmem>> -> memref<100xi32, #tpu.memory_space<vmem>>
      %dma_wait3A_195 = arith.constant 0 : i32
      %dma_wait3A_196 = arith.constant 0 : i32
      %dma_wait3A_197 = tpu.memref_slice %arg2[%arg0, %dma_wait3A_195, %dma_wait3A_196] : memref<2x10240x64xf32, #tpu.memory_space<hbm>> -> memref<1x10240x64xf32, #tpu.memory_space<hbm>>
      %dma_wait3A_198 = tpu.memref_squeeze %dma_wait3A_197 : memref<1x10240x64xf32, #tpu.memory_space<hbm>> -> memref<10240x64xf32, #tpu.memory_space<hbm>>
      %dma_wait3A_199 = arith.constant 0 : i32
      %dma_wait3A_200 = arith.constant 0 : i32
      %dma_wait3A_201 = tpu.memref_slice %dma_wait3A_198[%dma_wait3A_199, %dma_wait3A_200] : memref<10240x64xf32, #tpu.memory_space<hbm>> -> memref<10240x64xf32, #tpu.memory_space<hbm>>
      tpu.wait_indirect_dma semaphore(%arg14 : memref<!tpu.dma_semaphore, #tpu.memory_space<semaphore_mem>>) src(%dma_wait3A_201 : memref<10240x64xf32, #tpu.memory_space<hbm>>) dst(%arg12 : memref<100x64xf32, #tpu.memory_space<vmem>>)
      %dma_start3A_202 = arith.constant 0 : i32
      %dma_start3A_203 = tpu.memref_slice %arg7[%add3A_190, %dma_start3A_202] : memref<200x100xi32, #tpu.memory_space<vmem>> -> memref<1x100xi32, #tpu.memory_space<vmem>>
      %dma_start3A_204 = tpu.memref_squeeze %dma_start3A_203 : memref<1x100xi32, #tpu.memory_space<vmem>> -> memref<100xi32, #tpu.memory_space<vmem>>
      %dma_start3A_205 = arith.constant 0 : i32
      %dma_start3A_206 = arith.constant 0 : i32
      %dma_start3A_207 = tpu.memref_slice %arg13[%dma_start3A_205, %dma_start3A_206] : memref<10240x64xf32, #tpu.memory_space<vmem_shared>> -> memref<10240x64xf32, #tpu.memory_space<vmem_shared>>
      tpu.enqueue_indirect_dma source(%arg12 : memref<100x64xf32, #tpu.memory_space<vmem>>) target(%dma_start3A_207 : memref<10240x64xf32, #tpu.memory_space<vmem_shared>>) offsets(%dma_start3A_204 : memref<100xi32, #tpu.memory_space<vmem>>) semaphore(%arg15 : memref<!tpu.dma_semaphore, #tpu.memory_space<semaphore_mem>>) {add = true}
      %ge3A_208 = arith.constant 2 : i32
      %ge3A_209 = arith.cmpi sge, %add3A_190, %ge3A_208 : i32
      %convert_element_type3A_210 = arith.extui %ge3A_209 : i1 to i32
      %cond3A_211 = arith.constant 0 : i32
      %cond3A_212 = arith.cmpi ne, %convert_element_type3A_210, %cond3A_211 : i32
      scf.if %cond3A_212 {
        %dma_wait3A_222 = arith.constant 0 : i32
        %dma_wait3A_223 = tpu.memref_slice %arg7[%add3A_190, %dma_wait3A_222] : memref<200x100xi32, #tpu.memory_space<vmem>> -> memref<1x100xi32, #tpu.memory_space<vmem>>
        %dma_wait3A_224 = tpu.memref_squeeze %dma_wait3A_223 : memref<1x100xi32, #tpu.memory_space<vmem>> -> memref<100xi32, #tpu.memory_space<vmem>>
        %dma_wait3A_225 = arith.constant 0 : i32
        %dma_wait3A_226 = arith.constant 0 : i32
        %dma_wait3A_227 = tpu.memref_slice %arg13[%dma_wait3A_225, %dma_wait3A_226] : memref<10240x64xf32, #tpu.memory_space<vmem_shared>> -> memref<10240x64xf32, #tpu.memory_space<vmem_shared>>
        tpu.wait_indirect_dma semaphore(%arg15 : memref<!tpu.dma_semaphore, #tpu.memory_space<semaphore_mem>>) src(%arg12 : memref<100x64xf32, #tpu.memory_space<vmem>>) dst(%dma_wait3A_227 : memref<10240x64xf32, #tpu.memory_space<vmem_shared>>)
      } else {
      }
      %add3A_213 = arith.constant 5 : i32
      %add3A_214 = arith.addi %add3A_190, %add3A_213 : i32
      %sub3A_215 = arith.constant 2 : i32
      %sub3A_216 = arith.subi %add3A_214, %sub3A_215 : i32
      %lt3A_217 = arith.constant 200 : i32
      %lt3A_218 = arith.cmpi slt, %sub3A_216, %lt3A_217 : i32
      %convert_element_type3A_219 = arith.extui %lt3A_218 : i1 to i32
      %cond3A_220 = arith.constant 0 : i32
      %cond3A_221 = arith.cmpi ne, %convert_element_type3A_219, %cond3A_220 : i32
      scf.if %cond3A_221 {
        %add3A_222 = arith.constant 5 : i32
        %add3A_223 = arith.addi %add3A_190, %add3A_222 : i32
        %sub3A_224 = arith.constant 2 : i32
        %sub3A_225 = arith.subi %add3A_223, %sub3A_224 : i32
        %dma_start3A_226 = arith.constant 0 : i32
        %dma_start3A_227 = tpu.memref_slice %arg6[%sub3A_225, %dma_start3A_226] : memref<200x100xi32, #tpu.memory_space<vmem>> -> memref<1x100xi32, #tpu.memory_space<vmem>>
        %dma_start3A_228 = tpu.memref_squeeze %dma_start3A_227 : memref<1x100xi32, #tpu.memory_space<vmem>> -> memref<100xi32, #tpu.memory_space<vmem>>
        %dma_start3A_229 = arith.constant 0 : i32
        %dma_start3A_230 = arith.constant 0 : i32
        %dma_start3A_231 = tpu.memref_slice %arg2[%arg0, %dma_start3A_229, %dma_start3A_230] : memref<2x10240x64xf32, #tpu.memory_space<hbm>> -> memref<1x10240x64xf32, #tpu.memory_space<hbm>>
        %dma_start3A_232 = tpu.memref_squeeze %dma_start3A_231 : memref<1x10240x64xf32, #tpu.memory_space<hbm>> -> memref<10240x64xf32, #tpu.memory_space<hbm>>
        %dma_start3A_233 = arith.constant 0 : i32
        %dma_start3A_234 = arith.constant 0 : i32
        %dma_start3A_235 = tpu.memref_slice %dma_start3A_232[%dma_start3A_233, %dma_start3A_234] : memref<10240x64xf32, #tpu.memory_space<hbm>> -> memref<10240x64xf32, #tpu.memory_space<hbm>>
        tpu.enqueue_indirect_dma source(%dma_start3A_235 : memref<10240x64xf32, #tpu.memory_space<hbm>>) target(%arg10 : memref<100x64xf32, #tpu.memory_space<vmem>>) offsets(%dma_start3A_228 : memref<100xi32, #tpu.memory_space<vmem>>) semaphore(%arg14 : memref<!tpu.dma_semaphore, #tpu.memory_space<semaphore_mem>>)
      } else {
      }
    }
    %scan3A_37 = arith.constant 40 : i32
    %dma_wait3A = arith.constant 0 : i32
    %dma_wait3A_38 = arith.constant 0 : i32
    %dma_wait3A_39 = tpu.memref_slice %arg7[%dma_wait3A, %dma_wait3A_38] : memref<200x100xi32, #tpu.memory_space<vmem>> -> memref<1x100xi32, #tpu.memory_space<vmem>>
    %dma_wait3A_40 = tpu.memref_squeeze %dma_wait3A_39 : memref<1x100xi32, #tpu.memory_space<vmem>> -> memref<100xi32, #tpu.memory_space<vmem>>
    %dma_wait3A_41 = arith.constant 0 : i32
    %dma_wait3A_42 = arith.constant 0 : i32
    %dma_wait3A_43 = tpu.memref_slice %arg13[%dma_wait3A_41, %dma_wait3A_42] : memref<10240x64xf32, #tpu.memory_space<vmem_shared>> -> memref<10240x64xf32, #tpu.memory_space<vmem_shared>>
    tpu.wait_indirect_dma semaphore(%arg15 : memref<!tpu.dma_semaphore, #tpu.memory_space<semaphore_mem>>) src(%arg8 : memref<100x64xf32, #tpu.memory_space<vmem>>) dst(%dma_wait3A_43 : memref<10240x64xf32, #tpu.memory_space<vmem_shared>>)
    %dma_wait3A_44 = arith.constant 0 : i32
    %dma_wait3A_45 = arith.constant 0 : i32
    %dma_wait3A_46 = tpu.memref_slice %arg7[%dma_wait3A_44, %dma_wait3A_45] : memref<200x100xi32, #tpu.memory_space<vmem>> -> memref<1x100xi32, #tpu.memory_space<vmem>>
    %dma_wait3A_47 = tpu.memref_squeeze %dma_wait3A_46 : memref<1x100xi32, #tpu.memory_space<vmem>> -> memref<100xi32, #tpu.memory_space<vmem>>
    %dma_wait3A_48 = arith.constant 0 : i32
    %dma_wait3A_49 = arith.constant 0 : i32
    %dma_wait3A_50 = tpu.memref_slice %arg13[%dma_wait3A_48, %dma_wait3A_49] : memref<10240x64xf32, #tpu.memory_space<vmem_shared>> -> memref<10240x64xf32, #tpu.memory_space<vmem_shared>>
    tpu.wait_indirect_dma semaphore(%arg15 : memref<!tpu.dma_semaphore, #tpu.memory_space<semaphore_mem>>) src(%arg8 : memref<100x64xf32, #tpu.memory_space<vmem>>) dst(%dma_wait3A_50 : memref<10240x64xf32, #tpu.memory_space<vmem_shared>>)
    %barrier3A_51 = arith.constant 0 : index
    tpu.barrier barrier_id(%barrier3A_51)
    "tpu.region"() ({
      %run_scoped3A = tpu.sem_alloc : memref<!tpu.dma_semaphore, #tpu.memory_space<semaphore_mem>>
      %dma_start3A_52 = arith.constant 0 : i32
      %dma_start3A_53 = tpu.memref_slice %arg5[%arg0, %mul3A_0, %dma_start3A_52] : memref<2x10240x64xf32, #tpu.memory_space<hbm>> -> memref<1x640x64xf32, #tpu.memory_space<hbm>>
      %dma_start3A_54 = tpu.memref_squeeze %dma_start3A_53 : memref<1x640x64xf32, #tpu.memory_space<hbm>> -> memref<640x64xf32, #tpu.memory_space<hbm>>
      %dma_start3A_55 = arith.constant 0 : i32
      %dma_start3A_56 = tpu.memref_slice %arg13[%mul3A_0, %dma_start3A_55] : memref<10240x64xf32, #tpu.memory_space<vmem_shared>> -> memref<640x64xf32, #tpu.memory_space<vmem_shared>>
      tpu.enqueue_dma source(%dma_start3A_56 : memref<640x64xf32, #tpu.memory_space<vmem_shared>>) target(%dma_start3A_54 : memref<640x64xf32, #tpu.memory_space<hbm>>) target_semaphore(%run_scoped3A : memref<!tpu.dma_semaphore, #tpu.memory_space<semaphore_mem>>)
      %dma_wait3A_57 = arith.constant 0 : i32
      %dma_wait3A_58 = tpu.memref_slice %arg5[%arg0, %mul3A_0, %dma_wait3A_57] : memref<2x10240x64xf32, #tpu.memory_space<hbm>> -> memref<1x640x64xf32, #tpu.memory_space<hbm>>
      %dma_wait3A_59 = tpu.memref_squeeze %dma_wait3A_58 : memref<1x640x64xf32, #tpu.memory_space<hbm>> -> memref<640x64xf32, #tpu.memory_space<hbm>>
      %dma_wait3A_60 = arith.constant 0 : i32
      %dma_wait3A_61 = tpu.memref_slice %arg13[%mul3A_0, %dma_wait3A_60] : memref<10240x64xf32, #tpu.memory_space<vmem_shared>> -> memref<640x64xf32, #tpu.memory_space<vmem_shared>>
      tpu.wait_dma2 semaphore(%run_scoped3A : memref<!tpu.dma_semaphore, #tpu.memory_space<semaphore_mem>>) src(%dma_wait3A_61 : memref<640x64xf32, #tpu.memory_space<vmem_shared>>) dst(%dma_wait3A_59 : memref<640x64xf32, #tpu.memory_space<hbm>>)
      tpu.yield
    }) : () -> ()
    return
  }
}

#map = affine_map<(d0, d1) -> (0, 0, 0)>
module attributes {stable_mosaic.version = 14 : i64} {
  func.func @_agg_body(%arg0: i32, %arg1: i32, %arg2: memref<2x10240x64xf32, #tpu.memory_space<hbm>>, %arg3: memref<16x200x100xi32, #tpu.memory_space<hbm>>, %arg4: memref<16x200x100xi32, #tpu.memory_space<hbm>>, %arg5: memref<2x10240x64xf32, #tpu.memory_space<hbm>>, %arg6: memref<200x100xi32, #tpu.memory_space<vmem>>, %arg7: memref<200x100xi32, #tpu.memory_space<vmem>>, %arg8: memref<100x64xf32, #tpu.memory_space<vmem>>, %arg9: memref<100x64xf32, #tpu.memory_space<vmem>>, %arg10: memref<100x64xf32, #tpu.memory_space<vmem>>, %arg11: memref<100x64xf32, #tpu.memory_space<vmem>>, %arg12: memref<100x64xf32, #tpu.memory_space<vmem>>, %arg13: memref<10240x64xf32, #tpu.memory_space<vmem_shared>>, %arg14: memref<!tpu.dma_semaphore, #tpu.memory_space<semaphore_mem>>, %arg15: memref<!tpu.dma_semaphore, #tpu.memory_space<semaphore_mem>>) attributes {dimension_semantics = [#tpu.dimension_semantics<core_parallel>, #tpu.dimension_semantics<subcore_parallel>], iteration_bounds = array<i64: 2, 16>, scalar_prefetch = 0 : i64, scratch_operands = 10 : i64, tpu.core_type = #tpu.core_type<sc_vector_subcore>, window_params = [{transform_indices = #map}, {transform_indices = #map}, {transform_indices = #map}, {transform_indices = #map}]} {
    %mul3A = arith.constant 640 : i32
    %mul3A_0 = arith.muli %arg1, %mul3A : i32
    "tpu.region"() ({
      %run_scoped3A = tpu.sem_alloc : memref<!tpu.dma_semaphore, #tpu.memory_space<semaphore_mem>>
      %dma_start3A_52 = arith.constant 0 : i32
      %dma_start3A_53 = tpu.memref_slice %arg13[%mul3A_0, %dma_start3A_52] : memref<10240x64xf32, #tpu.memory_space<vmem_shared>> -> memref<640x64xf32, #tpu.memory_space<vmem_shared>>
      %dma_start3A_54 = arith.constant 0 : i32
      %dma_start3A_55 = arith.constant 0 : i32
      %dma_start3A_56 = tpu.memref_slice %arg2[%arg0, %dma_start3A_54, %dma_start3A_55] : memref<2x10240x64xf32, #tpu.memory_space<hbm>> -> memref<1x10240x64xf32, #tpu.memory_space<hbm>>
      %dma_start3A_57 = tpu.memref_squeeze %dma_start3A_56 : memref<1x10240x64xf32, #tpu.memory_space<hbm>> -> memref<10240x64xf32, #tpu.memory_space<hbm>>
      %dma_start3A_58 = arith.constant 0 : i32
      %dma_start3A_59 = tpu.memref_slice %dma_start3A_57[%mul3A_0, %dma_start3A_58] : memref<10240x64xf32, #tpu.memory_space<hbm>> -> memref<640x64xf32, #tpu.memory_space<hbm>>
      tpu.enqueue_dma source(%dma_start3A_59 : memref<640x64xf32, #tpu.memory_space<hbm>>) target(%dma_start3A_53 : memref<640x64xf32, #tpu.memory_space<vmem_shared>>) target_semaphore(%run_scoped3A : memref<!tpu.dma_semaphore, #tpu.memory_space<semaphore_mem>>)
      %dma_wait3A_60 = arith.constant 0 : i32
      %dma_wait3A_61 = tpu.memref_slice %arg13[%mul3A_0, %dma_wait3A_60] : memref<10240x64xf32, #tpu.memory_space<vmem_shared>> -> memref<640x64xf32, #tpu.memory_space<vmem_shared>>
      %dma_wait3A_62 = arith.constant 0 : i32
      %dma_wait3A_63 = arith.constant 0 : i32
      %dma_wait3A_64 = tpu.memref_slice %arg2[%arg0, %dma_wait3A_62, %dma_wait3A_63] : memref<2x10240x64xf32, #tpu.memory_space<hbm>> -> memref<1x10240x64xf32, #tpu.memory_space<hbm>>
      %dma_wait3A_65 = tpu.memref_squeeze %dma_wait3A_64 : memref<1x10240x64xf32, #tpu.memory_space<hbm>> -> memref<10240x64xf32, #tpu.memory_space<hbm>>
      %dma_wait3A_66 = arith.constant 0 : i32
      %dma_wait3A_67 = tpu.memref_slice %dma_wait3A_65[%mul3A_0, %dma_wait3A_66] : memref<10240x64xf32, #tpu.memory_space<hbm>> -> memref<640x64xf32, #tpu.memory_space<hbm>>
      tpu.wait_dma2 semaphore(%run_scoped3A : memref<!tpu.dma_semaphore, #tpu.memory_space<semaphore_mem>>) src(%dma_wait3A_67 : memref<640x64xf32, #tpu.memory_space<hbm>>) dst(%dma_wait3A_61 : memref<640x64xf32, #tpu.memory_space<vmem_shared>>)
      tpu.yield
    }) : () -> ()
    "tpu.region"() ({
      %run_scoped3A = tpu.sem_alloc : memref<!tpu.dma_semaphore, #tpu.memory_space<semaphore_mem>>
      %dma_start3A_52 = arith.constant 0 : i32
      %dma_start3A_53 = arith.constant 0 : i32
      %dma_start3A_54 = tpu.memref_slice %arg3[%arg1, %dma_start3A_52, %dma_start3A_53] : memref<16x200x100xi32, #tpu.memory_space<hbm>> -> memref<1x200x100xi32, #tpu.memory_space<hbm>>
      %dma_start3A_55 = tpu.memref_squeeze %dma_start3A_54 : memref<1x200x100xi32, #tpu.memory_space<hbm>> -> memref<200x100xi32, #tpu.memory_space<hbm>>
      %dma_start3A_56 = arith.constant 0 : i32
      %dma_start3A_57 = arith.constant 0 : i32
      %dma_start3A_58 = tpu.memref_slice %arg3[%arg1, %dma_start3A_56, %dma_start3A_57] : memref<16x200x100xi32, #tpu.memory_space<hbm>> -> memref<1x200x100xi32, #tpu.memory_space<hbm>>
      %dma_start3A_59 = tpu.memref_squeeze %dma_start3A_58 : memref<1x200x100xi32, #tpu.memory_space<hbm>> -> memref<200x100xi32, #tpu.memory_space<hbm>>
      tpu.enqueue_dma source(%dma_start3A_59 : memref<200x100xi32, #tpu.memory_space<hbm>>) target(%arg6 : memref<200x100xi32, #tpu.memory_space<vmem>>) target_semaphore(%run_scoped3A : memref<!tpu.dma_semaphore, #tpu.memory_space<semaphore_mem>>)
      %dma_wait3A_60 = arith.constant 0 : i32
      %dma_wait3A_61 = arith.constant 0 : i32
      %dma_wait3A_62 = tpu.memref_slice %arg3[%arg1, %dma_wait3A_60, %dma_wait3A_61] : memref<16x200x100xi32, #tpu.memory_space<hbm>> -> memref<1x200x100xi32, #tpu.memory_space<hbm>>
      %dma_wait3A_63 = tpu.memref_squeeze %dma_wait3A_62 : memref<1x200x100xi32, #tpu.memory_space<hbm>> -> memref<200x100xi32, #tpu.memory_space<hbm>>
      %dma_wait3A_64 = arith.constant 0 : i32
      %dma_wait3A_65 = arith.constant 0 : i32
      %dma_wait3A_66 = tpu.memref_slice %arg3[%arg1, %dma_wait3A_64, %dma_wait3A_65] : memref<16x200x100xi32, #tpu.memory_space<hbm>> -> memref<1x200x100xi32, #tpu.memory_space<hbm>>
      %dma_wait3A_67 = tpu.memref_squeeze %dma_wait3A_66 : memref<1x200x100xi32, #tpu.memory_space<hbm>> -> memref<200x100xi32, #tpu.memory_space<hbm>>
      tpu.wait_dma2 semaphore(%run_scoped3A : memref<!tpu.dma_semaphore, #tpu.memory_space<semaphore_mem>>) src(%dma_wait3A_67 : memref<200x100xi32, #tpu.memory_space<hbm>>) dst(%arg6 : memref<200x100xi32, #tpu.memory_space<vmem>>)
      tpu.yield
    }) : () -> ()
    "tpu.region"() ({
      %run_scoped3A = tpu.sem_alloc : memref<!tpu.dma_semaphore, #tpu.memory_space<semaphore_mem>>
      %dma_start3A_52 = arith.constant 0 : i32
      %dma_start3A_53 = arith.constant 0 : i32
      %dma_start3A_54 = tpu.memref_slice %arg4[%arg1, %dma_start3A_52, %dma_start3A_53] : memref<16x200x100xi32, #tpu.memory_space<hbm>> -> memref<1x200x100xi32, #tpu.memory_space<hbm>>
      %dma_start3A_55 = tpu.memref_squeeze %dma_start3A_54 : memref<1x200x100xi32, #tpu.memory_space<hbm>> -> memref<200x100xi32, #tpu.memory_space<hbm>>
      %dma_start3A_56 = arith.constant 0 : i32
      %dma_start3A_57 = arith.constant 0 : i32
      %dma_start3A_58 = tpu.memref_slice %arg4[%arg1, %dma_start3A_56, %dma_start3A_57] : memref<16x200x100xi32, #tpu.memory_space<hbm>> -> memref<1x200x100xi32, #tpu.memory_space<hbm>>
      %dma_start3A_59 = tpu.memref_squeeze %dma_start3A_58 : memref<1x200x100xi32, #tpu.memory_space<hbm>> -> memref<200x100xi32, #tpu.memory_space<hbm>>
      tpu.enqueue_dma source(%dma_start3A_59 : memref<200x100xi32, #tpu.memory_space<hbm>>) target(%arg7 : memref<200x100xi32, #tpu.memory_space<vmem>>) target_semaphore(%run_scoped3A : memref<!tpu.dma_semaphore, #tpu.memory_space<semaphore_mem>>)
      %dma_wait3A_60 = arith.constant 0 : i32
      %dma_wait3A_61 = arith.constant 0 : i32
      %dma_wait3A_62 = tpu.memref_slice %arg4[%arg1, %dma_wait3A_60, %dma_wait3A_61] : memref<16x200x100xi32, #tpu.memory_space<hbm>> -> memref<1x200x100xi32, #tpu.memory_space<hbm>>
      %dma_wait3A_63 = tpu.memref_squeeze %dma_wait3A_62 : memref<1x200x100xi32, #tpu.memory_space<hbm>> -> memref<200x100xi32, #tpu.memory_space<hbm>>
      %dma_wait3A_64 = arith.constant 0 : i32
      %dma_wait3A_65 = arith.constant 0 : i32
      %dma_wait3A_66 = tpu.memref_slice %arg4[%arg1, %dma_wait3A_64, %dma_wait3A_65] : memref<16x200x100xi32, #tpu.memory_space<hbm>> -> memref<1x200x100xi32, #tpu.memory_space<hbm>>
      %dma_wait3A_67 = tpu.memref_squeeze %dma_wait3A_66 : memref<1x200x100xi32, #tpu.memory_space<hbm>> -> memref<200x100xi32, #tpu.memory_space<hbm>>
      tpu.wait_dma2 semaphore(%run_scoped3A : memref<!tpu.dma_semaphore, #tpu.memory_space<semaphore_mem>>) src(%dma_wait3A_67 : memref<200x100xi32, #tpu.memory_space<hbm>>) dst(%arg7 : memref<200x100xi32, #tpu.memory_space<vmem>>)
      tpu.yield
    }) : () -> ()
    %barrier3A = arith.constant 0 : index
    tpu.barrier barrier_id(%barrier3A)
    %dma_start3A = arith.constant 0 : i32
    %dma_start3A_1 = arith.constant 0 : i32
    %dma_start3A_2 = tpu.memref_slice %arg6[%dma_start3A, %dma_start3A_1] : memref<200x100xi32, #tpu.memory_space<vmem>> -> memref<1x100xi32, #tpu.memory_space<vmem>>
    %dma_start3A_3 = tpu.memref_squeeze %dma_start3A_2 : memref<1x100xi32, #tpu.memory_space<vmem>> -> memref<100xi32, #tpu.memory_space<vmem>>
    %dma_start3A_4 = arith.constant 0 : i32
    %dma_start3A_5 = arith.constant 0 : i32
    %dma_start3A_6 = tpu.memref_slice %arg2[%arg0, %dma_start3A_4, %dma_start3A_5] : memref<2x10240x64xf32, #tpu.memory_space<hbm>> -> memref<1x10240x64xf32, #tpu.memory_space<hbm>>
    %dma_start3A_7 = tpu.memref_squeeze %dma_start3A_6 : memref<1x10240x64xf32, #tpu.memory_space<hbm>> -> memref<10240x64xf32, #tpu.memory_space<hbm>>
    %dma_start3A_8 = arith.constant 0 : i32
    %dma_start3A_9 = arith.constant 0 : i32
    %dma_start3A_10 = tpu.memref_slice %dma_start3A_7[%dma_start3A_8, %dma_start3A_9] : memref<10240x64xf32, #tpu.memory_space<hbm>> -> memref<10240x64xf32, #tpu.memory_space<hbm>>
    tpu.enqueue_indirect_dma source(%dma_start3A_10 : memref<10240x64xf32, #tpu.memory_space<hbm>>) target(%arg8 : memref<100x64xf32, #tpu.memory_space<vmem>>) offsets(%dma_start3A_3 : memref<100xi32, #tpu.memory_space<vmem>>) semaphore(%arg14 : memref<!tpu.dma_semaphore, #tpu.memory_space<semaphore_mem>>)
    %dma_start3A_11 = arith.constant 1 : i32
    %dma_start3A_12 = arith.constant 0 : i32
    %dma_start3A_13 = tpu.memref_slice %arg6[%dma_start3A_11, %dma_start3A_12] : memref<200x100xi32, #tpu.memory_space<vmem>> -> memref<1x100xi32, #tpu.memory_space<vmem>>
    %dma_start3A_14 = tpu.memref_squeeze %dma_start3A_13 : memref<1x100xi32, #tpu.memory_space<vmem>> -> memref<100xi32, #tpu.memory_space<vmem>>
    %dma_start3A_15 = arith.constant 0 : i32
    %dma_start3A_16 = arith.constant 0 : i32
    %dma_start3A_17 = tpu.memref_slice %arg2[%arg0, %dma_start3A_15, %dma_start3A_16] : memref<2x10240x64xf32, #tpu.memory_space<hbm>> -> memref<1x10240x64xf32, #tpu.memory_space<hbm>>
    %dma_start3A_18 = tpu.memref_squeeze %dma_start3A_17 : memref<1x10240x64xf32, #tpu.memory_space<hbm>> -> memref<10240x64xf32, #tpu.memory_space<hbm>>
    %dma_start3A_19 = arith.constant 0 : i32
    %dma_start3A_20 = arith.constant 0 : i32
    %dma_start3A_21 = tpu.memref_slice %dma_start3A_18[%dma_start3A_19, %dma_start3A_20] : memref<10240x64xf32, #tpu.memory_space<hbm>> -> memref<10240x64xf32, #tpu.memory_space<hbm>>
    tpu.enqueue_indirect_dma source(%dma_start3A_21 : memref<10240x64xf32, #tpu.memory_space<hbm>>) target(%arg9 : memref<100x64xf32, #tpu.memory_space<vmem>>) offsets(%dma_start3A_14 : memref<100xi32, #tpu.memory_space<vmem>>) semaphore(%arg14 : memref<!tpu.dma_semaphore, #tpu.memory_space<semaphore_mem>>)
    %dma_start3A_22 = arith.constant 2 : i32
    %dma_start3A_23 = arith.constant 0 : i32
    %dma_start3A_24 = tpu.memref_slice %arg6[%dma_start3A_22, %dma_start3A_23] : memref<200x100xi32, #tpu.memory_space<vmem>> -> memref<1x100xi32, #tpu.memory_space<vmem>>
    %dma_start3A_25 = tpu.memref_squeeze %dma_start3A_24 : memref<1x100xi32, #tpu.memory_space<vmem>> -> memref<100xi32, #tpu.memory_space<vmem>>
    %dma_start3A_26 = arith.constant 0 : i32
    %dma_start3A_27 = arith.constant 0 : i32
    %dma_start3A_28 = tpu.memref_slice %arg2[%arg0, %dma_start3A_26, %dma_start3A_27] : memref<2x10240x64xf32, #tpu.memory_space<hbm>> -> memref<1x10240x64xf32, #tpu.memory_space<hbm>>
    %dma_start3A_29 = tpu.memref_squeeze %dma_start3A_28 : memref<1x10240x64xf32, #tpu.memory_space<hbm>> -> memref<10240x64xf32, #tpu.memory_space<hbm>>
    %dma_start3A_30 = arith.constant 0 : i32
    %dma_start3A_31 = arith.constant 0 : i32
    %dma_start3A_32 = tpu.memref_slice %dma_start3A_29[%dma_start3A_30, %dma_start3A_31] : memref<10240x64xf32, #tpu.memory_space<hbm>> -> memref<10240x64xf32, #tpu.memory_space<hbm>>
    tpu.enqueue_indirect_dma source(%dma_start3A_32 : memref<10240x64xf32, #tpu.memory_space<hbm>>) target(%arg10 : memref<100x64xf32, #tpu.memory_space<vmem>>) offsets(%dma_start3A_25 : memref<100xi32, #tpu.memory_space<vmem>>) semaphore(%arg14 : memref<!tpu.dma_semaphore, #tpu.memory_space<semaphore_mem>>)
    %scan3A = arith.constant 0 : i32
    %scan3A_33 = arith.constant 0 : i32
    %scan3A_34 = arith.constant 40 : i32
    %scan3A_35 = arith.addi %scan3A_33, %scan3A_34 : i32
    %scan3A_36 = arith.constant 1 : i32
    scf.for %scan3A_52 = %scan3A_33 to %scan3A_35 step %scan3A_36  : i32 {
      %mul3A_53 = arith.constant 5 : i32
      %mul3A_54 = arith.muli %scan3A_52, %mul3A_53 : i32
      %add3A = arith.constant 0 : i32
      %add3A_55 = arith.addi %mul3A_54, %add3A : i32
      %dma_wait3A_56 = arith.constant 0 : i32
      %dma_wait3A_57 = arith.constant 0 : i32
      %dma_wait3A_58 = tpu.memref_slice %arg6[%dma_wait3A_56, %dma_wait3A_57] : memref<200x100xi32, #tpu.memory_space<vmem>> -> memref<1x100xi32, #tpu.memory_space<vmem>>
      %dma_wait3A_59 = tpu.memref_squeeze %dma_wait3A_58 : memref<1x100xi32, #tpu.memory_space<vmem>> -> memref<100xi32, #tpu.memory_space<vmem>>
      %dma_wait3A_60 = arith.constant 0 : i32
      %dma_wait3A_61 = arith.constant 0 : i32
      %dma_wait3A_62 = tpu.memref_slice %arg2[%arg0, %dma_wait3A_60, %dma_wait3A_61] : memref<2x10240x64xf32, #tpu.memory_space<hbm>> -> memref<1x10240x64xf32, #tpu.memory_space<hbm>>
      %dma_wait3A_63 = tpu.memref_squeeze %dma_wait3A_62 : memref<1x10240x64xf32, #tpu.memory_space<hbm>> -> memref<10240x64xf32, #tpu.memory_space<hbm>>
      %dma_wait3A_64 = arith.constant 0 : i32
      %dma_wait3A_65 = arith.constant 0 : i32
      %dma_wait3A_66 = tpu.memref_slice %dma_wait3A_63[%dma_wait3A_64, %dma_wait3A_65] : memref<10240x64xf32, #tpu.memory_space<hbm>> -> memref<10240x64xf32, #tpu.memory_space<hbm>>
      tpu.wait_indirect_dma semaphore(%arg14 : memref<!tpu.dma_semaphore, #tpu.memory_space<semaphore_mem>>) src(%dma_wait3A_66 : memref<10240x64xf32, #tpu.memory_space<hbm>>) dst(%arg8 : memref<100x64xf32, #tpu.memory_space<vmem>>)
      %dma_start3A_67 = arith.constant 0 : i32
      %dma_start3A_68 = tpu.memref_slice %arg7[%add3A_55, %dma_start3A_67] : memref<200x100xi32, #tpu.memory_space<vmem>> -> memref<1x100xi32, #tpu.memory_space<vmem>>
      %dma_start3A_69 = tpu.memref_squeeze %dma_start3A_68 : memref<1x100xi32, #tpu.memory_space<vmem>> -> memref<100xi32, #tpu.memory_space<vmem>>
      %dma_start3A_70 = arith.constant 0 : i32
      %dma_start3A_71 = arith.constant 0 : i32
      %dma_start3A_72 = tpu.memref_slice %arg13[%dma_start3A_70, %dma_start3A_71] : memref<10240x64xf32, #tpu.memory_space<vmem_shared>> -> memref<10240x64xf32, #tpu.memory_space<vmem_shared>>
      tpu.enqueue_indirect_dma source(%arg8 : memref<100x64xf32, #tpu.memory_space<vmem>>) target(%dma_start3A_72 : memref<10240x64xf32, #tpu.memory_space<vmem_shared>>) offsets(%dma_start3A_69 : memref<100xi32, #tpu.memory_space<vmem>>) semaphore(%arg15 : memref<!tpu.dma_semaphore, #tpu.memory_space<semaphore_mem>>) {add = true}
      %ge3A = arith.constant 2 : i32
      %ge3A_73 = arith.cmpi sge, %add3A_55, %ge3A : i32
      %convert_element_type3A = arith.extui %ge3A_73 : i1 to i32
      %cond3A = arith.constant 0 : i32
      %cond3A_74 = arith.cmpi ne, %convert_element_type3A, %cond3A : i32
      scf.if %cond3A_74 {
        %dma_wait3A_222 = arith.constant 0 : i32
        %dma_wait3A_223 = tpu.memref_slice %arg7[%add3A_55, %dma_wait3A_222] : memref<200x100xi32, #tpu.memory_space<vmem>> -> memref<1x100xi32, #tpu.memory_space<vmem>>
        %dma_wait3A_224 = tpu.memref_squeeze %dma_wait3A_223 : memref<1x100xi32, #tpu.memory_space<vmem>> -> memref<100xi32, #tpu.memory_space<vmem>>
        %dma_wait3A_225 = arith.constant 0 : i32
        %dma_wait3A_226 = arith.constant 0 : i32
        %dma_wait3A_227 = tpu.memref_slice %arg13[%dma_wait3A_225, %dma_wait3A_226] : memref<10240x64xf32, #tpu.memory_space<vmem_shared>> -> memref<10240x64xf32, #tpu.memory_space<vmem_shared>>
        tpu.wait_indirect_dma semaphore(%arg15 : memref<!tpu.dma_semaphore, #tpu.memory_space<semaphore_mem>>) src(%arg8 : memref<100x64xf32, #tpu.memory_space<vmem>>) dst(%dma_wait3A_227 : memref<10240x64xf32, #tpu.memory_space<vmem_shared>>)
      } else {
      }
      %add3A_75 = arith.constant 5 : i32
      %add3A_76 = arith.addi %add3A_55, %add3A_75 : i32
      %sub3A = arith.constant 2 : i32
      %sub3A_77 = arith.subi %add3A_76, %sub3A : i32
      %lt3A = arith.constant 200 : i32
      %lt3A_78 = arith.cmpi slt, %sub3A_77, %lt3A : i32
      %convert_element_type3A_79 = arith.extui %lt3A_78 : i1 to i32
      %cond3A_80 = arith.constant 0 : i32
      %cond3A_81 = arith.cmpi ne, %convert_element_type3A_79, %cond3A_80 : i32
      scf.if %cond3A_81 {
        %add3A_222 = arith.constant 5 : i32
        %add3A_223 = arith.addi %add3A_55, %add3A_222 : i32
        %sub3A_224 = arith.constant 2 : i32
        %sub3A_225 = arith.subi %add3A_223, %sub3A_224 : i32
        %dma_start3A_226 = arith.constant 0 : i32
        %dma_start3A_227 = tpu.memref_slice %arg6[%sub3A_225, %dma_start3A_226] : memref<200x100xi32, #tpu.memory_space<vmem>> -> memref<1x100xi32, #tpu.memory_space<vmem>>
        %dma_start3A_228 = tpu.memref_squeeze %dma_start3A_227 : memref<1x100xi32, #tpu.memory_space<vmem>> -> memref<100xi32, #tpu.memory_space<vmem>>
        %dma_start3A_229 = arith.constant 0 : i32
        %dma_start3A_230 = arith.constant 0 : i32
        %dma_start3A_231 = tpu.memref_slice %arg2[%arg0, %dma_start3A_229, %dma_start3A_230] : memref<2x10240x64xf32, #tpu.memory_space<hbm>> -> memref<1x10240x64xf32, #tpu.memory_space<hbm>>
        %dma_start3A_232 = tpu.memref_squeeze %dma_start3A_231 : memref<1x10240x64xf32, #tpu.memory_space<hbm>> -> memref<10240x64xf32, #tpu.memory_space<hbm>>
        %dma_start3A_233 = arith.constant 0 : i32
        %dma_start3A_234 = arith.constant 0 : i32
        %dma_start3A_235 = tpu.memref_slice %dma_start3A_232[%dma_start3A_233, %dma_start3A_234] : memref<10240x64xf32, #tpu.memory_space<hbm>> -> memref<10240x64xf32, #tpu.memory_space<hbm>>
        tpu.enqueue_indirect_dma source(%dma_start3A_235 : memref<10240x64xf32, #tpu.memory_space<hbm>>) target(%arg11 : memref<100x64xf32, #tpu.memory_space<vmem>>) offsets(%dma_start3A_228 : memref<100xi32, #tpu.memory_space<vmem>>) semaphore(%arg14 : memref<!tpu.dma_semaphore, #tpu.memory_space<semaphore_mem>>)
      } else {
      }
      %mul3A_82 = arith.constant 5 : i32
      %mul3A_83 = arith.muli %scan3A_52, %mul3A_82 : i32
      %add3A_84 = arith.constant 1 : i32
      %add3A_85 = arith.addi %mul3A_83, %add3A_84 : i32
      %dma_wait3A_86 = arith.constant 1 : i32
      %dma_wait3A_87 = arith.constant 0 : i32
      %dma_wait3A_88 = tpu.memref_slice %arg6[%dma_wait3A_86, %dma_wait3A_87] : memref<200x100xi32, #tpu.memory_space<vmem>> -> memref<1x100xi32, #tpu.memory_space<vmem>>
      %dma_wait3A_89 = tpu.memref_squeeze %dma_wait3A_88 : memref<1x100xi32, #tpu.memory_space<vmem>> -> memref<100xi32, #tpu.memory_space<vmem>>
      %dma_wait3A_90 = arith.constant 0 : i32
      %dma_wait3A_91 = arith.constant 0 : i32
      %dma_wait3A_92 = tpu.memref_slice %arg2[%arg0, %dma_wait3A_90, %dma_wait3A_91] : memref<2x10240x64xf32, #tpu.memory_space<hbm>> -> memref<1x10240x64xf32, #tpu.memory_space<hbm>>
      %dma_wait3A_93 = tpu.memref_squeeze %dma_wait3A_92 : memref<1x10240x64xf32, #tpu.memory_space<hbm>> -> memref<10240x64xf32, #tpu.memory_space<hbm>>
      %dma_wait3A_94 = arith.constant 0 : i32
      %dma_wait3A_95 = arith.constant 0 : i32
      %dma_wait3A_96 = tpu.memref_slice %dma_wait3A_93[%dma_wait3A_94, %dma_wait3A_95] : memref<10240x64xf32, #tpu.memory_space<hbm>> -> memref<10240x64xf32, #tpu.memory_space<hbm>>
      tpu.wait_indirect_dma semaphore(%arg14 : memref<!tpu.dma_semaphore, #tpu.memory_space<semaphore_mem>>) src(%dma_wait3A_96 : memref<10240x64xf32, #tpu.memory_space<hbm>>) dst(%arg9 : memref<100x64xf32, #tpu.memory_space<vmem>>)
      %dma_start3A_97 = arith.constant 0 : i32
      %dma_start3A_98 = tpu.memref_slice %arg7[%add3A_85, %dma_start3A_97] : memref<200x100xi32, #tpu.memory_space<vmem>> -> memref<1x100xi32, #tpu.memory_space<vmem>>
      %dma_start3A_99 = tpu.memref_squeeze %dma_start3A_98 : memref<1x100xi32, #tpu.memory_space<vmem>> -> memref<100xi32, #tpu.memory_space<vmem>>
      %dma_start3A_100 = arith.constant 0 : i32
      %dma_start3A_101 = arith.constant 0 : i32
      %dma_start3A_102 = tpu.memref_slice %arg13[%dma_start3A_100, %dma_start3A_101] : memref<10240x64xf32, #tpu.memory_space<vmem_shared>> -> memref<10240x64xf32, #tpu.memory_space<vmem_shared>>
      tpu.enqueue_indirect_dma source(%arg9 : memref<100x64xf32, #tpu.memory_space<vmem>>) target(%dma_start3A_102 : memref<10240x64xf32, #tpu.memory_space<vmem_shared>>) offsets(%dma_start3A_99 : memref<100xi32, #tpu.memory_space<vmem>>) semaphore(%arg15 : memref<!tpu.dma_semaphore, #tpu.memory_space<semaphore_mem>>) {add = true}
      %ge3A_103 = arith.constant 2 : i32
      %ge3A_104 = arith.cmpi sge, %add3A_85, %ge3A_103 : i32
      %convert_element_type3A_105 = arith.extui %ge3A_104 : i1 to i32
      %cond3A_106 = arith.constant 0 : i32
      %cond3A_107 = arith.cmpi ne, %convert_element_type3A_105, %cond3A_106 : i32
      scf.if %cond3A_107 {
        %dma_wait3A_222 = arith.constant 0 : i32
        %dma_wait3A_223 = tpu.memref_slice %arg7[%add3A_85, %dma_wait3A_222] : memref<200x100xi32, #tpu.memory_space<vmem>> -> memref<1x100xi32, #tpu.memory_space<vmem>>
        %dma_wait3A_224 = tpu.memref_squeeze %dma_wait3A_223 : memref<1x100xi32, #tpu.memory_space<vmem>> -> memref<100xi32, #tpu.memory_space<vmem>>
        %dma_wait3A_225 = arith.constant 0 : i32
        %dma_wait3A_226 = arith.constant 0 : i32
        %dma_wait3A_227 = tpu.memref_slice %arg13[%dma_wait3A_225, %dma_wait3A_226] : memref<10240x64xf32, #tpu.memory_space<vmem_shared>> -> memref<10240x64xf32, #tpu.memory_space<vmem_shared>>
        tpu.wait_indirect_dma semaphore(%arg15 : memref<!tpu.dma_semaphore, #tpu.memory_space<semaphore_mem>>) src(%arg9 : memref<100x64xf32, #tpu.memory_space<vmem>>) dst(%dma_wait3A_227 : memref<10240x64xf32, #tpu.memory_space<vmem_shared>>)
      } else {
      }
      %add3A_108 = arith.constant 5 : i32
      %add3A_109 = arith.addi %add3A_85, %add3A_108 : i32
      %sub3A_110 = arith.constant 2 : i32
      %sub3A_111 = arith.subi %add3A_109, %sub3A_110 : i32
      %lt3A_112 = arith.constant 200 : i32
      %lt3A_113 = arith.cmpi slt, %sub3A_111, %lt3A_112 : i32
      %convert_element_type3A_114 = arith.extui %lt3A_113 : i1 to i32
      %cond3A_115 = arith.constant 0 : i32
      %cond3A_116 = arith.cmpi ne, %convert_element_type3A_114, %cond3A_115 : i32
      scf.if %cond3A_116 {
        %add3A_222 = arith.constant 5 : i32
        %add3A_223 = arith.addi %add3A_85, %add3A_222 : i32
        %sub3A_224 = arith.constant 2 : i32
        %sub3A_225 = arith.subi %add3A_223, %sub3A_224 : i32
        %dma_start3A_226 = arith.constant 0 : i32
        %dma_start3A_227 = tpu.memref_slice %arg6[%sub3A_225, %dma_start3A_226] : memref<200x100xi32, #tpu.memory_space<vmem>> -> memref<1x100xi32, #tpu.memory_space<vmem>>
        %dma_start3A_228 = tpu.memref_squeeze %dma_start3A_227 : memref<1x100xi32, #tpu.memory_space<vmem>> -> memref<100xi32, #tpu.memory_space<vmem>>
        %dma_start3A_229 = arith.constant 0 : i32
        %dma_start3A_230 = arith.constant 0 : i32
        %dma_start3A_231 = tpu.memref_slice %arg2[%arg0, %dma_start3A_229, %dma_start3A_230] : memref<2x10240x64xf32, #tpu.memory_space<hbm>> -> memref<1x10240x64xf32, #tpu.memory_space<hbm>>
        %dma_start3A_232 = tpu.memref_squeeze %dma_start3A_231 : memref<1x10240x64xf32, #tpu.memory_space<hbm>> -> memref<10240x64xf32, #tpu.memory_space<hbm>>
        %dma_start3A_233 = arith.constant 0 : i32
        %dma_start3A_234 = arith.constant 0 : i32
        %dma_start3A_235 = tpu.memref_slice %dma_start3A_232[%dma_start3A_233, %dma_start3A_234] : memref<10240x64xf32, #tpu.memory_space<hbm>> -> memref<10240x64xf32, #tpu.memory_space<hbm>>
        tpu.enqueue_indirect_dma source(%dma_start3A_235 : memref<10240x64xf32, #tpu.memory_space<hbm>>) target(%arg12 : memref<100x64xf32, #tpu.memory_space<vmem>>) offsets(%dma_start3A_228 : memref<100xi32, #tpu.memory_space<vmem>>) semaphore(%arg14 : memref<!tpu.dma_semaphore, #tpu.memory_space<semaphore_mem>>)
      } else {
      }
      %mul3A_117 = arith.constant 5 : i32
      %mul3A_118 = arith.muli %scan3A_52, %mul3A_117 : i32
      %add3A_119 = arith.constant 2 : i32
      %add3A_120 = arith.addi %mul3A_118, %add3A_119 : i32
      %dma_wait3A_121 = arith.constant 2 : i32
      %dma_wait3A_122 = arith.constant 0 : i32
      %dma_wait3A_123 = tpu.memref_slice %arg6[%dma_wait3A_121, %dma_wait3A_122] : memref<200x100xi32, #tpu.memory_space<vmem>> -> memref<1x100xi32, #tpu.memory_space<vmem>>
      %dma_wait3A_124 = tpu.memref_squeeze %dma_wait3A_123 : memref<1x100xi32, #tpu.memory_space<vmem>> -> memref<100xi32, #tpu.memory_space<vmem>>
      %dma_wait3A_125 = arith.constant 0 : i32
      %dma_wait3A_126 = arith.constant 0 : i32
      %dma_wait3A_127 = tpu.memref_slice %arg2[%arg0, %dma_wait3A_125, %dma_wait3A_126] : memref<2x10240x64xf32, #tpu.memory_space<hbm>> -> memref<1x10240x64xf32, #tpu.memory_space<hbm>>
      %dma_wait3A_128 = tpu.memref_squeeze %dma_wait3A_127 : memref<1x10240x64xf32, #tpu.memory_space<hbm>> -> memref<10240x64xf32, #tpu.memory_space<hbm>>
      %dma_wait3A_129 = arith.constant 0 : i32
      %dma_wait3A_130 = arith.constant 0 : i32
      %dma_wait3A_131 = tpu.memref_slice %dma_wait3A_128[%dma_wait3A_129, %dma_wait3A_130] : memref<10240x64xf32, #tpu.memory_space<hbm>> -> memref<10240x64xf32, #tpu.memory_space<hbm>>
      tpu.wait_indirect_dma semaphore(%arg14 : memref<!tpu.dma_semaphore, #tpu.memory_space<semaphore_mem>>) src(%dma_wait3A_131 : memref<10240x64xf32, #tpu.memory_space<hbm>>) dst(%arg10 : memref<100x64xf32, #tpu.memory_space<vmem>>)
      %dma_start3A_132 = arith.constant 0 : i32
      %dma_start3A_133 = tpu.memref_slice %arg7[%add3A_120, %dma_start3A_132] : memref<200x100xi32, #tpu.memory_space<vmem>> -> memref<1x100xi32, #tpu.memory_space<vmem>>
      %dma_start3A_134 = tpu.memref_squeeze %dma_start3A_133 : memref<1x100xi32, #tpu.memory_space<vmem>> -> memref<100xi32, #tpu.memory_space<vmem>>
      %dma_start3A_135 = arith.constant 0 : i32
      %dma_start3A_136 = arith.constant 0 : i32
      %dma_start3A_137 = tpu.memref_slice %arg13[%dma_start3A_135, %dma_start3A_136] : memref<10240x64xf32, #tpu.memory_space<vmem_shared>> -> memref<10240x64xf32, #tpu.memory_space<vmem_shared>>
      tpu.enqueue_indirect_dma source(%arg10 : memref<100x64xf32, #tpu.memory_space<vmem>>) target(%dma_start3A_137 : memref<10240x64xf32, #tpu.memory_space<vmem_shared>>) offsets(%dma_start3A_134 : memref<100xi32, #tpu.memory_space<vmem>>) semaphore(%arg15 : memref<!tpu.dma_semaphore, #tpu.memory_space<semaphore_mem>>) {add = true}
      %ge3A_138 = arith.constant 2 : i32
      %ge3A_139 = arith.cmpi sge, %add3A_120, %ge3A_138 : i32
      %convert_element_type3A_140 = arith.extui %ge3A_139 : i1 to i32
      %cond3A_141 = arith.constant 0 : i32
      %cond3A_142 = arith.cmpi ne, %convert_element_type3A_140, %cond3A_141 : i32
      scf.if %cond3A_142 {
        %dma_wait3A_222 = arith.constant 0 : i32
        %dma_wait3A_223 = tpu.memref_slice %arg7[%add3A_120, %dma_wait3A_222] : memref<200x100xi32, #tpu.memory_space<vmem>> -> memref<1x100xi32, #tpu.memory_space<vmem>>
        %dma_wait3A_224 = tpu.memref_squeeze %dma_wait3A_223 : memref<1x100xi32, #tpu.memory_space<vmem>> -> memref<100xi32, #tpu.memory_space<vmem>>
        %dma_wait3A_225 = arith.constant 0 : i32
        %dma_wait3A_226 = arith.constant 0 : i32
        %dma_wait3A_227 = tpu.memref_slice %arg13[%dma_wait3A_225, %dma_wait3A_226] : memref<10240x64xf32, #tpu.memory_space<vmem_shared>> -> memref<10240x64xf32, #tpu.memory_space<vmem_shared>>
        tpu.wait_indirect_dma semaphore(%arg15 : memref<!tpu.dma_semaphore, #tpu.memory_space<semaphore_mem>>) src(%arg10 : memref<100x64xf32, #tpu.memory_space<vmem>>) dst(%dma_wait3A_227 : memref<10240x64xf32, #tpu.memory_space<vmem_shared>>)
      } else {
      }
      %add3A_143 = arith.constant 5 : i32
      %add3A_144 = arith.addi %add3A_120, %add3A_143 : i32
      %sub3A_145 = arith.constant 2 : i32
      %sub3A_146 = arith.subi %add3A_144, %sub3A_145 : i32
      %lt3A_147 = arith.constant 200 : i32
      %lt3A_148 = arith.cmpi slt, %sub3A_146, %lt3A_147 : i32
      %convert_element_type3A_149 = arith.extui %lt3A_148 : i1 to i32
      %cond3A_150 = arith.constant 0 : i32
      %cond3A_151 = arith.cmpi ne, %convert_element_type3A_149, %cond3A_150 : i32
      scf.if %cond3A_151 {
        %add3A_222 = arith.constant 5 : i32
        %add3A_223 = arith.addi %add3A_120, %add3A_222 : i32
        %sub3A_224 = arith.constant 2 : i32
        %sub3A_225 = arith.subi %add3A_223, %sub3A_224 : i32
        %dma_start3A_226 = arith.constant 0 : i32
        %dma_start3A_227 = tpu.memref_slice %arg6[%sub3A_225, %dma_start3A_226] : memref<200x100xi32, #tpu.memory_space<vmem>> -> memref<1x100xi32, #tpu.memory_space<vmem>>
        %dma_start3A_228 = tpu.memref_squeeze %dma_start3A_227 : memref<1x100xi32, #tpu.memory_space<vmem>> -> memref<100xi32, #tpu.memory_space<vmem>>
        %dma_start3A_229 = arith.constant 0 : i32
        %dma_start3A_230 = arith.constant 0 : i32
        %dma_start3A_231 = tpu.memref_slice %arg2[%arg0, %dma_start3A_229, %dma_start3A_230] : memref<2x10240x64xf32, #tpu.memory_space<hbm>> -> memref<1x10240x64xf32, #tpu.memory_space<hbm>>
        %dma_start3A_232 = tpu.memref_squeeze %dma_start3A_231 : memref<1x10240x64xf32, #tpu.memory_space<hbm>> -> memref<10240x64xf32, #tpu.memory_space<hbm>>
        %dma_start3A_233 = arith.constant 0 : i32
        %dma_start3A_234 = arith.constant 0 : i32
        %dma_start3A_235 = tpu.memref_slice %dma_start3A_232[%dma_start3A_233, %dma_start3A_234] : memref<10240x64xf32, #tpu.memory_space<hbm>> -> memref<10240x64xf32, #tpu.memory_space<hbm>>
        tpu.enqueue_indirect_dma source(%dma_start3A_235 : memref<10240x64xf32, #tpu.memory_space<hbm>>) target(%arg8 : memref<100x64xf32, #tpu.memory_space<vmem>>) offsets(%dma_start3A_228 : memref<100xi32, #tpu.memory_space<vmem>>) semaphore(%arg14 : memref<!tpu.dma_semaphore, #tpu.memory_space<semaphore_mem>>)
      } else {
      }
      %mul3A_152 = arith.constant 5 : i32
      %mul3A_153 = arith.muli %scan3A_52, %mul3A_152 : i32
      %add3A_154 = arith.constant 3 : i32
      %add3A_155 = arith.addi %mul3A_153, %add3A_154 : i32
      %dma_wait3A_156 = arith.constant 3 : i32
      %dma_wait3A_157 = arith.constant 0 : i32
      %dma_wait3A_158 = tpu.memref_slice %arg6[%dma_wait3A_156, %dma_wait3A_157] : memref<200x100xi32, #tpu.memory_space<vmem>> -> memref<1x100xi32, #tpu.memory_space<vmem>>
      %dma_wait3A_159 = tpu.memref_squeeze %dma_wait3A_158 : memref<1x100xi32, #tpu.memory_space<vmem>> -> memref<100xi32, #tpu.memory_space<vmem>>
      %dma_wait3A_160 = arith.constant 0 : i32
      %dma_wait3A_161 = arith.constant 0 : i32
      %dma_wait3A_162 = tpu.memref_slice %arg2[%arg0, %dma_wait3A_160, %dma_wait3A_161] : memref<2x10240x64xf32, #tpu.memory_space<hbm>> -> memref<1x10240x64xf32, #tpu.memory_space<hbm>>
      %dma_wait3A_163 = tpu.memref_squeeze %dma_wait3A_162 : memref<1x10240x64xf32, #tpu.memory_space<hbm>> -> memref<10240x64xf32, #tpu.memory_space<hbm>>
      %dma_wait3A_164 = arith.constant 0 : i32
      %dma_wait3A_165 = arith.constant 0 : i32
      %dma_wait3A_166 = tpu.memref_slice %dma_wait3A_163[%dma_wait3A_164, %dma_wait3A_165] : memref<10240x64xf32, #tpu.memory_space<hbm>> -> memref<10240x64xf32, #tpu.memory_space<hbm>>
      tpu.wait_indirect_dma semaphore(%arg14 : memref<!tpu.dma_semaphore, #tpu.memory_space<semaphore_mem>>) src(%dma_wait3A_166 : memref<10240x64xf32, #tpu.memory_space<hbm>>) dst(%arg11 : memref<100x64xf32, #tpu.memory_space<vmem>>)
      %dma_start3A_167 = arith.constant 0 : i32
      %dma_start3A_168 = tpu.memref_slice %arg7[%add3A_155, %dma_start3A_167] : memref<200x100xi32, #tpu.memory_space<vmem>> -> memref<1x100xi32, #tpu.memory_space<vmem>>
      %dma_start3A_169 = tpu.memref_squeeze %dma_start3A_168 : memref<1x100xi32, #tpu.memory_space<vmem>> -> memref<100xi32, #tpu.memory_space<vmem>>
      %dma_start3A_170 = arith.constant 0 : i32
      %dma_start3A_171 = arith.constant 0 : i32
      %dma_start3A_172 = tpu.memref_slice %arg13[%dma_start3A_170, %dma_start3A_171] : memref<10240x64xf32, #tpu.memory_space<vmem_shared>> -> memref<10240x64xf32, #tpu.memory_space<vmem_shared>>
      tpu.enqueue_indirect_dma source(%arg11 : memref<100x64xf32, #tpu.memory_space<vmem>>) target(%dma_start3A_172 : memref<10240x64xf32, #tpu.memory_space<vmem_shared>>) offsets(%dma_start3A_169 : memref<100xi32, #tpu.memory_space<vmem>>) semaphore(%arg15 : memref<!tpu.dma_semaphore, #tpu.memory_space<semaphore_mem>>) {add = true}
      %ge3A_173 = arith.constant 2 : i32
      %ge3A_174 = arith.cmpi sge, %add3A_155, %ge3A_173 : i32
      %convert_element_type3A_175 = arith.extui %ge3A_174 : i1 to i32
      %cond3A_176 = arith.constant 0 : i32
      %cond3A_177 = arith.cmpi ne, %convert_element_type3A_175, %cond3A_176 : i32
      scf.if %cond3A_177 {
        %dma_wait3A_222 = arith.constant 0 : i32
        %dma_wait3A_223 = tpu.memref_slice %arg7[%add3A_155, %dma_wait3A_222] : memref<200x100xi32, #tpu.memory_space<vmem>> -> memref<1x100xi32, #tpu.memory_space<vmem>>
        %dma_wait3A_224 = tpu.memref_squeeze %dma_wait3A_223 : memref<1x100xi32, #tpu.memory_space<vmem>> -> memref<100xi32, #tpu.memory_space<vmem>>
        %dma_wait3A_225 = arith.constant 0 : i32
        %dma_wait3A_226 = arith.constant 0 : i32
        %dma_wait3A_227 = tpu.memref_slice %arg13[%dma_wait3A_225, %dma_wait3A_226] : memref<10240x64xf32, #tpu.memory_space<vmem_shared>> -> memref<10240x64xf32, #tpu.memory_space<vmem_shared>>
        tpu.wait_indirect_dma semaphore(%arg15 : memref<!tpu.dma_semaphore, #tpu.memory_space<semaphore_mem>>) src(%arg11 : memref<100x64xf32, #tpu.memory_space<vmem>>) dst(%dma_wait3A_227 : memref<10240x64xf32, #tpu.memory_space<vmem_shared>>)
      } else {
      }
      %add3A_178 = arith.constant 5 : i32
      %add3A_179 = arith.addi %add3A_155, %add3A_178 : i32
      %sub3A_180 = arith.constant 2 : i32
      %sub3A_181 = arith.subi %add3A_179, %sub3A_180 : i32
      %lt3A_182 = arith.constant 200 : i32
      %lt3A_183 = arith.cmpi slt, %sub3A_181, %lt3A_182 : i32
      %convert_element_type3A_184 = arith.extui %lt3A_183 : i1 to i32
      %cond3A_185 = arith.constant 0 : i32
      %cond3A_186 = arith.cmpi ne, %convert_element_type3A_184, %cond3A_185 : i32
      scf.if %cond3A_186 {
        %add3A_222 = arith.constant 5 : i32
        %add3A_223 = arith.addi %add3A_155, %add3A_222 : i32
        %sub3A_224 = arith.constant 2 : i32
        %sub3A_225 = arith.subi %add3A_223, %sub3A_224 : i32
        %dma_start3A_226 = arith.constant 0 : i32
        %dma_start3A_227 = tpu.memref_slice %arg6[%sub3A_225, %dma_start3A_226] : memref<200x100xi32, #tpu.memory_space<vmem>> -> memref<1x100xi32, #tpu.memory_space<vmem>>
        %dma_start3A_228 = tpu.memref_squeeze %dma_start3A_227 : memref<1x100xi32, #tpu.memory_space<vmem>> -> memref<100xi32, #tpu.memory_space<vmem>>
        %dma_start3A_229 = arith.constant 0 : i32
        %dma_start3A_230 = arith.constant 0 : i32
        %dma_start3A_231 = tpu.memref_slice %arg2[%arg0, %dma_start3A_229, %dma_start3A_230] : memref<2x10240x64xf32, #tpu.memory_space<hbm>> -> memref<1x10240x64xf32, #tpu.memory_space<hbm>>
        %dma_start3A_232 = tpu.memref_squeeze %dma_start3A_231 : memref<1x10240x64xf32, #tpu.memory_space<hbm>> -> memref<10240x64xf32, #tpu.memory_space<hbm>>
        %dma_start3A_233 = arith.constant 0 : i32
        %dma_start3A_234 = arith.constant 0 : i32
        %dma_start3A_235 = tpu.memref_slice %dma_start3A_232[%dma_start3A_233, %dma_start3A_234] : memref<10240x64xf32, #tpu.memory_space<hbm>> -> memref<10240x64xf32, #tpu.memory_space<hbm>>
        tpu.enqueue_indirect_dma source(%dma_start3A_235 : memref<10240x64xf32, #tpu.memory_space<hbm>>) target(%arg9 : memref<100x64xf32, #tpu.memory_space<vmem>>) offsets(%dma_start3A_228 : memref<100xi32, #tpu.memory_space<vmem>>) semaphore(%arg14 : memref<!tpu.dma_semaphore, #tpu.memory_space<semaphore_mem>>)
      } else {
      }
      %mul3A_187 = arith.constant 5 : i32
      %mul3A_188 = arith.muli %scan3A_52, %mul3A_187 : i32
      %add3A_189 = arith.constant 4 : i32
      %add3A_190 = arith.addi %mul3A_188, %add3A_189 : i32
      %dma_wait3A_191 = arith.constant 4 : i32
      %dma_wait3A_192 = arith.constant 0 : i32
      %dma_wait3A_193 = tpu.memref_slice %arg6[%dma_wait3A_191, %dma_wait3A_192] : memref<200x100xi32, #tpu.memory_space<vmem>> -> memref<1x100xi32, #tpu.memory_space<vmem>>
      %dma_wait3A_194 = tpu.memref_squeeze %dma_wait3A_193 : memref<1x100xi32, #tpu.memory_space<vmem>> -> memref<100xi32, #tpu.memory_space<vmem>>
      %dma_wait3A_195 = arith.constant 0 : i32
      %dma_wait3A_196 = arith.constant 0 : i32
      %dma_wait3A_197 = tpu.memref_slice %arg2[%arg0, %dma_wait3A_195, %dma_wait3A_196] : memref<2x10240x64xf32, #tpu.memory_space<hbm>> -> memref<1x10240x64xf32, #tpu.memory_space<hbm>>
      %dma_wait3A_198 = tpu.memref_squeeze %dma_wait3A_197 : memref<1x10240x64xf32, #tpu.memory_space<hbm>> -> memref<10240x64xf32, #tpu.memory_space<hbm>>
      %dma_wait3A_199 = arith.constant 0 : i32
      %dma_wait3A_200 = arith.constant 0 : i32
      %dma_wait3A_201 = tpu.memref_slice %dma_wait3A_198[%dma_wait3A_199, %dma_wait3A_200] : memref<10240x64xf32, #tpu.memory_space<hbm>> -> memref<10240x64xf32, #tpu.memory_space<hbm>>
      tpu.wait_indirect_dma semaphore(%arg14 : memref<!tpu.dma_semaphore, #tpu.memory_space<semaphore_mem>>) src(%dma_wait3A_201 : memref<10240x64xf32, #tpu.memory_space<hbm>>) dst(%arg12 : memref<100x64xf32, #tpu.memory_space<vmem>>)
      %dma_start3A_202 = arith.constant 0 : i32
      %dma_start3A_203 = tpu.memref_slice %arg7[%add3A_190, %dma_start3A_202] : memref<200x100xi32, #tpu.memory_space<vmem>> -> memref<1x100xi32, #tpu.memory_space<vmem>>
      %dma_start3A_204 = tpu.memref_squeeze %dma_start3A_203 : memref<1x100xi32, #tpu.memory_space<vmem>> -> memref<100xi32, #tpu.memory_space<vmem>>
      %dma_start3A_205 = arith.constant 0 : i32
      %dma_start3A_206 = arith.constant 0 : i32
      %dma_start3A_207 = tpu.memref_slice %arg13[%dma_start3A_205, %dma_start3A_206] : memref<10240x64xf32, #tpu.memory_space<vmem_shared>> -> memref<10240x64xf32, #tpu.memory_space<vmem_shared>>
      tpu.enqueue_indirect_dma source(%arg12 : memref<100x64xf32, #tpu.memory_space<vmem>>) target(%dma_start3A_207 : memref<10240x64xf32, #tpu.memory_space<vmem_shared>>) offsets(%dma_start3A_204 : memref<100xi32, #tpu.memory_space<vmem>>) semaphore(%arg15 : memref<!tpu.dma_semaphore, #tpu.memory_space<semaphore_mem>>) {add = true}
      %ge3A_208 = arith.constant 2 : i32
      %ge3A_209 = arith.cmpi sge, %add3A_190, %ge3A_208 : i32
      %convert_element_type3A_210 = arith.extui %ge3A_209 : i1 to i32
      %cond3A_211 = arith.constant 0 : i32
      %cond3A_212 = arith.cmpi ne, %convert_element_type3A_210, %cond3A_211 : i32
      scf.if %cond3A_212 {
        %dma_wait3A_222 = arith.constant 0 : i32
        %dma_wait3A_223 = tpu.memref_slice %arg7[%add3A_190, %dma_wait3A_222] : memref<200x100xi32, #tpu.memory_space<vmem>> -> memref<1x100xi32, #tpu.memory_space<vmem>>
        %dma_wait3A_224 = tpu.memref_squeeze %dma_wait3A_223 : memref<1x100xi32, #tpu.memory_space<vmem>> -> memref<100xi32, #tpu.memory_space<vmem>>
        %dma_wait3A_225 = arith.constant 0 : i32
        %dma_wait3A_226 = arith.constant 0 : i32
        %dma_wait3A_227 = tpu.memref_slice %arg13[%dma_wait3A_225, %dma_wait3A_226] : memref<10240x64xf32, #tpu.memory_space<vmem_shared>> -> memref<10240x64xf32, #tpu.memory_space<vmem_shared>>
        tpu.wait_indirect_dma semaphore(%arg15 : memref<!tpu.dma_semaphore, #tpu.memory_space<semaphore_mem>>) src(%arg12 : memref<100x64xf32, #tpu.memory_space<vmem>>) dst(%dma_wait3A_227 : memref<10240x64xf32, #tpu.memory_space<vmem_shared>>)
      } else {
      }
      %add3A_213 = arith.constant 5 : i32
      %add3A_214 = arith.addi %add3A_190, %add3A_213 : i32
      %sub3A_215 = arith.constant 2 : i32
      %sub3A_216 = arith.subi %add3A_214, %sub3A_215 : i32
      %lt3A_217 = arith.constant 200 : i32
      %lt3A_218 = arith.cmpi slt, %sub3A_216, %lt3A_217 : i32
      %convert_element_type3A_219 = arith.extui %lt3A_218 : i1 to i32
      %cond3A_220 = arith.constant 0 : i32
      %cond3A_221 = arith.cmpi ne, %convert_element_type3A_219, %cond3A_220 : i32
      scf.if %cond3A_221 {
        %add3A_222 = arith.constant 5 : i32
        %add3A_223 = arith.addi %add3A_190, %add3A_222 : i32
        %sub3A_224 = arith.constant 2 : i32
        %sub3A_225 = arith.subi %add3A_223, %sub3A_224 : i32
        %dma_start3A_226 = arith.constant 0 : i32
        %dma_start3A_227 = tpu.memref_slice %arg6[%sub3A_225, %dma_start3A_226] : memref<200x100xi32, #tpu.memory_space<vmem>> -> memref<1x100xi32, #tpu.memory_space<vmem>>
        %dma_start3A_228 = tpu.memref_squeeze %dma_start3A_227 : memref<1x100xi32, #tpu.memory_space<vmem>> -> memref<100xi32, #tpu.memory_space<vmem>>
        %dma_start3A_229 = arith.constant 0 : i32
        %dma_start3A_230 = arith.constant 0 : i32
        %dma_start3A_231 = tpu.memref_slice %arg2[%arg0, %dma_start3A_229, %dma_start3A_230] : memref<2x10240x64xf32, #tpu.memory_space<hbm>> -> memref<1x10240x64xf32, #tpu.memory_space<hbm>>
        %dma_start3A_232 = tpu.memref_squeeze %dma_start3A_231 : memref<1x10240x64xf32, #tpu.memory_space<hbm>> -> memref<10240x64xf32, #tpu.memory_space<hbm>>
        %dma_start3A_233 = arith.constant 0 : i32
        %dma_start3A_234 = arith.constant 0 : i32
        %dma_start3A_235 = tpu.memref_slice %dma_start3A_232[%dma_start3A_233, %dma_start3A_234] : memref<10240x64xf32, #tpu.memory_space<hbm>> -> memref<10240x64xf32, #tpu.memory_space<hbm>>
        tpu.enqueue_indirect_dma source(%dma_start3A_235 : memref<10240x64xf32, #tpu.memory_space<hbm>>) target(%arg10 : memref<100x64xf32, #tpu.memory_space<vmem>>) offsets(%dma_start3A_228 : memref<100xi32, #tpu.memory_space<vmem>>) semaphore(%arg14 : memref<!tpu.dma_semaphore, #tpu.memory_space<semaphore_mem>>)
      } else {
      }
    }
    %scan3A_37 = arith.constant 40 : i32
    %dma_wait3A = arith.constant 0 : i32
    %dma_wait3A_38 = arith.constant 0 : i32
    %dma_wait3A_39 = tpu.memref_slice %arg7[%dma_wait3A, %dma_wait3A_38] : memref<200x100xi32, #tpu.memory_space<vmem>> -> memref<1x100xi32, #tpu.memory_space<vmem>>
    %dma_wait3A_40 = tpu.memref_squeeze %dma_wait3A_39 : memref<1x100xi32, #tpu.memory_space<vmem>> -> memref<100xi32, #tpu.memory_space<vmem>>
    %dma_wait3A_41 = arith.constant 0 : i32
    %dma_wait3A_42 = arith.constant 0 : i32
    %dma_wait3A_43 = tpu.memref_slice %arg13[%dma_wait3A_41, %dma_wait3A_42] : memref<10240x64xf32, #tpu.memory_space<vmem_shared>> -> memref<10240x64xf32, #tpu.memory_space<vmem_shared>>
    tpu.wait_indirect_dma semaphore(%arg15 : memref<!tpu.dma_semaphore, #tpu.memory_space<semaphore_mem>>) src(%arg8 : memref<100x64xf32, #tpu.memory_space<vmem>>) dst(%dma_wait3A_43 : memref<10240x64xf32, #tpu.memory_space<vmem_shared>>)
    %dma_wait3A_44 = arith.constant 0 : i32
    %dma_wait3A_45 = arith.constant 0 : i32
    %dma_wait3A_46 = tpu.memref_slice %arg7[%dma_wait3A_44, %dma_wait3A_45] : memref<200x100xi32, #tpu.memory_space<vmem>> -> memref<1x100xi32, #tpu.memory_space<vmem>>
    %dma_wait3A_47 = tpu.memref_squeeze %dma_wait3A_46 : memref<1x100xi32, #tpu.memory_space<vmem>> -> memref<100xi32, #tpu.memory_space<vmem>>
    %dma_wait3A_48 = arith.constant 0 : i32
    %dma_wait3A_49 = arith.constant 0 : i32
    %dma_wait3A_50 = tpu.memref_slice %arg13[%dma_wait3A_48, %dma_wait3A_49] : memref<10240x64xf32, #tpu.memory_space<vmem_shared>> -> memref<10240x64xf32, #tpu.memory_space<vmem_shared>>
    tpu.wait_indirect_dma semaphore(%arg15 : memref<!tpu.dma_semaphore, #tpu.memory_space<semaphore_mem>>) src(%arg8 : memref<100x64xf32, #tpu.memory_space<vmem>>) dst(%dma_wait3A_50 : memref<10240x64xf32, #tpu.memory_space<vmem_shared>>)
    %barrier3A_51 = arith.constant 0 : index
    tpu.barrier barrier_id(%barrier3A_51)
    "tpu.region"() ({
      %run_scoped3A = tpu.sem_alloc : memref<!tpu.dma_semaphore, #tpu.memory_space<semaphore_mem>>
      %dma_start3A_52 = arith.constant 0 : i32
      %dma_start3A_53 = tpu.memref_slice %arg5[%arg0, %mul3A_0, %dma_start3A_52] : memref<2x10240x64xf32, #tpu.memory_space<hbm>> -> memref<1x640x64xf32, #tpu.memory_space<hbm>>
      %dma_start3A_54 = tpu.memref_squeeze %dma_start3A_53 : memref<1x640x64xf32, #tpu.memory_space<hbm>> -> memref<640x64xf32, #tpu.memory_space<hbm>>
      %dma_start3A_55 = arith.constant 0 : i32
      %dma_start3A_56 = tpu.memref_slice %arg13[%mul3A_0, %dma_start3A_55] : memref<10240x64xf32, #tpu.memory_space<vmem_shared>> -> memref<640x64xf32, #tpu.memory_space<vmem_shared>>
      tpu.enqueue_dma source(%dma_start3A_56 : memref<640x64xf32, #tpu.memory_space<vmem_shared>>) target(%dma_start3A_54 : memref<640x64xf32, #tpu.memory_space<hbm>>) target_semaphore(%run_scoped3A : memref<!tpu.dma_semaphore, #tpu.memory_space<semaphore_mem>>)
      %dma_wait3A_57 = arith.constant 0 : i32
      %dma_wait3A_58 = tpu.memref_slice %arg5[%arg0, %mul3A_0, %dma_wait3A_57] : memref<2x10240x64xf32, #tpu.memory_space<hbm>> -> memref<1x640x64xf32, #tpu.memory_space<hbm>>
      %dma_wait3A_59 = tpu.memref_squeeze %dma_wait3A_58 : memref<1x640x64xf32, #tpu.memory_space<hbm>> -> memref<640x64xf32, #tpu.memory_space<hbm>>
      %dma_wait3A_60 = arith.constant 0 : i32
      %dma_wait3A_61 = tpu.memref_slice %arg13[%mul3A_0, %dma_wait3A_60] : memref<10240x64xf32, #tpu.memory_space<vmem_shared>> -> memref<640x64xf32, #tpu.memory_space<vmem_shared>>
      tpu.wait_dma2 semaphore(%run_scoped3A : memref<!tpu.dma_semaphore, #tpu.memory_space<semaphore_mem>>) src(%dma_wait3A_61 : memref<640x64xf32, #tpu.memory_space<vmem_shared>>) dst(%dma_wait3A_59 : memref<640x64xf32, #tpu.memory_space<hbm>>)
      tpu.yield
    }) : () -> ()
    return
  }
}

#map = affine_map<(d0, d1) -> (0, 0, 0)>
module attributes {stable_mosaic.version = 14 : i64} {
  func.func @_agg_body(%arg0: i32, %arg1: i32, %arg2: memref<2x10240x64xf32, #tpu.memory_space<hbm>>, %arg3: memref<16x200x100xi32, #tpu.memory_space<hbm>>, %arg4: memref<16x200x100xi32, #tpu.memory_space<hbm>>, %arg5: memref<2x10240x64xf32, #tpu.memory_space<hbm>>, %arg6: memref<200x100xi32, #tpu.memory_space<vmem>>, %arg7: memref<200x100xi32, #tpu.memory_space<vmem>>, %arg8: memref<100x64xf32, #tpu.memory_space<vmem>>, %arg9: memref<100x64xf32, #tpu.memory_space<vmem>>, %arg10: memref<100x64xf32, #tpu.memory_space<vmem>>, %arg11: memref<100x64xf32, #tpu.memory_space<vmem>>, %arg12: memref<100x64xf32, #tpu.memory_space<vmem>>, %arg13: memref<10240x64xf32, #tpu.memory_space<vmem_shared>>, %arg14: memref<!tpu.dma_semaphore, #tpu.memory_space<semaphore_mem>>, %arg15: memref<!tpu.dma_semaphore, #tpu.memory_space<semaphore_mem>>) attributes {dimension_semantics = [#tpu.dimension_semantics<core_parallel>, #tpu.dimension_semantics<subcore_parallel>], iteration_bounds = array<i64: 2, 16>, scalar_prefetch = 0 : i64, scratch_operands = 10 : i64, tpu.core_type = #tpu.core_type<sc_vector_subcore>, window_params = [{transform_indices = #map}, {transform_indices = #map}, {transform_indices = #map}, {transform_indices = #map}]} {
    %mul3A = arith.constant 640 : i32
    %mul3A_0 = arith.muli %arg1, %mul3A : i32
    "tpu.region"() ({
      %run_scoped3A = tpu.sem_alloc : memref<!tpu.dma_semaphore, #tpu.memory_space<semaphore_mem>>
      %dma_start3A_52 = arith.constant 0 : i32
      %dma_start3A_53 = tpu.memref_slice %arg13[%mul3A_0, %dma_start3A_52] : memref<10240x64xf32, #tpu.memory_space<vmem_shared>> -> memref<640x64xf32, #tpu.memory_space<vmem_shared>>
      %dma_start3A_54 = arith.constant 0 : i32
      %dma_start3A_55 = arith.constant 0 : i32
      %dma_start3A_56 = tpu.memref_slice %arg2[%arg0, %dma_start3A_54, %dma_start3A_55] : memref<2x10240x64xf32, #tpu.memory_space<hbm>> -> memref<1x10240x64xf32, #tpu.memory_space<hbm>>
      %dma_start3A_57 = tpu.memref_squeeze %dma_start3A_56 : memref<1x10240x64xf32, #tpu.memory_space<hbm>> -> memref<10240x64xf32, #tpu.memory_space<hbm>>
      %dma_start3A_58 = arith.constant 0 : i32
      %dma_start3A_59 = tpu.memref_slice %dma_start3A_57[%mul3A_0, %dma_start3A_58] : memref<10240x64xf32, #tpu.memory_space<hbm>> -> memref<640x64xf32, #tpu.memory_space<hbm>>
      tpu.enqueue_dma source(%dma_start3A_59 : memref<640x64xf32, #tpu.memory_space<hbm>>) target(%dma_start3A_53 : memref<640x64xf32, #tpu.memory_space<vmem_shared>>) target_semaphore(%run_scoped3A : memref<!tpu.dma_semaphore, #tpu.memory_space<semaphore_mem>>)
      %dma_wait3A_60 = arith.constant 0 : i32
      %dma_wait3A_61 = tpu.memref_slice %arg13[%mul3A_0, %dma_wait3A_60] : memref<10240x64xf32, #tpu.memory_space<vmem_shared>> -> memref<640x64xf32, #tpu.memory_space<vmem_shared>>
      %dma_wait3A_62 = arith.constant 0 : i32
      %dma_wait3A_63 = arith.constant 0 : i32
      %dma_wait3A_64 = tpu.memref_slice %arg2[%arg0, %dma_wait3A_62, %dma_wait3A_63] : memref<2x10240x64xf32, #tpu.memory_space<hbm>> -> memref<1x10240x64xf32, #tpu.memory_space<hbm>>
      %dma_wait3A_65 = tpu.memref_squeeze %dma_wait3A_64 : memref<1x10240x64xf32, #tpu.memory_space<hbm>> -> memref<10240x64xf32, #tpu.memory_space<hbm>>
      %dma_wait3A_66 = arith.constant 0 : i32
      %dma_wait3A_67 = tpu.memref_slice %dma_wait3A_65[%mul3A_0, %dma_wait3A_66] : memref<10240x64xf32, #tpu.memory_space<hbm>> -> memref<640x64xf32, #tpu.memory_space<hbm>>
      tpu.wait_dma2 semaphore(%run_scoped3A : memref<!tpu.dma_semaphore, #tpu.memory_space<semaphore_mem>>) src(%dma_wait3A_67 : memref<640x64xf32, #tpu.memory_space<hbm>>) dst(%dma_wait3A_61 : memref<640x64xf32, #tpu.memory_space<vmem_shared>>)
      tpu.yield
    }) : () -> ()
    "tpu.region"() ({
      %run_scoped3A = tpu.sem_alloc : memref<!tpu.dma_semaphore, #tpu.memory_space<semaphore_mem>>
      %dma_start3A_52 = arith.constant 0 : i32
      %dma_start3A_53 = arith.constant 0 : i32
      %dma_start3A_54 = tpu.memref_slice %arg3[%arg1, %dma_start3A_52, %dma_start3A_53] : memref<16x200x100xi32, #tpu.memory_space<hbm>> -> memref<1x200x100xi32, #tpu.memory_space<hbm>>
      %dma_start3A_55 = tpu.memref_squeeze %dma_start3A_54 : memref<1x200x100xi32, #tpu.memory_space<hbm>> -> memref<200x100xi32, #tpu.memory_space<hbm>>
      %dma_start3A_56 = arith.constant 0 : i32
      %dma_start3A_57 = arith.constant 0 : i32
      %dma_start3A_58 = tpu.memref_slice %arg3[%arg1, %dma_start3A_56, %dma_start3A_57] : memref<16x200x100xi32, #tpu.memory_space<hbm>> -> memref<1x200x100xi32, #tpu.memory_space<hbm>>
      %dma_start3A_59 = tpu.memref_squeeze %dma_start3A_58 : memref<1x200x100xi32, #tpu.memory_space<hbm>> -> memref<200x100xi32, #tpu.memory_space<hbm>>
      tpu.enqueue_dma source(%dma_start3A_59 : memref<200x100xi32, #tpu.memory_space<hbm>>) target(%arg6 : memref<200x100xi32, #tpu.memory_space<vmem>>) target_semaphore(%run_scoped3A : memref<!tpu.dma_semaphore, #tpu.memory_space<semaphore_mem>>)
      %dma_wait3A_60 = arith.constant 0 : i32
      %dma_wait3A_61 = arith.constant 0 : i32
      %dma_wait3A_62 = tpu.memref_slice %arg3[%arg1, %dma_wait3A_60, %dma_wait3A_61] : memref<16x200x100xi32, #tpu.memory_space<hbm>> -> memref<1x200x100xi32, #tpu.memory_space<hbm>>
      %dma_wait3A_63 = tpu.memref_squeeze %dma_wait3A_62 : memref<1x200x100xi32, #tpu.memory_space<hbm>> -> memref<200x100xi32, #tpu.memory_space<hbm>>
      %dma_wait3A_64 = arith.constant 0 : i32
      %dma_wait3A_65 = arith.constant 0 : i32
      %dma_wait3A_66 = tpu.memref_slice %arg3[%arg1, %dma_wait3A_64, %dma_wait3A_65] : memref<16x200x100xi32, #tpu.memory_space<hbm>> -> memref<1x200x100xi32, #tpu.memory_space<hbm>>
      %dma_wait3A_67 = tpu.memref_squeeze %dma_wait3A_66 : memref<1x200x100xi32, #tpu.memory_space<hbm>> -> memref<200x100xi32, #tpu.memory_space<hbm>>
      tpu.wait_dma2 semaphore(%run_scoped3A : memref<!tpu.dma_semaphore, #tpu.memory_space<semaphore_mem>>) src(%dma_wait3A_67 : memref<200x100xi32, #tpu.memory_space<hbm>>) dst(%arg6 : memref<200x100xi32, #tpu.memory_space<vmem>>)
      tpu.yield
    }) : () -> ()
    "tpu.region"() ({
      %run_scoped3A = tpu.sem_alloc : memref<!tpu.dma_semaphore, #tpu.memory_space<semaphore_mem>>
      %dma_start3A_52 = arith.constant 0 : i32
      %dma_start3A_53 = arith.constant 0 : i32
      %dma_start3A_54 = tpu.memref_slice %arg4[%arg1, %dma_start3A_52, %dma_start3A_53] : memref<16x200x100xi32, #tpu.memory_space<hbm>> -> memref<1x200x100xi32, #tpu.memory_space<hbm>>
      %dma_start3A_55 = tpu.memref_squeeze %dma_start3A_54 : memref<1x200x100xi32, #tpu.memory_space<hbm>> -> memref<200x100xi32, #tpu.memory_space<hbm>>
      %dma_start3A_56 = arith.constant 0 : i32
      %dma_start3A_57 = arith.constant 0 : i32
      %dma_start3A_58 = tpu.memref_slice %arg4[%arg1, %dma_start3A_56, %dma_start3A_57] : memref<16x200x100xi32, #tpu.memory_space<hbm>> -> memref<1x200x100xi32, #tpu.memory_space<hbm>>
      %dma_start3A_59 = tpu.memref_squeeze %dma_start3A_58 : memref<1x200x100xi32, #tpu.memory_space<hbm>> -> memref<200x100xi32, #tpu.memory_space<hbm>>
      tpu.enqueue_dma source(%dma_start3A_59 : memref<200x100xi32, #tpu.memory_space<hbm>>) target(%arg7 : memref<200x100xi32, #tpu.memory_space<vmem>>) target_semaphore(%run_scoped3A : memref<!tpu.dma_semaphore, #tpu.memory_space<semaphore_mem>>)
      %dma_wait3A_60 = arith.constant 0 : i32
      %dma_wait3A_61 = arith.constant 0 : i32
      %dma_wait3A_62 = tpu.memref_slice %arg4[%arg1, %dma_wait3A_60, %dma_wait3A_61] : memref<16x200x100xi32, #tpu.memory_space<hbm>> -> memref<1x200x100xi32, #tpu.memory_space<hbm>>
      %dma_wait3A_63 = tpu.memref_squeeze %dma_wait3A_62 : memref<1x200x100xi32, #tpu.memory_space<hbm>> -> memref<200x100xi32, #tpu.memory_space<hbm>>
      %dma_wait3A_64 = arith.constant 0 : i32
      %dma_wait3A_65 = arith.constant 0 : i32
      %dma_wait3A_66 = tpu.memref_slice %arg4[%arg1, %dma_wait3A_64, %dma_wait3A_65] : memref<16x200x100xi32, #tpu.memory_space<hbm>> -> memref<1x200x100xi32, #tpu.memory_space<hbm>>
      %dma_wait3A_67 = tpu.memref_squeeze %dma_wait3A_66 : memref<1x200x100xi32, #tpu.memory_space<hbm>> -> memref<200x100xi32, #tpu.memory_space<hbm>>
      tpu.wait_dma2 semaphore(%run_scoped3A : memref<!tpu.dma_semaphore, #tpu.memory_space<semaphore_mem>>) src(%dma_wait3A_67 : memref<200x100xi32, #tpu.memory_space<hbm>>) dst(%arg7 : memref<200x100xi32, #tpu.memory_space<vmem>>)
      tpu.yield
    }) : () -> ()
    %barrier3A = arith.constant 0 : index
    tpu.barrier barrier_id(%barrier3A)
    %dma_start3A = arith.constant 0 : i32
    %dma_start3A_1 = arith.constant 0 : i32
    %dma_start3A_2 = tpu.memref_slice %arg6[%dma_start3A, %dma_start3A_1] : memref<200x100xi32, #tpu.memory_space<vmem>> -> memref<1x100xi32, #tpu.memory_space<vmem>>
    %dma_start3A_3 = tpu.memref_squeeze %dma_start3A_2 : memref<1x100xi32, #tpu.memory_space<vmem>> -> memref<100xi32, #tpu.memory_space<vmem>>
    %dma_start3A_4 = arith.constant 0 : i32
    %dma_start3A_5 = arith.constant 0 : i32
    %dma_start3A_6 = tpu.memref_slice %arg2[%arg0, %dma_start3A_4, %dma_start3A_5] : memref<2x10240x64xf32, #tpu.memory_space<hbm>> -> memref<1x10240x64xf32, #tpu.memory_space<hbm>>
    %dma_start3A_7 = tpu.memref_squeeze %dma_start3A_6 : memref<1x10240x64xf32, #tpu.memory_space<hbm>> -> memref<10240x64xf32, #tpu.memory_space<hbm>>
    %dma_start3A_8 = arith.constant 0 : i32
    %dma_start3A_9 = arith.constant 0 : i32
    %dma_start3A_10 = tpu.memref_slice %dma_start3A_7[%dma_start3A_8, %dma_start3A_9] : memref<10240x64xf32, #tpu.memory_space<hbm>> -> memref<10240x64xf32, #tpu.memory_space<hbm>>
    tpu.enqueue_indirect_dma source(%dma_start3A_10 : memref<10240x64xf32, #tpu.memory_space<hbm>>) target(%arg8 : memref<100x64xf32, #tpu.memory_space<vmem>>) offsets(%dma_start3A_3 : memref<100xi32, #tpu.memory_space<vmem>>) semaphore(%arg14 : memref<!tpu.dma_semaphore, #tpu.memory_space<semaphore_mem>>)
    %dma_start3A_11 = arith.constant 1 : i32
    %dma_start3A_12 = arith.constant 0 : i32
    %dma_start3A_13 = tpu.memref_slice %arg6[%dma_start3A_11, %dma_start3A_12] : memref<200x100xi32, #tpu.memory_space<vmem>> -> memref<1x100xi32, #tpu.memory_space<vmem>>
    %dma_start3A_14 = tpu.memref_squeeze %dma_start3A_13 : memref<1x100xi32, #tpu.memory_space<vmem>> -> memref<100xi32, #tpu.memory_space<vmem>>
    %dma_start3A_15 = arith.constant 0 : i32
    %dma_start3A_16 = arith.constant 0 : i32
    %dma_start3A_17 = tpu.memref_slice %arg2[%arg0, %dma_start3A_15, %dma_start3A_16] : memref<2x10240x64xf32, #tpu.memory_space<hbm>> -> memref<1x10240x64xf32, #tpu.memory_space<hbm>>
    %dma_start3A_18 = tpu.memref_squeeze %dma_start3A_17 : memref<1x10240x64xf32, #tpu.memory_space<hbm>> -> memref<10240x64xf32, #tpu.memory_space<hbm>>
    %dma_start3A_19 = arith.constant 0 : i32
    %dma_start3A_20 = arith.constant 0 : i32
    %dma_start3A_21 = tpu.memref_slice %dma_start3A_18[%dma_start3A_19, %dma_start3A_20] : memref<10240x64xf32, #tpu.memory_space<hbm>> -> memref<10240x64xf32, #tpu.memory_space<hbm>>
    tpu.enqueue_indirect_dma source(%dma_start3A_21 : memref<10240x64xf32, #tpu.memory_space<hbm>>) target(%arg9 : memref<100x64xf32, #tpu.memory_space<vmem>>) offsets(%dma_start3A_14 : memref<100xi32, #tpu.memory_space<vmem>>) semaphore(%arg14 : memref<!tpu.dma_semaphore, #tpu.memory_space<semaphore_mem>>)
    %dma_start3A_22 = arith.constant 2 : i32
    %dma_start3A_23 = arith.constant 0 : i32
    %dma_start3A_24 = tpu.memref_slice %arg6[%dma_start3A_22, %dma_start3A_23] : memref<200x100xi32, #tpu.memory_space<vmem>> -> memref<1x100xi32, #tpu.memory_space<vmem>>
    %dma_start3A_25 = tpu.memref_squeeze %dma_start3A_24 : memref<1x100xi32, #tpu.memory_space<vmem>> -> memref<100xi32, #tpu.memory_space<vmem>>
    %dma_start3A_26 = arith.constant 0 : i32
    %dma_start3A_27 = arith.constant 0 : i32
    %dma_start3A_28 = tpu.memref_slice %arg2[%arg0, %dma_start3A_26, %dma_start3A_27] : memref<2x10240x64xf32, #tpu.memory_space<hbm>> -> memref<1x10240x64xf32, #tpu.memory_space<hbm>>
    %dma_start3A_29 = tpu.memref_squeeze %dma_start3A_28 : memref<1x10240x64xf32, #tpu.memory_space<hbm>> -> memref<10240x64xf32, #tpu.memory_space<hbm>>
    %dma_start3A_30 = arith.constant 0 : i32
    %dma_start3A_31 = arith.constant 0 : i32
    %dma_start3A_32 = tpu.memref_slice %dma_start3A_29[%dma_start3A_30, %dma_start3A_31] : memref<10240x64xf32, #tpu.memory_space<hbm>> -> memref<10240x64xf32, #tpu.memory_space<hbm>>
    tpu.enqueue_indirect_dma source(%dma_start3A_32 : memref<10240x64xf32, #tpu.memory_space<hbm>>) target(%arg10 : memref<100x64xf32, #tpu.memory_space<vmem>>) offsets(%dma_start3A_25 : memref<100xi32, #tpu.memory_space<vmem>>) semaphore(%arg14 : memref<!tpu.dma_semaphore, #tpu.memory_space<semaphore_mem>>)
    %scan3A = arith.constant 0 : i32
    %scan3A_33 = arith.constant 0 : i32
    %scan3A_34 = arith.constant 40 : i32
    %scan3A_35 = arith.addi %scan3A_33, %scan3A_34 : i32
    %scan3A_36 = arith.constant 1 : i32
    scf.for %scan3A_52 = %scan3A_33 to %scan3A_35 step %scan3A_36  : i32 {
      %mul3A_53 = arith.constant 5 : i32
      %mul3A_54 = arith.muli %scan3A_52, %mul3A_53 : i32
      %add3A = arith.constant 0 : i32
      %add3A_55 = arith.addi %mul3A_54, %add3A : i32
      %dma_wait3A_56 = arith.constant 0 : i32
      %dma_wait3A_57 = arith.constant 0 : i32
      %dma_wait3A_58 = tpu.memref_slice %arg6[%dma_wait3A_56, %dma_wait3A_57] : memref<200x100xi32, #tpu.memory_space<vmem>> -> memref<1x100xi32, #tpu.memory_space<vmem>>
      %dma_wait3A_59 = tpu.memref_squeeze %dma_wait3A_58 : memref<1x100xi32, #tpu.memory_space<vmem>> -> memref<100xi32, #tpu.memory_space<vmem>>
      %dma_wait3A_60 = arith.constant 0 : i32
      %dma_wait3A_61 = arith.constant 0 : i32
      %dma_wait3A_62 = tpu.memref_slice %arg2[%arg0, %dma_wait3A_60, %dma_wait3A_61] : memref<2x10240x64xf32, #tpu.memory_space<hbm>> -> memref<1x10240x64xf32, #tpu.memory_space<hbm>>
      %dma_wait3A_63 = tpu.memref_squeeze %dma_wait3A_62 : memref<1x10240x64xf32, #tpu.memory_space<hbm>> -> memref<10240x64xf32, #tpu.memory_space<hbm>>
      %dma_wait3A_64 = arith.constant 0 : i32
      %dma_wait3A_65 = arith.constant 0 : i32
      %dma_wait3A_66 = tpu.memref_slice %dma_wait3A_63[%dma_wait3A_64, %dma_wait3A_65] : memref<10240x64xf32, #tpu.memory_space<hbm>> -> memref<10240x64xf32, #tpu.memory_space<hbm>>
      tpu.wait_indirect_dma semaphore(%arg14 : memref<!tpu.dma_semaphore, #tpu.memory_space<semaphore_mem>>) src(%dma_wait3A_66 : memref<10240x64xf32, #tpu.memory_space<hbm>>) dst(%arg8 : memref<100x64xf32, #tpu.memory_space<vmem>>)
      %dma_start3A_67 = arith.constant 0 : i32
      %dma_start3A_68 = tpu.memref_slice %arg7[%add3A_55, %dma_start3A_67] : memref<200x100xi32, #tpu.memory_space<vmem>> -> memref<1x100xi32, #tpu.memory_space<vmem>>
      %dma_start3A_69 = tpu.memref_squeeze %dma_start3A_68 : memref<1x100xi32, #tpu.memory_space<vmem>> -> memref<100xi32, #tpu.memory_space<vmem>>
      %dma_start3A_70 = arith.constant 0 : i32
      %dma_start3A_71 = arith.constant 0 : i32
      %dma_start3A_72 = tpu.memref_slice %arg13[%dma_start3A_70, %dma_start3A_71] : memref<10240x64xf32, #tpu.memory_space<vmem_shared>> -> memref<10240x64xf32, #tpu.memory_space<vmem_shared>>
      tpu.enqueue_indirect_dma source(%arg8 : memref<100x64xf32, #tpu.memory_space<vmem>>) target(%dma_start3A_72 : memref<10240x64xf32, #tpu.memory_space<vmem_shared>>) offsets(%dma_start3A_69 : memref<100xi32, #tpu.memory_space<vmem>>) semaphore(%arg15 : memref<!tpu.dma_semaphore, #tpu.memory_space<semaphore_mem>>) {add = true}
      %ge3A = arith.constant 2 : i32
      %ge3A_73 = arith.cmpi sge, %add3A_55, %ge3A : i32
      %convert_element_type3A = arith.extui %ge3A_73 : i1 to i32
      %cond3A = arith.constant 0 : i32
      %cond3A_74 = arith.cmpi ne, %convert_element_type3A, %cond3A : i32
      scf.if %cond3A_74 {
        %dma_wait3A_222 = arith.constant 0 : i32
        %dma_wait3A_223 = tpu.memref_slice %arg7[%add3A_55, %dma_wait3A_222] : memref<200x100xi32, #tpu.memory_space<vmem>> -> memref<1x100xi32, #tpu.memory_space<vmem>>
        %dma_wait3A_224 = tpu.memref_squeeze %dma_wait3A_223 : memref<1x100xi32, #tpu.memory_space<vmem>> -> memref<100xi32, #tpu.memory_space<vmem>>
        %dma_wait3A_225 = arith.constant 0 : i32
        %dma_wait3A_226 = arith.constant 0 : i32
        %dma_wait3A_227 = tpu.memref_slice %arg13[%dma_wait3A_225, %dma_wait3A_226] : memref<10240x64xf32, #tpu.memory_space<vmem_shared>> -> memref<10240x64xf32, #tpu.memory_space<vmem_shared>>
        tpu.wait_indirect_dma semaphore(%arg15 : memref<!tpu.dma_semaphore, #tpu.memory_space<semaphore_mem>>) src(%arg8 : memref<100x64xf32, #tpu.memory_space<vmem>>) dst(%dma_wait3A_227 : memref<10240x64xf32, #tpu.memory_space<vmem_shared>>)
      } else {
      }
      %add3A_75 = arith.constant 5 : i32
      %add3A_76 = arith.addi %add3A_55, %add3A_75 : i32
      %sub3A = arith.constant 2 : i32
      %sub3A_77 = arith.subi %add3A_76, %sub3A : i32
      %lt3A = arith.constant 200 : i32
      %lt3A_78 = arith.cmpi slt, %sub3A_77, %lt3A : i32
      %convert_element_type3A_79 = arith.extui %lt3A_78 : i1 to i32
      %cond3A_80 = arith.constant 0 : i32
      %cond3A_81 = arith.cmpi ne, %convert_element_type3A_79, %cond3A_80 : i32
      scf.if %cond3A_81 {
        %add3A_222 = arith.constant 5 : i32
        %add3A_223 = arith.addi %add3A_55, %add3A_222 : i32
        %sub3A_224 = arith.constant 2 : i32
        %sub3A_225 = arith.subi %add3A_223, %sub3A_224 : i32
        %dma_start3A_226 = arith.constant 0 : i32
        %dma_start3A_227 = tpu.memref_slice %arg6[%sub3A_225, %dma_start3A_226] : memref<200x100xi32, #tpu.memory_space<vmem>> -> memref<1x100xi32, #tpu.memory_space<vmem>>
        %dma_start3A_228 = tpu.memref_squeeze %dma_start3A_227 : memref<1x100xi32, #tpu.memory_space<vmem>> -> memref<100xi32, #tpu.memory_space<vmem>>
        %dma_start3A_229 = arith.constant 0 : i32
        %dma_start3A_230 = arith.constant 0 : i32
        %dma_start3A_231 = tpu.memref_slice %arg2[%arg0, %dma_start3A_229, %dma_start3A_230] : memref<2x10240x64xf32, #tpu.memory_space<hbm>> -> memref<1x10240x64xf32, #tpu.memory_space<hbm>>
        %dma_start3A_232 = tpu.memref_squeeze %dma_start3A_231 : memref<1x10240x64xf32, #tpu.memory_space<hbm>> -> memref<10240x64xf32, #tpu.memory_space<hbm>>
        %dma_start3A_233 = arith.constant 0 : i32
        %dma_start3A_234 = arith.constant 0 : i32
        %dma_start3A_235 = tpu.memref_slice %dma_start3A_232[%dma_start3A_233, %dma_start3A_234] : memref<10240x64xf32, #tpu.memory_space<hbm>> -> memref<10240x64xf32, #tpu.memory_space<hbm>>
        tpu.enqueue_indirect_dma source(%dma_start3A_235 : memref<10240x64xf32, #tpu.memory_space<hbm>>) target(%arg11 : memref<100x64xf32, #tpu.memory_space<vmem>>) offsets(%dma_start3A_228 : memref<100xi32, #tpu.memory_space<vmem>>) semaphore(%arg14 : memref<!tpu.dma_semaphore, #tpu.memory_space<semaphore_mem>>)
      } else {
      }
      %mul3A_82 = arith.constant 5 : i32
      %mul3A_83 = arith.muli %scan3A_52, %mul3A_82 : i32
      %add3A_84 = arith.constant 1 : i32
      %add3A_85 = arith.addi %mul3A_83, %add3A_84 : i32
      %dma_wait3A_86 = arith.constant 1 : i32
      %dma_wait3A_87 = arith.constant 0 : i32
      %dma_wait3A_88 = tpu.memref_slice %arg6[%dma_wait3A_86, %dma_wait3A_87] : memref<200x100xi32, #tpu.memory_space<vmem>> -> memref<1x100xi32, #tpu.memory_space<vmem>>
      %dma_wait3A_89 = tpu.memref_squeeze %dma_wait3A_88 : memref<1x100xi32, #tpu.memory_space<vmem>> -> memref<100xi32, #tpu.memory_space<vmem>>
      %dma_wait3A_90 = arith.constant 0 : i32
      %dma_wait3A_91 = arith.constant 0 : i32
      %dma_wait3A_92 = tpu.memref_slice %arg2[%arg0, %dma_wait3A_90, %dma_wait3A_91] : memref<2x10240x64xf32, #tpu.memory_space<hbm>> -> memref<1x10240x64xf32, #tpu.memory_space<hbm>>
      %dma_wait3A_93 = tpu.memref_squeeze %dma_wait3A_92 : memref<1x10240x64xf32, #tpu.memory_space<hbm>> -> memref<10240x64xf32, #tpu.memory_space<hbm>>
      %dma_wait3A_94 = arith.constant 0 : i32
      %dma_wait3A_95 = arith.constant 0 : i32
      %dma_wait3A_96 = tpu.memref_slice %dma_wait3A_93[%dma_wait3A_94, %dma_wait3A_95] : memref<10240x64xf32, #tpu.memory_space<hbm>> -> memref<10240x64xf32, #tpu.memory_space<hbm>>
      tpu.wait_indirect_dma semaphore(%arg14 : memref<!tpu.dma_semaphore, #tpu.memory_space<semaphore_mem>>) src(%dma_wait3A_96 : memref<10240x64xf32, #tpu.memory_space<hbm>>) dst(%arg9 : memref<100x64xf32, #tpu.memory_space<vmem>>)
      %dma_start3A_97 = arith.constant 0 : i32
      %dma_start3A_98 = tpu.memref_slice %arg7[%add3A_85, %dma_start3A_97] : memref<200x100xi32, #tpu.memory_space<vmem>> -> memref<1x100xi32, #tpu.memory_space<vmem>>
      %dma_start3A_99 = tpu.memref_squeeze %dma_start3A_98 : memref<1x100xi32, #tpu.memory_space<vmem>> -> memref<100xi32, #tpu.memory_space<vmem>>
      %dma_start3A_100 = arith.constant 0 : i32
      %dma_start3A_101 = arith.constant 0 : i32
      %dma_start3A_102 = tpu.memref_slice %arg13[%dma_start3A_100, %dma_start3A_101] : memref<10240x64xf32, #tpu.memory_space<vmem_shared>> -> memref<10240x64xf32, #tpu.memory_space<vmem_shared>>
      tpu.enqueue_indirect_dma source(%arg9 : memref<100x64xf32, #tpu.memory_space<vmem>>) target(%dma_start3A_102 : memref<10240x64xf32, #tpu.memory_space<vmem_shared>>) offsets(%dma_start3A_99 : memref<100xi32, #tpu.memory_space<vmem>>) semaphore(%arg15 : memref<!tpu.dma_semaphore, #tpu.memory_space<semaphore_mem>>) {add = true}
      %ge3A_103 = arith.constant 2 : i32
      %ge3A_104 = arith.cmpi sge, %add3A_85, %ge3A_103 : i32
      %convert_element_type3A_105 = arith.extui %ge3A_104 : i1 to i32
      %cond3A_106 = arith.constant 0 : i32
      %cond3A_107 = arith.cmpi ne, %convert_element_type3A_105, %cond3A_106 : i32
      scf.if %cond3A_107 {
        %dma_wait3A_222 = arith.constant 0 : i32
        %dma_wait3A_223 = tpu.memref_slice %arg7[%add3A_85, %dma_wait3A_222] : memref<200x100xi32, #tpu.memory_space<vmem>> -> memref<1x100xi32, #tpu.memory_space<vmem>>
        %dma_wait3A_224 = tpu.memref_squeeze %dma_wait3A_223 : memref<1x100xi32, #tpu.memory_space<vmem>> -> memref<100xi32, #tpu.memory_space<vmem>>
        %dma_wait3A_225 = arith.constant 0 : i32
        %dma_wait3A_226 = arith.constant 0 : i32
        %dma_wait3A_227 = tpu.memref_slice %arg13[%dma_wait3A_225, %dma_wait3A_226] : memref<10240x64xf32, #tpu.memory_space<vmem_shared>> -> memref<10240x64xf32, #tpu.memory_space<vmem_shared>>
        tpu.wait_indirect_dma semaphore(%arg15 : memref<!tpu.dma_semaphore, #tpu.memory_space<semaphore_mem>>) src(%arg9 : memref<100x64xf32, #tpu.memory_space<vmem>>) dst(%dma_wait3A_227 : memref<10240x64xf32, #tpu.memory_space<vmem_shared>>)
      } else {
      }
      %add3A_108 = arith.constant 5 : i32
      %add3A_109 = arith.addi %add3A_85, %add3A_108 : i32
      %sub3A_110 = arith.constant 2 : i32
      %sub3A_111 = arith.subi %add3A_109, %sub3A_110 : i32
      %lt3A_112 = arith.constant 200 : i32
      %lt3A_113 = arith.cmpi slt, %sub3A_111, %lt3A_112 : i32
      %convert_element_type3A_114 = arith.extui %lt3A_113 : i1 to i32
      %cond3A_115 = arith.constant 0 : i32
      %cond3A_116 = arith.cmpi ne, %convert_element_type3A_114, %cond3A_115 : i32
      scf.if %cond3A_116 {
        %add3A_222 = arith.constant 5 : i32
        %add3A_223 = arith.addi %add3A_85, %add3A_222 : i32
        %sub3A_224 = arith.constant 2 : i32
        %sub3A_225 = arith.subi %add3A_223, %sub3A_224 : i32
        %dma_start3A_226 = arith.constant 0 : i32
        %dma_start3A_227 = tpu.memref_slice %arg6[%sub3A_225, %dma_start3A_226] : memref<200x100xi32, #tpu.memory_space<vmem>> -> memref<1x100xi32, #tpu.memory_space<vmem>>
        %dma_start3A_228 = tpu.memref_squeeze %dma_start3A_227 : memref<1x100xi32, #tpu.memory_space<vmem>> -> memref<100xi32, #tpu.memory_space<vmem>>
        %dma_start3A_229 = arith.constant 0 : i32
        %dma_start3A_230 = arith.constant 0 : i32
        %dma_start3A_231 = tpu.memref_slice %arg2[%arg0, %dma_start3A_229, %dma_start3A_230] : memref<2x10240x64xf32, #tpu.memory_space<hbm>> -> memref<1x10240x64xf32, #tpu.memory_space<hbm>>
        %dma_start3A_232 = tpu.memref_squeeze %dma_start3A_231 : memref<1x10240x64xf32, #tpu.memory_space<hbm>> -> memref<10240x64xf32, #tpu.memory_space<hbm>>
        %dma_start3A_233 = arith.constant 0 : i32
        %dma_start3A_234 = arith.constant 0 : i32
        %dma_start3A_235 = tpu.memref_slice %dma_start3A_232[%dma_start3A_233, %dma_start3A_234] : memref<10240x64xf32, #tpu.memory_space<hbm>> -> memref<10240x64xf32, #tpu.memory_space<hbm>>
        tpu.enqueue_indirect_dma source(%dma_start3A_235 : memref<10240x64xf32, #tpu.memory_space<hbm>>) target(%arg12 : memref<100x64xf32, #tpu.memory_space<vmem>>) offsets(%dma_start3A_228 : memref<100xi32, #tpu.memory_space<vmem>>) semaphore(%arg14 : memref<!tpu.dma_semaphore, #tpu.memory_space<semaphore_mem>>)
      } else {
      }
      %mul3A_117 = arith.constant 5 : i32
      %mul3A_118 = arith.muli %scan3A_52, %mul3A_117 : i32
      %add3A_119 = arith.constant 2 : i32
      %add3A_120 = arith.addi %mul3A_118, %add3A_119 : i32
      %dma_wait3A_121 = arith.constant 2 : i32
      %dma_wait3A_122 = arith.constant 0 : i32
      %dma_wait3A_123 = tpu.memref_slice %arg6[%dma_wait3A_121, %dma_wait3A_122] : memref<200x100xi32, #tpu.memory_space<vmem>> -> memref<1x100xi32, #tpu.memory_space<vmem>>
      %dma_wait3A_124 = tpu.memref_squeeze %dma_wait3A_123 : memref<1x100xi32, #tpu.memory_space<vmem>> -> memref<100xi32, #tpu.memory_space<vmem>>
      %dma_wait3A_125 = arith.constant 0 : i32
      %dma_wait3A_126 = arith.constant 0 : i32
      %dma_wait3A_127 = tpu.memref_slice %arg2[%arg0, %dma_wait3A_125, %dma_wait3A_126] : memref<2x10240x64xf32, #tpu.memory_space<hbm>> -> memref<1x10240x64xf32, #tpu.memory_space<hbm>>
      %dma_wait3A_128 = tpu.memref_squeeze %dma_wait3A_127 : memref<1x10240x64xf32, #tpu.memory_space<hbm>> -> memref<10240x64xf32, #tpu.memory_space<hbm>>
      %dma_wait3A_129 = arith.constant 0 : i32
      %dma_wait3A_130 = arith.constant 0 : i32
      %dma_wait3A_131 = tpu.memref_slice %dma_wait3A_128[%dma_wait3A_129, %dma_wait3A_130] : memref<10240x64xf32, #tpu.memory_space<hbm>> -> memref<10240x64xf32, #tpu.memory_space<hbm>>
      tpu.wait_indirect_dma semaphore(%arg14 : memref<!tpu.dma_semaphore, #tpu.memory_space<semaphore_mem>>) src(%dma_wait3A_131 : memref<10240x64xf32, #tpu.memory_space<hbm>>) dst(%arg10 : memref<100x64xf32, #tpu.memory_space<vmem>>)
      %dma_start3A_132 = arith.constant 0 : i32
      %dma_start3A_133 = tpu.memref_slice %arg7[%add3A_120, %dma_start3A_132] : memref<200x100xi32, #tpu.memory_space<vmem>> -> memref<1x100xi32, #tpu.memory_space<vmem>>
      %dma_start3A_134 = tpu.memref_squeeze %dma_start3A_133 : memref<1x100xi32, #tpu.memory_space<vmem>> -> memref<100xi32, #tpu.memory_space<vmem>>
      %dma_start3A_135 = arith.constant 0 : i32
      %dma_start3A_136 = arith.constant 0 : i32
      %dma_start3A_137 = tpu.memref_slice %arg13[%dma_start3A_135, %dma_start3A_136] : memref<10240x64xf32, #tpu.memory_space<vmem_shared>> -> memref<10240x64xf32, #tpu.memory_space<vmem_shared>>
      tpu.enqueue_indirect_dma source(%arg10 : memref<100x64xf32, #tpu.memory_space<vmem>>) target(%dma_start3A_137 : memref<10240x64xf32, #tpu.memory_space<vmem_shared>>) offsets(%dma_start3A_134 : memref<100xi32, #tpu.memory_space<vmem>>) semaphore(%arg15 : memref<!tpu.dma_semaphore, #tpu.memory_space<semaphore_mem>>) {add = true}
      %ge3A_138 = arith.constant 2 : i32
      %ge3A_139 = arith.cmpi sge, %add3A_120, %ge3A_138 : i32
      %convert_element_type3A_140 = arith.extui %ge3A_139 : i1 to i32
      %cond3A_141 = arith.constant 0 : i32
      %cond3A_142 = arith.cmpi ne, %convert_element_type3A_140, %cond3A_141 : i32
      scf.if %cond3A_142 {
        %dma_wait3A_222 = arith.constant 0 : i32
        %dma_wait3A_223 = tpu.memref_slice %arg7[%add3A_120, %dma_wait3A_222] : memref<200x100xi32, #tpu.memory_space<vmem>> -> memref<1x100xi32, #tpu.memory_space<vmem>>
        %dma_wait3A_224 = tpu.memref_squeeze %dma_wait3A_223 : memref<1x100xi32, #tpu.memory_space<vmem>> -> memref<100xi32, #tpu.memory_space<vmem>>
        %dma_wait3A_225 = arith.constant 0 : i32
        %dma_wait3A_226 = arith.constant 0 : i32
        %dma_wait3A_227 = tpu.memref_slice %arg13[%dma_wait3A_225, %dma_wait3A_226] : memref<10240x64xf32, #tpu.memory_space<vmem_shared>> -> memref<10240x64xf32, #tpu.memory_space<vmem_shared>>
        tpu.wait_indirect_dma semaphore(%arg15 : memref<!tpu.dma_semaphore, #tpu.memory_space<semaphore_mem>>) src(%arg10 : memref<100x64xf32, #tpu.memory_space<vmem>>) dst(%dma_wait3A_227 : memref<10240x64xf32, #tpu.memory_space<vmem_shared>>)
      } else {
      }
      %add3A_143 = arith.constant 5 : i32
      %add3A_144 = arith.addi %add3A_120, %add3A_143 : i32
      %sub3A_145 = arith.constant 2 : i32
      %sub3A_146 = arith.subi %add3A_144, %sub3A_145 : i32
      %lt3A_147 = arith.constant 200 : i32
      %lt3A_148 = arith.cmpi slt, %sub3A_146, %lt3A_147 : i32
      %convert_element_type3A_149 = arith.extui %lt3A_148 : i1 to i32
      %cond3A_150 = arith.constant 0 : i32
      %cond3A_151 = arith.cmpi ne, %convert_element_type3A_149, %cond3A_150 : i32
      scf.if %cond3A_151 {
        %add3A_222 = arith.constant 5 : i32
        %add3A_223 = arith.addi %add3A_120, %add3A_222 : i32
        %sub3A_224 = arith.constant 2 : i32
        %sub3A_225 = arith.subi %add3A_223, %sub3A_224 : i32
        %dma_start3A_226 = arith.constant 0 : i32
        %dma_start3A_227 = tpu.memref_slice %arg6[%sub3A_225, %dma_start3A_226] : memref<200x100xi32, #tpu.memory_space<vmem>> -> memref<1x100xi32, #tpu.memory_space<vmem>>
        %dma_start3A_228 = tpu.memref_squeeze %dma_start3A_227 : memref<1x100xi32, #tpu.memory_space<vmem>> -> memref<100xi32, #tpu.memory_space<vmem>>
        %dma_start3A_229 = arith.constant 0 : i32
        %dma_start3A_230 = arith.constant 0 : i32
        %dma_start3A_231 = tpu.memref_slice %arg2[%arg0, %dma_start3A_229, %dma_start3A_230] : memref<2x10240x64xf32, #tpu.memory_space<hbm>> -> memref<1x10240x64xf32, #tpu.memory_space<hbm>>
        %dma_start3A_232 = tpu.memref_squeeze %dma_start3A_231 : memref<1x10240x64xf32, #tpu.memory_space<hbm>> -> memref<10240x64xf32, #tpu.memory_space<hbm>>
        %dma_start3A_233 = arith.constant 0 : i32
        %dma_start3A_234 = arith.constant 0 : i32
        %dma_start3A_235 = tpu.memref_slice %dma_start3A_232[%dma_start3A_233, %dma_start3A_234] : memref<10240x64xf32, #tpu.memory_space<hbm>> -> memref<10240x64xf32, #tpu.memory_space<hbm>>
        tpu.enqueue_indirect_dma source(%dma_start3A_235 : memref<10240x64xf32, #tpu.memory_space<hbm>>) target(%arg8 : memref<100x64xf32, #tpu.memory_space<vmem>>) offsets(%dma_start3A_228 : memref<100xi32, #tpu.memory_space<vmem>>) semaphore(%arg14 : memref<!tpu.dma_semaphore, #tpu.memory_space<semaphore_mem>>)
      } else {
      }
      %mul3A_152 = arith.constant 5 : i32
      %mul3A_153 = arith.muli %scan3A_52, %mul3A_152 : i32
      %add3A_154 = arith.constant 3 : i32
      %add3A_155 = arith.addi %mul3A_153, %add3A_154 : i32
      %dma_wait3A_156 = arith.constant 3 : i32
      %dma_wait3A_157 = arith.constant 0 : i32
      %dma_wait3A_158 = tpu.memref_slice %arg6[%dma_wait3A_156, %dma_wait3A_157] : memref<200x100xi32, #tpu.memory_space<vmem>> -> memref<1x100xi32, #tpu.memory_space<vmem>>
      %dma_wait3A_159 = tpu.memref_squeeze %dma_wait3A_158 : memref<1x100xi32, #tpu.memory_space<vmem>> -> memref<100xi32, #tpu.memory_space<vmem>>
      %dma_wait3A_160 = arith.constant 0 : i32
      %dma_wait3A_161 = arith.constant 0 : i32
      %dma_wait3A_162 = tpu.memref_slice %arg2[%arg0, %dma_wait3A_160, %dma_wait3A_161] : memref<2x10240x64xf32, #tpu.memory_space<hbm>> -> memref<1x10240x64xf32, #tpu.memory_space<hbm>>
      %dma_wait3A_163 = tpu.memref_squeeze %dma_wait3A_162 : memref<1x10240x64xf32, #tpu.memory_space<hbm>> -> memref<10240x64xf32, #tpu.memory_space<hbm>>
      %dma_wait3A_164 = arith.constant 0 : i32
      %dma_wait3A_165 = arith.constant 0 : i32
      %dma_wait3A_166 = tpu.memref_slice %dma_wait3A_163[%dma_wait3A_164, %dma_wait3A_165] : memref<10240x64xf32, #tpu.memory_space<hbm>> -> memref<10240x64xf32, #tpu.memory_space<hbm>>
      tpu.wait_indirect_dma semaphore(%arg14 : memref<!tpu.dma_semaphore, #tpu.memory_space<semaphore_mem>>) src(%dma_wait3A_166 : memref<10240x64xf32, #tpu.memory_space<hbm>>) dst(%arg11 : memref<100x64xf32, #tpu.memory_space<vmem>>)
      %dma_start3A_167 = arith.constant 0 : i32
      %dma_start3A_168 = tpu.memref_slice %arg7[%add3A_155, %dma_start3A_167] : memref<200x100xi32, #tpu.memory_space<vmem>> -> memref<1x100xi32, #tpu.memory_space<vmem>>
      %dma_start3A_169 = tpu.memref_squeeze %dma_start3A_168 : memref<1x100xi32, #tpu.memory_space<vmem>> -> memref<100xi32, #tpu.memory_space<vmem>>
      %dma_start3A_170 = arith.constant 0 : i32
      %dma_start3A_171 = arith.constant 0 : i32
      %dma_start3A_172 = tpu.memref_slice %arg13[%dma_start3A_170, %dma_start3A_171] : memref<10240x64xf32, #tpu.memory_space<vmem_shared>> -> memref<10240x64xf32, #tpu.memory_space<vmem_shared>>
      tpu.enqueue_indirect_dma source(%arg11 : memref<100x64xf32, #tpu.memory_space<vmem>>) target(%dma_start3A_172 : memref<10240x64xf32, #tpu.memory_space<vmem_shared>>) offsets(%dma_start3A_169 : memref<100xi32, #tpu.memory_space<vmem>>) semaphore(%arg15 : memref<!tpu.dma_semaphore, #tpu.memory_space<semaphore_mem>>) {add = true}
      %ge3A_173 = arith.constant 2 : i32
      %ge3A_174 = arith.cmpi sge, %add3A_155, %ge3A_173 : i32
      %convert_element_type3A_175 = arith.extui %ge3A_174 : i1 to i32
      %cond3A_176 = arith.constant 0 : i32
      %cond3A_177 = arith.cmpi ne, %convert_element_type3A_175, %cond3A_176 : i32
      scf.if %cond3A_177 {
        %dma_wait3A_222 = arith.constant 0 : i32
        %dma_wait3A_223 = tpu.memref_slice %arg7[%add3A_155, %dma_wait3A_222] : memref<200x100xi32, #tpu.memory_space<vmem>> -> memref<1x100xi32, #tpu.memory_space<vmem>>
        %dma_wait3A_224 = tpu.memref_squeeze %dma_wait3A_223 : memref<1x100xi32, #tpu.memory_space<vmem>> -> memref<100xi32, #tpu.memory_space<vmem>>
        %dma_wait3A_225 = arith.constant 0 : i32
        %dma_wait3A_226 = arith.constant 0 : i32
        %dma_wait3A_227 = tpu.memref_slice %arg13[%dma_wait3A_225, %dma_wait3A_226] : memref<10240x64xf32, #tpu.memory_space<vmem_shared>> -> memref<10240x64xf32, #tpu.memory_space<vmem_shared>>
        tpu.wait_indirect_dma semaphore(%arg15 : memref<!tpu.dma_semaphore, #tpu.memory_space<semaphore_mem>>) src(%arg11 : memref<100x64xf32, #tpu.memory_space<vmem>>) dst(%dma_wait3A_227 : memref<10240x64xf32, #tpu.memory_space<vmem_shared>>)
      } else {
      }
      %add3A_178 = arith.constant 5 : i32
      %add3A_179 = arith.addi %add3A_155, %add3A_178 : i32
      %sub3A_180 = arith.constant 2 : i32
      %sub3A_181 = arith.subi %add3A_179, %sub3A_180 : i32
      %lt3A_182 = arith.constant 200 : i32
      %lt3A_183 = arith.cmpi slt, %sub3A_181, %lt3A_182 : i32
      %convert_element_type3A_184 = arith.extui %lt3A_183 : i1 to i32
      %cond3A_185 = arith.constant 0 : i32
      %cond3A_186 = arith.cmpi ne, %convert_element_type3A_184, %cond3A_185 : i32
      scf.if %cond3A_186 {
        %add3A_222 = arith.constant 5 : i32
        %add3A_223 = arith.addi %add3A_155, %add3A_222 : i32
        %sub3A_224 = arith.constant 2 : i32
        %sub3A_225 = arith.subi %add3A_223, %sub3A_224 : i32
        %dma_start3A_226 = arith.constant 0 : i32
        %dma_start3A_227 = tpu.memref_slice %arg6[%sub3A_225, %dma_start3A_226] : memref<200x100xi32, #tpu.memory_space<vmem>> -> memref<1x100xi32, #tpu.memory_space<vmem>>
        %dma_start3A_228 = tpu.memref_squeeze %dma_start3A_227 : memref<1x100xi32, #tpu.memory_space<vmem>> -> memref<100xi32, #tpu.memory_space<vmem>>
        %dma_start3A_229 = arith.constant 0 : i32
        %dma_start3A_230 = arith.constant 0 : i32
        %dma_start3A_231 = tpu.memref_slice %arg2[%arg0, %dma_start3A_229, %dma_start3A_230] : memref<2x10240x64xf32, #tpu.memory_space<hbm>> -> memref<1x10240x64xf32, #tpu.memory_space<hbm>>
        %dma_start3A_232 = tpu.memref_squeeze %dma_start3A_231 : memref<1x10240x64xf32, #tpu.memory_space<hbm>> -> memref<10240x64xf32, #tpu.memory_space<hbm>>
        %dma_start3A_233 = arith.constant 0 : i32
        %dma_start3A_234 = arith.constant 0 : i32
        %dma_start3A_235 = tpu.memref_slice %dma_start3A_232[%dma_start3A_233, %dma_start3A_234] : memref<10240x64xf32, #tpu.memory_space<hbm>> -> memref<10240x64xf32, #tpu.memory_space<hbm>>
        tpu.enqueue_indirect_dma source(%dma_start3A_235 : memref<10240x64xf32, #tpu.memory_space<hbm>>) target(%arg9 : memref<100x64xf32, #tpu.memory_space<vmem>>) offsets(%dma_start3A_228 : memref<100xi32, #tpu.memory_space<vmem>>) semaphore(%arg14 : memref<!tpu.dma_semaphore, #tpu.memory_space<semaphore_mem>>)
      } else {
      }
      %mul3A_187 = arith.constant 5 : i32
      %mul3A_188 = arith.muli %scan3A_52, %mul3A_187 : i32
      %add3A_189 = arith.constant 4 : i32
      %add3A_190 = arith.addi %mul3A_188, %add3A_189 : i32
      %dma_wait3A_191 = arith.constant 4 : i32
      %dma_wait3A_192 = arith.constant 0 : i32
      %dma_wait3A_193 = tpu.memref_slice %arg6[%dma_wait3A_191, %dma_wait3A_192] : memref<200x100xi32, #tpu.memory_space<vmem>> -> memref<1x100xi32, #tpu.memory_space<vmem>>
      %dma_wait3A_194 = tpu.memref_squeeze %dma_wait3A_193 : memref<1x100xi32, #tpu.memory_space<vmem>> -> memref<100xi32, #tpu.memory_space<vmem>>
      %dma_wait3A_195 = arith.constant 0 : i32
      %dma_wait3A_196 = arith.constant 0 : i32
      %dma_wait3A_197 = tpu.memref_slice %arg2[%arg0, %dma_wait3A_195, %dma_wait3A_196] : memref<2x10240x64xf32, #tpu.memory_space<hbm>> -> memref<1x10240x64xf32, #tpu.memory_space<hbm>>
      %dma_wait3A_198 = tpu.memref_squeeze %dma_wait3A_197 : memref<1x10240x64xf32, #tpu.memory_space<hbm>> -> memref<10240x64xf32, #tpu.memory_space<hbm>>
      %dma_wait3A_199 = arith.constant 0 : i32
      %dma_wait3A_200 = arith.constant 0 : i32
      %dma_wait3A_201 = tpu.memref_slice %dma_wait3A_198[%dma_wait3A_199, %dma_wait3A_200] : memref<10240x64xf32, #tpu.memory_space<hbm>> -> memref<10240x64xf32, #tpu.memory_space<hbm>>
      tpu.wait_indirect_dma semaphore(%arg14 : memref<!tpu.dma_semaphore, #tpu.memory_space<semaphore_mem>>) src(%dma_wait3A_201 : memref<10240x64xf32, #tpu.memory_space<hbm>>) dst(%arg12 : memref<100x64xf32, #tpu.memory_space<vmem>>)
      %dma_start3A_202 = arith.constant 0 : i32
      %dma_start3A_203 = tpu.memref_slice %arg7[%add3A_190, %dma_start3A_202] : memref<200x100xi32, #tpu.memory_space<vmem>> -> memref<1x100xi32, #tpu.memory_space<vmem>>
      %dma_start3A_204 = tpu.memref_squeeze %dma_start3A_203 : memref<1x100xi32, #tpu.memory_space<vmem>> -> memref<100xi32, #tpu.memory_space<vmem>>
      %dma_start3A_205 = arith.constant 0 : i32
      %dma_start3A_206 = arith.constant 0 : i32
      %dma_start3A_207 = tpu.memref_slice %arg13[%dma_start3A_205, %dma_start3A_206] : memref<10240x64xf32, #tpu.memory_space<vmem_shared>> -> memref<10240x64xf32, #tpu.memory_space<vmem_shared>>
      tpu.enqueue_indirect_dma source(%arg12 : memref<100x64xf32, #tpu.memory_space<vmem>>) target(%dma_start3A_207 : memref<10240x64xf32, #tpu.memory_space<vmem_shared>>) offsets(%dma_start3A_204 : memref<100xi32, #tpu.memory_space<vmem>>) semaphore(%arg15 : memref<!tpu.dma_semaphore, #tpu.memory_space<semaphore_mem>>) {add = true}
      %ge3A_208 = arith.constant 2 : i32
      %ge3A_209 = arith.cmpi sge, %add3A_190, %ge3A_208 : i32
      %convert_element_type3A_210 = arith.extui %ge3A_209 : i1 to i32
      %cond3A_211 = arith.constant 0 : i32
      %cond3A_212 = arith.cmpi ne, %convert_element_type3A_210, %cond3A_211 : i32
      scf.if %cond3A_212 {
        %dma_wait3A_222 = arith.constant 0 : i32
        %dma_wait3A_223 = tpu.memref_slice %arg7[%add3A_190, %dma_wait3A_222] : memref<200x100xi32, #tpu.memory_space<vmem>> -> memref<1x100xi32, #tpu.memory_space<vmem>>
        %dma_wait3A_224 = tpu.memref_squeeze %dma_wait3A_223 : memref<1x100xi32, #tpu.memory_space<vmem>> -> memref<100xi32, #tpu.memory_space<vmem>>
        %dma_wait3A_225 = arith.constant 0 : i32
        %dma_wait3A_226 = arith.constant 0 : i32
        %dma_wait3A_227 = tpu.memref_slice %arg13[%dma_wait3A_225, %dma_wait3A_226] : memref<10240x64xf32, #tpu.memory_space<vmem_shared>> -> memref<10240x64xf32, #tpu.memory_space<vmem_shared>>
        tpu.wait_indirect_dma semaphore(%arg15 : memref<!tpu.dma_semaphore, #tpu.memory_space<semaphore_mem>>) src(%arg12 : memref<100x64xf32, #tpu.memory_space<vmem>>) dst(%dma_wait3A_227 : memref<10240x64xf32, #tpu.memory_space<vmem_shared>>)
      } else {
      }
      %add3A_213 = arith.constant 5 : i32
      %add3A_214 = arith.addi %add3A_190, %add3A_213 : i32
      %sub3A_215 = arith.constant 2 : i32
      %sub3A_216 = arith.subi %add3A_214, %sub3A_215 : i32
      %lt3A_217 = arith.constant 200 : i32
      %lt3A_218 = arith.cmpi slt, %sub3A_216, %lt3A_217 : i32
      %convert_element_type3A_219 = arith.extui %lt3A_218 : i1 to i32
      %cond3A_220 = arith.constant 0 : i32
      %cond3A_221 = arith.cmpi ne, %convert_element_type3A_219, %cond3A_220 : i32
      scf.if %cond3A_221 {
        %add3A_222 = arith.constant 5 : i32
        %add3A_223 = arith.addi %add3A_190, %add3A_222 : i32
        %sub3A_224 = arith.constant 2 : i32
        %sub3A_225 = arith.subi %add3A_223, %sub3A_224 : i32
        %dma_start3A_226 = arith.constant 0 : i32
        %dma_start3A_227 = tpu.memref_slice %arg6[%sub3A_225, %dma_start3A_226] : memref<200x100xi32, #tpu.memory_space<vmem>> -> memref<1x100xi32, #tpu.memory_space<vmem>>
        %dma_start3A_228 = tpu.memref_squeeze %dma_start3A_227 : memref<1x100xi32, #tpu.memory_space<vmem>> -> memref<100xi32, #tpu.memory_space<vmem>>
        %dma_start3A_229 = arith.constant 0 : i32
        %dma_start3A_230 = arith.constant 0 : i32
        %dma_start3A_231 = tpu.memref_slice %arg2[%arg0, %dma_start3A_229, %dma_start3A_230] : memref<2x10240x64xf32, #tpu.memory_space<hbm>> -> memref<1x10240x64xf32, #tpu.memory_space<hbm>>
        %dma_start3A_232 = tpu.memref_squeeze %dma_start3A_231 : memref<1x10240x64xf32, #tpu.memory_space<hbm>> -> memref<10240x64xf32, #tpu.memory_space<hbm>>
        %dma_start3A_233 = arith.constant 0 : i32
        %dma_start3A_234 = arith.constant 0 : i32
        %dma_start3A_235 = tpu.memref_slice %dma_start3A_232[%dma_start3A_233, %dma_start3A_234] : memref<10240x64xf32, #tpu.memory_space<hbm>> -> memref<10240x64xf32, #tpu.memory_space<hbm>>
        tpu.enqueue_indirect_dma source(%dma_start3A_235 : memref<10240x64xf32, #tpu.memory_space<hbm>>) target(%arg10 : memref<100x64xf32, #tpu.memory_space<vmem>>) offsets(%dma_start3A_228 : memref<100xi32, #tpu.memory_space<vmem>>) semaphore(%arg14 : memref<!tpu.dma_semaphore, #tpu.memory_space<semaphore_mem>>)
      } else {
      }
    }
    %scan3A_37 = arith.constant 40 : i32
    %dma_wait3A = arith.constant 0 : i32
    %dma_wait3A_38 = arith.constant 0 : i32
    %dma_wait3A_39 = tpu.memref_slice %arg7[%dma_wait3A, %dma_wait3A_38] : memref<200x100xi32, #tpu.memory_space<vmem>> -> memref<1x100xi32, #tpu.memory_space<vmem>>
    %dma_wait3A_40 = tpu.memref_squeeze %dma_wait3A_39 : memref<1x100xi32, #tpu.memory_space<vmem>> -> memref<100xi32, #tpu.memory_space<vmem>>
    %dma_wait3A_41 = arith.constant 0 : i32
    %dma_wait3A_42 = arith.constant 0 : i32
    %dma_wait3A_43 = tpu.memref_slice %arg13[%dma_wait3A_41, %dma_wait3A_42] : memref<10240x64xf32, #tpu.memory_space<vmem_shared>> -> memref<10240x64xf32, #tpu.memory_space<vmem_shared>>
    tpu.wait_indirect_dma semaphore(%arg15 : memref<!tpu.dma_semaphore, #tpu.memory_space<semaphore_mem>>) src(%arg8 : memref<100x64xf32, #tpu.memory_space<vmem>>) dst(%dma_wait3A_43 : memref<10240x64xf32, #tpu.memory_space<vmem_shared>>)
    %dma_wait3A_44 = arith.constant 0 : i32
    %dma_wait3A_45 = arith.constant 0 : i32
    %dma_wait3A_46 = tpu.memref_slice %arg7[%dma_wait3A_44, %dma_wait3A_45] : memref<200x100xi32, #tpu.memory_space<vmem>> -> memref<1x100xi32, #tpu.memory_space<vmem>>
    %dma_wait3A_47 = tpu.memref_squeeze %dma_wait3A_46 : memref<1x100xi32, #tpu.memory_space<vmem>> -> memref<100xi32, #tpu.memory_space<vmem>>
    %dma_wait3A_48 = arith.constant 0 : i32
    %dma_wait3A_49 = arith.constant 0 : i32
    %dma_wait3A_50 = tpu.memref_slice %arg13[%dma_wait3A_48, %dma_wait3A_49] : memref<10240x64xf32, #tpu.memory_space<vmem_shared>> -> memref<10240x64xf32, #tpu.memory_space<vmem_shared>>
    tpu.wait_indirect_dma semaphore(%arg15 : memref<!tpu.dma_semaphore, #tpu.memory_space<semaphore_mem>>) src(%arg8 : memref<100x64xf32, #tpu.memory_space<vmem>>) dst(%dma_wait3A_50 : memref<10240x64xf32, #tpu.memory_space<vmem_shared>>)
    %barrier3A_51 = arith.constant 0 : index
    tpu.barrier barrier_id(%barrier3A_51)
    "tpu.region"() ({
      %run_scoped3A = tpu.sem_alloc : memref<!tpu.dma_semaphore, #tpu.memory_space<semaphore_mem>>
      %dma_start3A_52 = arith.constant 0 : i32
      %dma_start3A_53 = tpu.memref_slice %arg5[%arg0, %mul3A_0, %dma_start3A_52] : memref<2x10240x64xf32, #tpu.memory_space<hbm>> -> memref<1x640x64xf32, #tpu.memory_space<hbm>>
      %dma_start3A_54 = tpu.memref_squeeze %dma_start3A_53 : memref<1x640x64xf32, #tpu.memory_space<hbm>> -> memref<640x64xf32, #tpu.memory_space<hbm>>
      %dma_start3A_55 = arith.constant 0 : i32
      %dma_start3A_56 = tpu.memref_slice %arg13[%mul3A_0, %dma_start3A_55] : memref<10240x64xf32, #tpu.memory_space<vmem_shared>> -> memref<640x64xf32, #tpu.memory_space<vmem_shared>>
      tpu.enqueue_dma source(%dma_start3A_56 : memref<640x64xf32, #tpu.memory_space<vmem_shared>>) target(%dma_start3A_54 : memref<640x64xf32, #tpu.memory_space<hbm>>) target_semaphore(%run_scoped3A : memref<!tpu.dma_semaphore, #tpu.memory_space<semaphore_mem>>)
      %dma_wait3A_57 = arith.constant 0 : i32
      %dma_wait3A_58 = tpu.memref_slice %arg5[%arg0, %mul3A_0, %dma_wait3A_57] : memref<2x10240x64xf32, #tpu.memory_space<hbm>> -> memref<1x640x64xf32, #tpu.memory_space<hbm>>
      %dma_wait3A_59 = tpu.memref_squeeze %dma_wait3A_58 : memref<1x640x64xf32, #tpu.memory_space<hbm>> -> memref<640x64xf32, #tpu.memory_space<hbm>>
      %dma_wait3A_60 = arith.constant 0 : i32
      %dma_wait3A_61 = tpu.memref_slice %arg13[%mul3A_0, %dma_wait3A_60] : memref<10240x64xf32, #tpu.memory_space<vmem_shared>> -> memref<640x64xf32, #tpu.memory_space<vmem_shared>>
      tpu.wait_dma2 semaphore(%run_scoped3A : memref<!tpu.dma_semaphore, #tpu.memory_space<semaphore_mem>>) src(%dma_wait3A_61 : memref<640x64xf32, #tpu.memory_space<vmem_shared>>) dst(%dma_wait3A_59 : memref<640x64xf32, #tpu.memory_space<hbm>>)
      tpu.yield
    }) : () -> ()
    return
  }
}

module attributes {stable_mosaic.version = 14 : i64} {
  func.func @_init_body(%arg0: i32, %arg1: memref<256x128xf32, #tpu.memory_space<vmem>>, %arg2: memref<128x128xf32, #tpu.memory_space<vmem>>, %arg3: memref<1x128xf32, #tpu.memory_space<vmem>>, %arg4: memref<256x32xf32, #tpu.memory_space<vmem>>, %arg5: memref<128x128xf32, #tpu.memory_space<vmem>>, %arg6: memref<256x128xf32, #tpu.memory_space<vmem>>, %arg7: memref<2x256x64xf32, #tpu.memory_space<vmem>>, %arg8: memref<256x1xf32, #tpu.memory_space<vmem>>) attributes {dimension_semantics = [#tpu.dimension_semantics<arbitrary>], iteration_bounds = array<i64: 40>, scalar_prefetch = 0 : i64, scratch_operands = 0 : i64, tpu.core_type = #tpu.core_type<tc>, window_params = [{transform_indices = @transform_0, window_bounds = array<i64: 256, 128>}, {pipeline_mode = #tpu.pipeline_mode<synchronous>, transform_indices = @transform_1, window_bounds = array<i64: 128, 128>}, {pipeline_mode = #tpu.pipeline_mode<synchronous>, transform_indices = @transform_2, window_bounds = array<i64: 1, 128>}, {transform_indices = @transform_3, window_bounds = array<i64: 256, 32>}, {pipeline_mode = #tpu.pipeline_mode<synchronous>, transform_indices = @transform_4, window_bounds = array<i64: 128, 128>}, {transform_indices = @transform_5, window_bounds = array<i64: 256, 128>}, {transform_indices = @transform_6, window_bounds = array<i64: 2, 256, 64>}, {transform_indices = @transform_7, window_bounds = array<i64: 256, 1>}]} {
    %get3A = arith.constant 0 : index
    %get3A_0 = arith.constant 0 : index
    %get3A_1 = vector.load %arg1[%get3A, %get3A_0] : memref<256x128xf32, #tpu.memory_space<vmem>>, vector<256x128xf32>
    %get3A_2 = arith.constant 0 : index
    %get3A_3 = arith.constant 0 : index
    %get3A_4 = vector.load %arg2[%get3A_2, %get3A_3] : memref<128x128xf32, #tpu.memory_space<vmem>>, vector<128x128xf32>
    %dot_general3A = arith.constant dense<0.000000e+00> : vector<256x128xf32>
    %dot_general3A_5 = tpu.matmul %get3A_1, %get3A_4, %dot_general3A {dimension_numbers = #tpu.dot_dimension_numbers<[1], [0], [0], [1], [0, 0, 1, 1], [], []>, transpose_lhs_hint = false} : vector<256x128xf32>, vector<128x128xf32>, vector<256x128xf32> -> vector<256x128xf32>
    %get3A_6 = arith.constant 0 : index
    %get3A_7 = arith.constant 0 : index
    %get3A_8 = vector.load %arg3[%get3A_6, %get3A_7] : memref<1x128xf32, #tpu.memory_space<vmem>>, vector<1x128xf32>
    %add3A = vector.broadcast %get3A_8 : vector<1x128xf32> to vector<256x128xf32>
    %add3A_9 = arith.addf %dot_general3A_5, %add3A : vector<256x128xf32>
    %max3A = arith.constant 0.000000e+00 : f32
    %max3A_10 = vector.broadcast %max3A : f32 to vector<256x128xf32>
    %max3A_11 = arith.maximumf %add3A_9, %max3A_10 : vector<256x128xf32>
    %swap3A = arith.constant 0 : index
    %swap3A_12 = arith.constant 0 : index
    %swap3A_13 = vector.load %arg6[%swap3A, %swap3A_12] : memref<256x128xf32, #tpu.memory_space<vmem>>, vector<256x128xf32>
    tpu.vector_store %arg6[%swap3A, %swap3A_12], %max3A_11 {strides = array<i32>} : memref<256x128xf32, #tpu.memory_space<vmem>>, vector<256x128xf32>,
    %get3A_14 = arith.constant 0 : index
    %get3A_15 = arith.constant 0 : index
    %get3A_16 = vector.load %arg4[%get3A_14, %get3A_15] : memref<256x32xf32, #tpu.memory_space<vmem>>, vector<256x32xf32>
    %reduce_sum3A = arith.constant dense<0.000000e+00> : vector<256xf32>
    %reduce_sum3A_17 = vector.multi_reduction <add>, %get3A_16, %reduce_sum3A [1] : vector<256x32xf32> to vector<256xf32>
    %broadcast_in_dim3A = vector.shape_cast %reduce_sum3A_17 : vector<256xf32> to vector<256x1xf32>
    %add3A_18 = arith.constant 1.000000e+00 : f32
    %add3A_19 = vector.broadcast %add3A_18 : f32 to vector<256x1xf32>
    %add3A_20 = arith.addf %broadcast_in_dim3A, %add3A_19 : vector<256x1xf32>
    %rsqrt3A = math.rsqrt %add3A_20 : vector<256x1xf32>
    %swap3A_21 = arith.constant 0 : index
    %swap3A_22 = arith.constant 0 : index
    %swap3A_23 = vector.load %arg8[%swap3A_21, %swap3A_22] : memref<256x1xf32, #tpu.memory_space<vmem>>, vector<256x1xf32>
    tpu.vector_store %arg8[%swap3A_21, %swap3A_22], %rsqrt3A {strides = array<i32>} : memref<256x1xf32, #tpu.memory_space<vmem>>, vector<256x1xf32>,
    %get3A_24 = arith.constant 0 : index
    %get3A_25 = arith.constant 0 : index
    %get3A_26 = vector.load %arg5[%get3A_24, %get3A_25] : memref<128x128xf32, #tpu.memory_space<vmem>>, vector<128x128xf32>
    %dot_general3A_27 = arith.constant dense<0.000000e+00> : vector<256x128xf32>
    %dot_general3A_28 = tpu.matmul %max3A_11, %get3A_26, %dot_general3A_27 {dimension_numbers = #tpu.dot_dimension_numbers<[1], [0], [0], [1], [0, 0, 1, 1], [], []>, transpose_lhs_hint = false} : vector<256x128xf32>, vector<128x128xf32>, vector<256x128xf32> -> vector<256x128xf32>
    %mul3A = vector.broadcast %rsqrt3A : vector<256x1xf32> to vector<256x128xf32>
    %mul3A_29 = arith.mulf %dot_general3A_28, %mul3A : vector<256x128xf32>
    %slice3A = vector.extract_strided_slice %mul3A_29 {offsets = [0, 0], sizes = [256, 64], strides = [1, 1]} : vector<256x128xf32> to vector<256x64xf32>
    %swap3A_30 = arith.constant 0 : index
    %swap3A_31 = arith.constant 0 : index
    %swap3A_32 = arith.constant 0 : index
    %swap3A_33 = vector.load %arg7[%swap3A_30, %swap3A_31, %swap3A_32] : memref<2x256x64xf32, #tpu.memory_space<vmem>>, vector<1x256x64xf32>
    %swap3A_34 = vector.shape_cast %swap3A_33 : vector<1x256x64xf32> to vector<256x64xf32>
    %swap3A_35 = vector.shape_cast %slice3A : vector<256x64xf32> to vector<1x256x64xf32>
    tpu.vector_store %arg7[%swap3A_30, %swap3A_31, %swap3A_32], %swap3A_35 {strides = array<i32>} : memref<2x256x64xf32, #tpu.memory_space<vmem>>, vector<1x256x64xf32>,
    %slice3A_36 = vector.extract_strided_slice %mul3A_29 {offsets = [0, 64], sizes = [256, 64], strides = [1, 1]} : vector<256x128xf32> to vector<256x64xf32>
    %swap3A_37 = arith.constant 1 : index
    %swap3A_38 = arith.constant 0 : index
    %swap3A_39 = arith.constant 0 : index
    %swap3A_40 = vector.load %arg7[%swap3A_37, %swap3A_38, %swap3A_39] : memref<2x256x64xf32, #tpu.memory_space<vmem>>, vector<1x256x64xf32>
    %swap3A_41 = vector.shape_cast %swap3A_40 : vector<1x256x64xf32> to vector<256x64xf32>
    %swap3A_42 = vector.shape_cast %slice3A_36 : vector<256x64xf32> to vector<1x256x64xf32>
    tpu.vector_store %arg7[%swap3A_37, %swap3A_38, %swap3A_39], %swap3A_42 {strides = array<i32>} : memref<2x256x64xf32, #tpu.memory_space<vmem>>, vector<1x256x64xf32>,
    return
  }
  func.func @transform_0(%arg0: i32) -> (i32, i32) {
    %c0_i32 = arith.constant 0 : i32
    %c0_i32_0 = arith.constant 0 : i32
    return %arg0, %c0_i32 : i32, i32
  }
  func.func @transform_1(%arg0: i32) -> (i32, i32) {
    %c0_i32 = arith.constant 0 : i32
    %c0_i32_0 = arith.constant 0 : i32
    %c0_i32_1 = arith.constant 0 : i32
    return %c0_i32, %c0_i32_0 : i32, i32
  }
  func.func @transform_2(%arg0: i32) -> (i32, i32) {
    %c0_i32 = arith.constant 0 : i32
    %c0_i32_0 = arith.constant 0 : i32
    %c0_i32_1 = arith.constant 0 : i32
    return %c0_i32, %c0_i32_0 : i32, i32
  }
  func.func @transform_3(%arg0: i32) -> (i32, i32) {
    %c0_i32 = arith.constant 0 : i32
    %c0_i32_0 = arith.constant 0 : i32
    return %arg0, %c0_i32 : i32, i32
  }
  func.func @transform_4(%arg0: i32) -> (i32, i32) {
    %c0_i32 = arith.constant 0 : i32
    %c0_i32_0 = arith.constant 0 : i32
    %c0_i32_1 = arith.constant 0 : i32
    return %c0_i32, %c0_i32_0 : i32, i32
  }
  func.func @transform_5(%arg0: i32) -> (i32, i32) {
    %c0_i32 = arith.constant 0 : i32
    %c0_i32_0 = arith.constant 0 : i32
    return %arg0, %c0_i32 : i32, i32
  }
  func.func @transform_6(%arg0: i32) -> (i32, i32, i32) {
    %c0_i32 = arith.constant 0 : i32
    %c0_i32_0 = arith.constant 0 : i32
    %c0_i32_1 = arith.constant 0 : i32
    return %c0_i32, %arg0, %c0_i32_0 : i32, i32, i32
  }
  func.func @transform_7(%arg0: i32) -> (i32, i32) {
    %c0_i32 = arith.constant 0 : i32
    %c0_i32_0 = arith.constant 0 : i32
    return %arg0, %c0_i32 : i32, i32
  }
}

module attributes {stable_mosaic.version = 14 : i64} {
  func.func @_conv_epi_body(%arg0: i32, %arg1: i32, %arg2: memref<2x256x64xf32, #tpu.memory_space<vmem>>, %arg3: memref<256x1xf32, #tpu.memory_space<vmem>>, %arg4: memref<1x128xf32, #tpu.memory_space<vmem>>, %arg5: memref<2x128xf32, #tpu.memory_space<vmem>>, %arg6: memref<128x128xf32, #tpu.memory_space<vmem>>, %arg7: memref<256x128xf32, #tpu.memory_space<vmem>>, %arg8: memref<2x256x64xf32, #tpu.memory_space<vmem>>, %arg9: memref<10240x128xf32, #tpu.memory_space<vmem>>, %arg10: memref<2x128xf32, #tpu.memory_space<vmem>>) attributes {dimension_semantics = [#tpu.dimension_semantics<arbitrary>, #tpu.dimension_semantics<arbitrary>], iteration_bounds = array<i64: 2, 40>, scalar_prefetch = 0 : i64, scratch_operands = 2 : i64, tpu.core_type = #tpu.core_type<tc>, window_params = [{transform_indices = @transform_0, window_bounds = array<i64: 2, 256, 64>}, {transform_indices = @transform_1, window_bounds = array<i64: 256, 1>}, {pipeline_mode = #tpu.pipeline_mode<synchronous>, transform_indices = @transform_2, window_bounds = array<i64: 1, 128>}, {pipeline_mode = #tpu.pipeline_mode<synchronous>, transform_indices = @transform_3, window_bounds = array<i64: 2, 128>}, {pipeline_mode = #tpu.pipeline_mode<synchronous>, transform_indices = @transform_4, window_bounds = array<i64: 128, 128>}, {transform_indices = @transform_5, window_bounds = array<i64: 256, 128>}, {transform_indices = @transform_6, window_bounds = array<i64: 2, 256, 64>}]} {
    %eq3A = arith.constant 0 : i32
    %eq3A_0 = arith.cmpi eq, %arg0, %eq3A : i32
    %convert_element_type3A = arith.extui %eq3A_0 : i1 to i32
    %cond3A = arith.constant 0 : i32
    %cond3A_1 = arith.cmpi ne, %convert_element_type3A, %cond3A : i32
    scf.if %cond3A_1 {
      %get3A = arith.constant 0 : index
      %get3A_7 = arith.constant 0 : index
      %get3A_8 = arith.constant 0 : index
      %get3A_9 = vector.load %arg2[%get3A, %get3A_7, %get3A_8] : memref<2x256x64xf32, #tpu.memory_space<vmem>>, vector<2x256x64xf32>
      %slice3A = vector.extract_strided_slice %get3A_9 {offsets = [0, 0, 0], sizes = [1, 256, 64], strides = [1, 1, 1]} : vector<2x256x64xf32> to vector<1x256x64xf32>
      %squeeze3A = vector.shape_cast %slice3A : vector<1x256x64xf32> to vector<256x64xf32>
      %slice3A_10 = vector.extract_strided_slice %get3A_9 {offsets = [1, 0, 0], sizes = [1, 256, 64], strides = [1, 1, 1]} : vector<2x256x64xf32> to vector<1x256x64xf32>
      %squeeze3A_11 = vector.shape_cast %slice3A_10 : vector<1x256x64xf32> to vector<256x64xf32>
      %concatenate3A = tpu.concatenate %squeeze3A, %squeeze3A_11 in 1 : vector<256x64xf32>, vector<256x64xf32> -> vector<256x128xf32>
      %get3A_12 = arith.constant 0 : index
      %get3A_13 = arith.constant 0 : index
      %get3A_14 = vector.load %arg3[%get3A_12, %get3A_13] : memref<256x1xf32, #tpu.memory_space<vmem>>, vector<256x1xf32>
      %mul3A = vector.broadcast %get3A_14 : vector<256x1xf32> to vector<256x128xf32>
      %mul3A_15 = arith.mulf %concatenate3A, %mul3A : vector<256x128xf32>
      %get3A_16 = arith.constant 0 : index
      %get3A_17 = arith.constant 0 : index
      %get3A_18 = vector.load %arg4[%get3A_16, %get3A_17] : memref<1x128xf32, #tpu.memory_space<vmem>>, vector<1x128xf32>
      %add3A = vector.broadcast %get3A_18 : vector<1x128xf32> to vector<256x128xf32>
      %add3A_19 = arith.addf %mul3A_15, %add3A : vector<256x128xf32>
      %mul3A_20 = arith.constant 256 : i32
      %mul3A_21 = arith.muli %arg1, %mul3A_20 : i32
      %swap3A = arith.index_cast %mul3A_21 : i32 to index
      %swap3A_22 = arith.constant 0 : index
      %swap3A_23 = vector.load %arg9[%swap3A, %swap3A_22] : memref<10240x128xf32, #tpu.memory_space<vmem>>, vector<256x128xf32>
      tpu.vector_store %arg9[%swap3A, %swap3A_22], %add3A_19 {strides = array<i32>} : memref<10240x128xf32, #tpu.memory_space<vmem>>, vector<256x128xf32>,
      %iota3A = tpu.iota {dimensions = array<i32: 0>} : vector<256x1xi32>
      %mul3A_24 = arith.constant 256 : i32
      %mul3A_25 = arith.muli %arg1, %mul3A_24 : i32
      %add3A_26 = vector.broadcast %mul3A_25 : i32 to vector<256x1xi32>
      %add3A_27 = arith.addi %iota3A, %add3A_26 : vector<256x1xi32>
      %lt3A = arith.constant 10000 : i32
      %lt3A_28 = vector.broadcast %lt3A : i32 to vector<256x1xi32>
      %lt3A_29 = arith.cmpi slt, %add3A_27, %lt3A_28 : vector<256x1xi32>
      %jit3A = arith.constant 0.000000e+00 : f32
      %broadcast_in_dim3A = vector.shape_cast %lt3A_29 : vector<256x1xi1> to vector<256x1xi1>
      %broadcast_in_dim3A_30 = vector.broadcast %broadcast_in_dim3A : vector<256x1xi1> to vector<256x128xi1>
      %broadcast_in_dim3A_31 = vector.broadcast %jit3A : f32 to vector<256x128xf32>
      %select_n3A = arith.select %broadcast_in_dim3A_30, %add3A_19, %broadcast_in_dim3A_31 : vector<256x128xi1>, vector<256x128xf32>
      %reduce_sum3A = arith.constant dense<0.000000e+00> : vector<128xf32>
      %reduce_sum3A_32 = vector.multi_reduction <add>, %select_n3A, %reduce_sum3A [0] : vector<256x128xf32> to vector<128xf32>
      %broadcast_in_dim3A_33 = vector.shape_cast %reduce_sum3A_32 : vector<128xf32> to vector<1x128xf32>
      %mul3A_34 = arith.mulf %select_n3A, %select_n3A : vector<256x128xf32>
      %reduce_sum3A_35 = arith.constant dense<0.000000e+00> : vector<128xf32>
      %reduce_sum3A_36 = vector.multi_reduction <add>, %mul3A_34, %reduce_sum3A_35 [0] : vector<256x128xf32> to vector<128xf32>
      %broadcast_in_dim3A_37 = vector.shape_cast %reduce_sum3A_36 : vector<128xf32> to vector<1x128xf32>
      %concatenate3A_38 = tpu.concatenate %broadcast_in_dim3A_33, %broadcast_in_dim3A_37 in 0 : vector<1x128xf32>, vector<1x128xf32> -> vector<2x128xf32>
      %eq3A_39 = arith.constant 0 : i32
      %eq3A_40 = arith.cmpi eq, %arg1, %eq3A_39 : i32
      %convert_element_type3A_41 = arith.extui %eq3A_40 : i1 to i32
      %cond3A_42 = arith.constant 0 : i32
      %cond3A_43 = arith.cmpi ne, %convert_element_type3A_41, %cond3A_42 : i32
      scf.if %cond3A_43 {
        %swap3A_48 = arith.constant 0 : index
        %swap3A_49 = arith.constant 0 : index
        %swap3A_50 = vector.load %arg10[%swap3A_48, %swap3A_49] : memref<2x128xf32, #tpu.memory_space<vmem>>, vector<2x128xf32>
        tpu.vector_store %arg10[%swap3A_48, %swap3A_49], %concatenate3A_38 {strides = array<i32>} : memref<2x128xf32, #tpu.memory_space<vmem>>, vector<2x128xf32>,
      } else {
      }
      %gt3A = arith.constant 0 : i32
      %gt3A_44 = arith.cmpi sgt, %arg1, %gt3A : i32
      %convert_element_type3A_45 = arith.extui %gt3A_44 : i1 to i32
      %cond3A_46 = arith.constant 0 : i32
      %cond3A_47 = arith.cmpi ne, %convert_element_type3A_45, %cond3A_46 : i32
      scf.if %cond3A_47 {
        %get3A_48 = arith.constant 0 : index
        %get3A_49 = arith.constant 0 : index
        %get3A_50 = vector.load %arg10[%get3A_48, %get3A_49] : memref<2x128xf32, #tpu.memory_space<vmem>>, vector<2x128xf32>
        %add3A_51 = arith.addf %get3A_50, %concatenate3A_38 : vector<2x128xf32>
        %swap3A_52 = arith.constant 0 : index
        %swap3A_53 = arith.constant 0 : index
        %swap3A_54 = vector.load %arg10[%swap3A_52, %swap3A_53] : memref<2x128xf32, #tpu.memory_space<vmem>>, vector<2x128xf32>
        tpu.vector_store %arg10[%swap3A_52, %swap3A_53], %add3A_51 {strides = array<i32>} : memref<2x128xf32, #tpu.memory_space<vmem>>, vector<2x128xf32>,
      } else {
      }
    } else {
    }
    %eq3A_2 = arith.constant 1 : i32
    %eq3A_3 = arith.cmpi eq, %arg0, %eq3A_2 : i32
    %convert_element_type3A_4 = arith.extui %eq3A_3 : i1 to i32
    %cond3A_5 = arith.constant 0 : i32
    %cond3A_6 = arith.cmpi ne, %convert_element_type3A_4, %cond3A_5 : i32
    scf.if %cond3A_6 {
      %mul3A = arith.constant 256 : i32
      %mul3A_7 = arith.muli %arg1, %mul3A : i32
      %get3A = arith.index_cast %mul3A_7 : i32 to index
      %get3A_8 = arith.constant 0 : index
      %get3A_9 = vector.load %arg9[%get3A, %get3A_8] : memref<10240x128xf32, #tpu.memory_space<vmem>>, vector<256x128xf32>
      %get3A_10 = arith.constant 0 : index
      %get3A_11 = arith.constant 0 : index
      %get3A_12 = vector.load %arg10[%get3A_10, %get3A_11] : memref<2x128xf32, #tpu.memory_space<vmem>>, vector<2x128xf32>
      %get3A_13 = arith.constant 0 : index
      %get3A_14 = arith.constant 0 : index
      %get3A_15 = vector.load %arg5[%get3A_13, %get3A_14] : memref<2x128xf32, #tpu.memory_space<vmem>>, vector<2x128xf32>
      %slice3A = vector.extract_strided_slice %get3A_12 {offsets = [0, 0], sizes = [1, 128], strides = [1, 1]} : vector<2x128xf32> to vector<1x128xf32>
      %div3A = arith.constant 1.000000e+04 : f32
      %div3A_16 = vector.broadcast %div3A : f32 to vector<1x128xf32>
      %div3A_17 = arith.divf %slice3A, %div3A_16 : vector<1x128xf32>
      %slice3A_18 = vector.extract_strided_slice %get3A_12 {offsets = [1, 0], sizes = [1, 128], strides = [1, 1]} : vector<2x128xf32> to vector<1x128xf32>
      %div3A_19 = arith.constant 1.000000e+04 : f32
      %div3A_20 = vector.broadcast %div3A_19 : f32 to vector<1x128xf32>
      %div3A_21 = arith.divf %slice3A_18, %div3A_20 : vector<1x128xf32>
      %mul3A_22 = arith.mulf %div3A_17, %div3A_17 : vector<1x128xf32>
      %sub3A = arith.subf %div3A_21, %mul3A_22 : vector<1x128xf32>
      %slice3A_23 = vector.extract_strided_slice %get3A_15 {offsets = [0, 0], sizes = [1, 128], strides = [1, 1]} : vector<2x128xf32> to vector<1x128xf32>
      %add3A = arith.constant 9.99999974E-6 : f32
      %add3A_24 = vector.broadcast %add3A : f32 to vector<1x128xf32>
      %add3A_25 = arith.addf %sub3A, %add3A_24 : vector<1x128xf32>
      %rsqrt3A = math.rsqrt %add3A_25 : vector<1x128xf32>
      %mul3A_26 = arith.mulf %slice3A_23, %rsqrt3A : vector<1x128xf32>
      %slice3A_27 = vector.extract_strided_slice %get3A_15 {offsets = [1, 0], sizes = [1, 128], strides = [1, 1]} : vector<2x128xf32> to vector<1x128xf32>
      %mul3A_28 = arith.mulf %div3A_17, %mul3A_26 : vector<1x128xf32>
      %sub3A_29 = arith.subf %slice3A_27, %mul3A_28 : vector<1x128xf32>
      %mul3A_30 = vector.broadcast %mul3A_26 : vector<1x128xf32> to vector<256x128xf32>
      %mul3A_31 = arith.mulf %get3A_9, %mul3A_30 : vector<256x128xf32>
      %add3A_32 = vector.broadcast %sub3A_29 : vector<1x128xf32> to vector<256x128xf32>
      %add3A_33 = arith.addf %mul3A_31, %add3A_32 : vector<256x128xf32>
      %max3A = arith.constant 0.000000e+00 : f32
      %max3A_34 = vector.broadcast %max3A : f32 to vector<256x128xf32>
      %max3A_35 = arith.maximumf %add3A_33, %max3A_34 : vector<256x128xf32>
      %swap3A = arith.constant 0 : index
      %swap3A_36 = arith.constant 0 : index
      %swap3A_37 = vector.load %arg7[%swap3A, %swap3A_36] : memref<256x128xf32, #tpu.memory_space<vmem>>, vector<256x128xf32>
      tpu.vector_store %arg7[%swap3A, %swap3A_36], %max3A_35 {strides = array<i32>} : memref<256x128xf32, #tpu.memory_space<vmem>>, vector<256x128xf32>,
      %get3A_38 = arith.constant 0 : index
      %get3A_39 = arith.constant 0 : index
      %get3A_40 = vector.load %arg6[%get3A_38, %get3A_39] : memref<128x128xf32, #tpu.memory_space<vmem>>, vector<128x128xf32>
      %dot_general3A = arith.constant dense<0.000000e+00> : vector<256x128xf32>
      %dot_general3A_41 = tpu.matmul %max3A_35, %get3A_40, %dot_general3A {dimension_numbers = #tpu.dot_dimension_numbers<[1], [0], [0], [1], [0, 0, 1, 1], [], []>, transpose_lhs_hint = false} : vector<256x128xf32>, vector<128x128xf32>, vector<256x128xf32> -> vector<256x128xf32>
      %get3A_42 = arith.constant 0 : index
      %get3A_43 = arith.constant 0 : index
      %get3A_44 = vector.load %arg3[%get3A_42, %get3A_43] : memref<256x1xf32, #tpu.memory_space<vmem>>, vector<256x1xf32>
      %mul3A_45 = vector.broadcast %get3A_44 : vector<256x1xf32> to vector<256x128xf32>
      %mul3A_46 = arith.mulf %dot_general3A_41, %mul3A_45 : vector<256x128xf32>
      %slice3A_47 = vector.extract_strided_slice %mul3A_46 {offsets = [0, 0], sizes = [256, 64], strides = [1, 1]} : vector<256x128xf32> to vector<256x64xf32>
      %swap3A_48 = arith.constant 0 : index
      %swap3A_49 = arith.constant 0 : index
      %swap3A_50 = arith.constant 0 : index
      %swap3A_51 = vector.load %arg8[%swap3A_48, %swap3A_49, %swap3A_50] : memref<2x256x64xf32, #tpu.memory_space<vmem>>, vector<1x256x64xf32>
      %swap3A_52 = vector.shape_cast %swap3A_51 : vector<1x256x64xf32> to vector<256x64xf32>
      %swap3A_53 = vector.shape_cast %slice3A_47 : vector<256x64xf32> to vector<1x256x64xf32>
      tpu.vector_store %arg8[%swap3A_48, %swap3A_49, %swap3A_50], %swap3A_53 {strides = array<i32>} : memref<2x256x64xf32, #tpu.memory_space<vmem>>, vector<1x256x64xf32>,
      %slice3A_54 = vector.extract_strided_slice %mul3A_46 {offsets = [0, 64], sizes = [256, 64], strides = [1, 1]} : vector<256x128xf32> to vector<256x64xf32>
      %swap3A_55 = arith.constant 1 : index
      %swap3A_56 = arith.constant 0 : index
      %swap3A_57 = arith.constant 0 : index
      %swap3A_58 = vector.load %arg8[%swap3A_55, %swap3A_56, %swap3A_57] : memref<2x256x64xf32, #tpu.memory_space<vmem>>, vector<1x256x64xf32>
      %swap3A_59 = vector.shape_cast %swap3A_58 : vector<1x256x64xf32> to vector<256x64xf32>
      %swap3A_60 = vector.shape_cast %slice3A_54 : vector<256x64xf32> to vector<1x256x64xf32>
      tpu.vector_store %arg8[%swap3A_55, %swap3A_56, %swap3A_57], %swap3A_60 {strides = array<i32>} : memref<2x256x64xf32, #tpu.memory_space<vmem>>, vector<1x256x64xf32>,
    } else {
    }
    return
  }
  func.func @transform_0(%arg0: i32, %arg1: i32) -> (i32, i32, i32) {
    %sub3A = arith.constant 1 : i32
    %sub3A_0 = arith.subi %sub3A, %arg0 : i32
    %mul3A = arith.muli %arg1, %sub3A_0 : i32
    %c0_i32 = arith.constant 0 : i32
    %c0_i32_1 = arith.constant 0 : i32
    %c0_i32_2 = arith.constant 0 : i32
    return %c0_i32, %mul3A, %c0_i32_1 : i32, i32, i32
  }
  func.func @transform_1(%arg0: i32, %arg1: i32) -> (i32, i32) {
    %c0_i32 = arith.constant 0 : i32
    %c0_i32_0 = arith.constant 0 : i32
    return %arg1, %c0_i32 : i32, i32
  }
  func.func @transform_2(%arg0: i32, %arg1: i32) -> (i32, i32) {
    %c0_i32 = arith.constant 0 : i32
    %c0_i32_0 = arith.constant 0 : i32
    %c0_i32_1 = arith.constant 0 : i32
    return %c0_i32, %c0_i32_0 : i32, i32
  }
  func.func @transform_3(%arg0: i32, %arg1: i32) -> (i32, i32) {
    %c0_i32 = arith.constant 0 : i32
    %c0_i32_0 = arith.constant 0 : i32
    %c0_i32_1 = arith.constant 0 : i32
    return %c0_i32, %c0_i32_0 : i32, i32
  }
  func.func @transform_4(%arg0: i32, %arg1: i32) -> (i32, i32) {
    %c0_i32 = arith.constant 0 : i32
    %c0_i32_0 = arith.constant 0 : i32
    %c0_i32_1 = arith.constant 0 : i32
    return %c0_i32, %c0_i32_0 : i32, i32
  }
  func.func @transform_5(%arg0: i32, %arg1: i32) -> (i32, i32) {
    %mul3A = arith.muli %arg1, %arg0 : i32
    %c0_i32 = arith.constant 0 : i32
    %c0_i32_0 = arith.constant 0 : i32
    return %mul3A, %c0_i32 : i32, i32
  }
  func.func @transform_6(%arg0: i32, %arg1: i32) -> (i32, i32, i32) {
    %mul3A = arith.muli %arg1, %arg0 : i32
    %c0_i32 = arith.constant 0 : i32
    %c0_i32_0 = arith.constant 0 : i32
    %c0_i32_1 = arith.constant 0 : i32
    return %c0_i32, %mul3A, %c0_i32_0 : i32, i32, i32
  }
}

module attributes {stable_mosaic.version = 14 : i64} {
  func.func @_conv_epi_body(%arg0: i32, %arg1: i32, %arg2: memref<2x256x64xf32, #tpu.memory_space<vmem>>, %arg3: memref<256x1xf32, #tpu.memory_space<vmem>>, %arg4: memref<1x128xf32, #tpu.memory_space<vmem>>, %arg5: memref<2x128xf32, #tpu.memory_space<vmem>>, %arg6: memref<128x128xf32, #tpu.memory_space<vmem>>, %arg7: memref<256x128xf32, #tpu.memory_space<vmem>>, %arg8: memref<256x128xf32, #tpu.memory_space<vmem>>, %arg9: memref<2x256x64xf32, #tpu.memory_space<vmem>>, %arg10: memref<10240x128xf32, #tpu.memory_space<vmem>>, %arg11: memref<2x128xf32, #tpu.memory_space<vmem>>) attributes {dimension_semantics = [#tpu.dimension_semantics<arbitrary>, #tpu.dimension_semantics<arbitrary>], iteration_bounds = array<i64: 2, 40>, scalar_prefetch = 0 : i64, scratch_operands = 2 : i64, tpu.core_type = #tpu.core_type<tc>, window_params = [{transform_indices = @transform_0, window_bounds = array<i64: 2, 256, 64>}, {transform_indices = @transform_1, window_bounds = array<i64: 256, 1>}, {pipeline_mode = #tpu.pipeline_mode<synchronous>, transform_indices = @transform_2, window_bounds = array<i64: 1, 128>}, {pipeline_mode = #tpu.pipeline_mode<synchronous>, transform_indices = @transform_3, window_bounds = array<i64: 2, 128>}, {pipeline_mode = #tpu.pipeline_mode<synchronous>, transform_indices = @transform_4, window_bounds = array<i64: 128, 128>}, {transform_indices = @transform_5, window_bounds = array<i64: 256, 128>}, {transform_indices = @transform_6, window_bounds = array<i64: 256, 128>}, {transform_indices = @transform_7, window_bounds = array<i64: 2, 256, 64>}]} {
    %eq3A = arith.constant 0 : i32
    %eq3A_0 = arith.cmpi eq, %arg0, %eq3A : i32
    %convert_element_type3A = arith.extui %eq3A_0 : i1 to i32
    %cond3A = arith.constant 0 : i32
    %cond3A_1 = arith.cmpi ne, %convert_element_type3A, %cond3A : i32
    scf.if %cond3A_1 {
      %get3A = arith.constant 0 : index
      %get3A_7 = arith.constant 0 : index
      %get3A_8 = arith.constant 0 : index
      %get3A_9 = vector.load %arg2[%get3A, %get3A_7, %get3A_8] : memref<2x256x64xf32, #tpu.memory_space<vmem>>, vector<2x256x64xf32>
      %slice3A = vector.extract_strided_slice %get3A_9 {offsets = [0, 0, 0], sizes = [1, 256, 64], strides = [1, 1, 1]} : vector<2x256x64xf32> to vector<1x256x64xf32>
      %squeeze3A = vector.shape_cast %slice3A : vector<1x256x64xf32> to vector<256x64xf32>
      %slice3A_10 = vector.extract_strided_slice %get3A_9 {offsets = [1, 0, 0], sizes = [1, 256, 64], strides = [1, 1, 1]} : vector<2x256x64xf32> to vector<1x256x64xf32>
      %squeeze3A_11 = vector.shape_cast %slice3A_10 : vector<1x256x64xf32> to vector<256x64xf32>
      %concatenate3A = tpu.concatenate %squeeze3A, %squeeze3A_11 in 1 : vector<256x64xf32>, vector<256x64xf32> -> vector<256x128xf32>
      %get3A_12 = arith.constant 0 : index
      %get3A_13 = arith.constant 0 : index
      %get3A_14 = vector.load %arg3[%get3A_12, %get3A_13] : memref<256x1xf32, #tpu.memory_space<vmem>>, vector<256x1xf32>
      %mul3A = vector.broadcast %get3A_14 : vector<256x1xf32> to vector<256x128xf32>
      %mul3A_15 = arith.mulf %concatenate3A, %mul3A : vector<256x128xf32>
      %get3A_16 = arith.constant 0 : index
      %get3A_17 = arith.constant 0 : index
      %get3A_18 = vector.load %arg4[%get3A_16, %get3A_17] : memref<1x128xf32, #tpu.memory_space<vmem>>, vector<1x128xf32>
      %add3A = vector.broadcast %get3A_18 : vector<1x128xf32> to vector<256x128xf32>
      %add3A_19 = arith.addf %mul3A_15, %add3A : vector<256x128xf32>
      %mul3A_20 = arith.constant 256 : i32
      %mul3A_21 = arith.muli %arg1, %mul3A_20 : i32
      %swap3A = arith.index_cast %mul3A_21 : i32 to index
      %swap3A_22 = arith.constant 0 : index
      %swap3A_23 = vector.load %arg10[%swap3A, %swap3A_22] : memref<10240x128xf32, #tpu.memory_space<vmem>>, vector<256x128xf32>
      tpu.vector_store %arg10[%swap3A, %swap3A_22], %add3A_19 {strides = array<i32>} : memref<10240x128xf32, #tpu.memory_space<vmem>>, vector<256x128xf32>,
      %iota3A = tpu.iota {dimensions = array<i32: 0>} : vector<256x1xi32>
      %mul3A_24 = arith.constant 256 : i32
      %mul3A_25 = arith.muli %arg1, %mul3A_24 : i32
      %add3A_26 = vector.broadcast %mul3A_25 : i32 to vector<256x1xi32>
      %add3A_27 = arith.addi %iota3A, %add3A_26 : vector<256x1xi32>
      %lt3A = arith.constant 10000 : i32
      %lt3A_28 = vector.broadcast %lt3A : i32 to vector<256x1xi32>
      %lt3A_29 = arith.cmpi slt, %add3A_27, %lt3A_28 : vector<256x1xi32>
      %jit3A = arith.constant 0.000000e+00 : f32
      %broadcast_in_dim3A = vector.shape_cast %lt3A_29 : vector<256x1xi1> to vector<256x1xi1>
      %broadcast_in_dim3A_30 = vector.broadcast %broadcast_in_dim3A : vector<256x1xi1> to vector<256x128xi1>
      %broadcast_in_dim3A_31 = vector.broadcast %jit3A : f32 to vector<256x128xf32>
      %select_n3A = arith.select %broadcast_in_dim3A_30, %add3A_19, %broadcast_in_dim3A_31 : vector<256x128xi1>, vector<256x128xf32>
      %reduce_sum3A = arith.constant dense<0.000000e+00> : vector<128xf32>
      %reduce_sum3A_32 = vector.multi_reduction <add>, %select_n3A, %reduce_sum3A [0] : vector<256x128xf32> to vector<128xf32>
      %broadcast_in_dim3A_33 = vector.shape_cast %reduce_sum3A_32 : vector<128xf32> to vector<1x128xf32>
      %mul3A_34 = arith.mulf %select_n3A, %select_n3A : vector<256x128xf32>
      %reduce_sum3A_35 = arith.constant dense<0.000000e+00> : vector<128xf32>
      %reduce_sum3A_36 = vector.multi_reduction <add>, %mul3A_34, %reduce_sum3A_35 [0] : vector<256x128xf32> to vector<128xf32>
      %broadcast_in_dim3A_37 = vector.shape_cast %reduce_sum3A_36 : vector<128xf32> to vector<1x128xf32>
      %concatenate3A_38 = tpu.concatenate %broadcast_in_dim3A_33, %broadcast_in_dim3A_37 in 0 : vector<1x128xf32>, vector<1x128xf32> -> vector<2x128xf32>
      %eq3A_39 = arith.constant 0 : i32
      %eq3A_40 = arith.cmpi eq, %arg1, %eq3A_39 : i32
      %convert_element_type3A_41 = arith.extui %eq3A_40 : i1 to i32
      %cond3A_42 = arith.constant 0 : i32
      %cond3A_43 = arith.cmpi ne, %convert_element_type3A_41, %cond3A_42 : i32
      scf.if %cond3A_43 {
        %swap3A_48 = arith.constant 0 : index
        %swap3A_49 = arith.constant 0 : index
        %swap3A_50 = vector.load %arg11[%swap3A_48, %swap3A_49] : memref<2x128xf32, #tpu.memory_space<vmem>>, vector<2x128xf32>
        tpu.vector_store %arg11[%swap3A_48, %swap3A_49], %concatenate3A_38 {strides = array<i32>} : memref<2x128xf32, #tpu.memory_space<vmem>>, vector<2x128xf32>,
      } else {
      }
      %gt3A = arith.constant 0 : i32
      %gt3A_44 = arith.cmpi sgt, %arg1, %gt3A : i32
      %convert_element_type3A_45 = arith.extui %gt3A_44 : i1 to i32
      %cond3A_46 = arith.constant 0 : i32
      %cond3A_47 = arith.cmpi ne, %convert_element_type3A_45, %cond3A_46 : i32
      scf.if %cond3A_47 {
        %get3A_48 = arith.constant 0 : index
        %get3A_49 = arith.constant 0 : index
        %get3A_50 = vector.load %arg11[%get3A_48, %get3A_49] : memref<2x128xf32, #tpu.memory_space<vmem>>, vector<2x128xf32>
        %add3A_51 = arith.addf %get3A_50, %concatenate3A_38 : vector<2x128xf32>
        %swap3A_52 = arith.constant 0 : index
        %swap3A_53 = arith.constant 0 : index
        %swap3A_54 = vector.load %arg11[%swap3A_52, %swap3A_53] : memref<2x128xf32, #tpu.memory_space<vmem>>, vector<2x128xf32>
        tpu.vector_store %arg11[%swap3A_52, %swap3A_53], %add3A_51 {strides = array<i32>} : memref<2x128xf32, #tpu.memory_space<vmem>>, vector<2x128xf32>,
      } else {
      }
    } else {
    }
    %eq3A_2 = arith.constant 1 : i32
    %eq3A_3 = arith.cmpi eq, %arg0, %eq3A_2 : i32
    %convert_element_type3A_4 = arith.extui %eq3A_3 : i1 to i32
    %cond3A_5 = arith.constant 0 : i32
    %cond3A_6 = arith.cmpi ne, %convert_element_type3A_4, %cond3A_5 : i32
    scf.if %cond3A_6 {
      %mul3A = arith.constant 256 : i32
      %mul3A_7 = arith.muli %arg1, %mul3A : i32
      %get3A = arith.index_cast %mul3A_7 : i32 to index
      %get3A_8 = arith.constant 0 : index
      %get3A_9 = vector.load %arg10[%get3A, %get3A_8] : memref<10240x128xf32, #tpu.memory_space<vmem>>, vector<256x128xf32>
      %get3A_10 = arith.constant 0 : index
      %get3A_11 = arith.constant 0 : index
      %get3A_12 = vector.load %arg11[%get3A_10, %get3A_11] : memref<2x128xf32, #tpu.memory_space<vmem>>, vector<2x128xf32>
      %get3A_13 = arith.constant 0 : index
      %get3A_14 = arith.constant 0 : index
      %get3A_15 = vector.load %arg5[%get3A_13, %get3A_14] : memref<2x128xf32, #tpu.memory_space<vmem>>, vector<2x128xf32>
      %slice3A = vector.extract_strided_slice %get3A_12 {offsets = [0, 0], sizes = [1, 128], strides = [1, 1]} : vector<2x128xf32> to vector<1x128xf32>
      %div3A = arith.constant 1.000000e+04 : f32
      %div3A_16 = vector.broadcast %div3A : f32 to vector<1x128xf32>
      %div3A_17 = arith.divf %slice3A, %div3A_16 : vector<1x128xf32>
      %slice3A_18 = vector.extract_strided_slice %get3A_12 {offsets = [1, 0], sizes = [1, 128], strides = [1, 1]} : vector<2x128xf32> to vector<1x128xf32>
      %div3A_19 = arith.constant 1.000000e+04 : f32
      %div3A_20 = vector.broadcast %div3A_19 : f32 to vector<1x128xf32>
      %div3A_21 = arith.divf %slice3A_18, %div3A_20 : vector<1x128xf32>
      %mul3A_22 = arith.mulf %div3A_17, %div3A_17 : vector<1x128xf32>
      %sub3A = arith.subf %div3A_21, %mul3A_22 : vector<1x128xf32>
      %slice3A_23 = vector.extract_strided_slice %get3A_15 {offsets = [0, 0], sizes = [1, 128], strides = [1, 1]} : vector<2x128xf32> to vector<1x128xf32>
      %add3A = arith.constant 9.99999974E-6 : f32
      %add3A_24 = vector.broadcast %add3A : f32 to vector<1x128xf32>
      %add3A_25 = arith.addf %sub3A, %add3A_24 : vector<1x128xf32>
      %rsqrt3A = math.rsqrt %add3A_25 : vector<1x128xf32>
      %mul3A_26 = arith.mulf %slice3A_23, %rsqrt3A : vector<1x128xf32>
      %slice3A_27 = vector.extract_strided_slice %get3A_15 {offsets = [1, 0], sizes = [1, 128], strides = [1, 1]} : vector<2x128xf32> to vector<1x128xf32>
      %mul3A_28 = arith.mulf %div3A_17, %mul3A_26 : vector<1x128xf32>
      %sub3A_29 = arith.subf %slice3A_27, %mul3A_28 : vector<1x128xf32>
      %mul3A_30 = vector.broadcast %mul3A_26 : vector<1x128xf32> to vector<256x128xf32>
      %mul3A_31 = arith.mulf %get3A_9, %mul3A_30 : vector<256x128xf32>
      %add3A_32 = vector.broadcast %sub3A_29 : vector<1x128xf32> to vector<256x128xf32>
      %add3A_33 = arith.addf %mul3A_31, %add3A_32 : vector<256x128xf32>
      %max3A = arith.constant 0.000000e+00 : f32
      %max3A_34 = vector.broadcast %max3A : f32 to vector<256x128xf32>
      %max3A_35 = arith.maximumf %add3A_33, %max3A_34 : vector<256x128xf32>
      %get3A_36 = arith.constant 0 : index
      %get3A_37 = arith.constant 0 : index
      %get3A_38 = vector.load %arg7[%get3A_36, %get3A_37] : memref<256x128xf32, #tpu.memory_space<vmem>>, vector<256x128xf32>
      %add3A_39 = arith.addf %max3A_35, %get3A_38 : vector<256x128xf32>
      %swap3A = arith.constant 0 : index
      %swap3A_40 = arith.constant 0 : index
      %swap3A_41 = vector.load %arg8[%swap3A, %swap3A_40] : memref<256x128xf32, #tpu.memory_space<vmem>>, vector<256x128xf32>
      tpu.vector_store %arg8[%swap3A, %swap3A_40], %add3A_39 {strides = array<i32>} : memref<256x128xf32, #tpu.memory_space<vmem>>, vector<256x128xf32>,
      %get3A_42 = arith.constant 0 : index
      %get3A_43 = arith.constant 0 : index
      %get3A_44 = vector.load %arg6[%get3A_42, %get3A_43] : memref<128x128xf32, #tpu.memory_space<vmem>>, vector<128x128xf32>
      %dot_general3A = arith.constant dense<0.000000e+00> : vector<256x128xf32>
      %dot_general3A_45 = tpu.matmul %add3A_39, %get3A_44, %dot_general3A {dimension_numbers = #tpu.dot_dimension_numbers<[1], [0], [0], [1], [0, 0, 1, 1], [], []>, transpose_lhs_hint = false} : vector<256x128xf32>, vector<128x128xf32>, vector<256x128xf32> -> vector<256x128xf32>
      %get3A_46 = arith.constant 0 : index
      %get3A_47 = arith.constant 0 : index
      %get3A_48 = vector.load %arg3[%get3A_46, %get3A_47] : memref<256x1xf32, #tpu.memory_space<vmem>>, vector<256x1xf32>
      %mul3A_49 = vector.broadcast %get3A_48 : vector<256x1xf32> to vector<256x128xf32>
      %mul3A_50 = arith.mulf %dot_general3A_45, %mul3A_49 : vector<256x128xf32>
      %slice3A_51 = vector.extract_strided_slice %mul3A_50 {offsets = [0, 0], sizes = [256, 64], strides = [1, 1]} : vector<256x128xf32> to vector<256x64xf32>
      %swap3A_52 = arith.constant 0 : index
      %swap3A_53 = arith.constant 0 : index
      %swap3A_54 = arith.constant 0 : index
      %swap3A_55 = vector.load %arg9[%swap3A_52, %swap3A_53, %swap3A_54] : memref<2x256x64xf32, #tpu.memory_space<vmem>>, vector<1x256x64xf32>
      %swap3A_56 = vector.shape_cast %swap3A_55 : vector<1x256x64xf32> to vector<256x64xf32>
      %swap3A_57 = vector.shape_cast %slice3A_51 : vector<256x64xf32> to vector<1x256x64xf32>
      tpu.vector_store %arg9[%swap3A_52, %swap3A_53, %swap3A_54], %swap3A_57 {strides = array<i32>} : memref<2x256x64xf32, #tpu.memory_space<vmem>>, vector<1x256x64xf32>,
      %slice3A_58 = vector.extract_strided_slice %mul3A_50 {offsets = [0, 64], sizes = [256, 64], strides = [1, 1]} : vector<256x128xf32> to vector<256x64xf32>
      %swap3A_59 = arith.constant 1 : index
      %swap3A_60 = arith.constant 0 : index
      %swap3A_61 = arith.constant 0 : index
      %swap3A_62 = vector.load %arg9[%swap3A_59, %swap3A_60, %swap3A_61] : memref<2x256x64xf32, #tpu.memory_space<vmem>>, vector<1x256x64xf32>
      %swap3A_63 = vector.shape_cast %swap3A_62 : vector<1x256x64xf32> to vector<256x64xf32>
      %swap3A_64 = vector.shape_cast %slice3A_58 : vector<256x64xf32> to vector<1x256x64xf32>
      tpu.vector_store %arg9[%swap3A_59, %swap3A_60, %swap3A_61], %swap3A_64 {strides = array<i32>} : memref<2x256x64xf32, #tpu.memory_space<vmem>>, vector<1x256x64xf32>,
    } else {
    }
    return
  }
  func.func @transform_0(%arg0: i32, %arg1: i32) -> (i32, i32, i32) {
    %sub3A = arith.constant 1 : i32
    %sub3A_0 = arith.subi %sub3A, %arg0 : i32
    %mul3A = arith.muli %arg1, %sub3A_0 : i32
    %c0_i32 = arith.constant 0 : i32
    %c0_i32_1 = arith.constant 0 : i32
    %c0_i32_2 = arith.constant 0 : i32
    return %c0_i32, %mul3A, %c0_i32_1 : i32, i32, i32
  }
  func.func @transform_1(%arg0: i32, %arg1: i32) -> (i32, i32) {
    %c0_i32 = arith.constant 0 : i32
    %c0_i32_0 = arith.constant 0 : i32
    return %arg1, %c0_i32 : i32, i32
  }
  func.func @transform_2(%arg0: i32, %arg1: i32) -> (i32, i32) {
    %c0_i32 = arith.constant 0 : i32
    %c0_i32_0 = arith.constant 0 : i32
    %c0_i32_1 = arith.constant 0 : i32
    return %c0_i32, %c0_i32_0 : i32, i32
  }
  func.func @transform_3(%arg0: i32, %arg1: i32) -> (i32, i32) {
    %c0_i32 = arith.constant 0 : i32
    %c0_i32_0 = arith.constant 0 : i32
    %c0_i32_1 = arith.constant 0 : i32
    return %c0_i32, %c0_i32_0 : i32, i32
  }
  func.func @transform_4(%arg0: i32, %arg1: i32) -> (i32, i32) {
    %c0_i32 = arith.constant 0 : i32
    %c0_i32_0 = arith.constant 0 : i32
    %c0_i32_1 = arith.constant 0 : i32
    return %c0_i32, %c0_i32_0 : i32, i32
  }
  func.func @transform_5(%arg0: i32, %arg1: i32) -> (i32, i32) {
    %mul3A = arith.muli %arg1, %arg0 : i32
    %c0_i32 = arith.constant 0 : i32
    %c0_i32_0 = arith.constant 0 : i32
    return %mul3A, %c0_i32 : i32, i32
  }
  func.func @transform_6(%arg0: i32, %arg1: i32) -> (i32, i32) {
    %mul3A = arith.muli %arg1, %arg0 : i32
    %c0_i32 = arith.constant 0 : i32
    %c0_i32_0 = arith.constant 0 : i32
    return %mul3A, %c0_i32 : i32, i32
  }
  func.func @transform_7(%arg0: i32, %arg1: i32) -> (i32, i32, i32) {
    %mul3A = arith.muli %arg1, %arg0 : i32
    %c0_i32 = arith.constant 0 : i32
    %c0_i32_0 = arith.constant 0 : i32
    %c0_i32_1 = arith.constant 0 : i32
    return %c0_i32, %mul3A, %c0_i32_0 : i32, i32, i32
  }
}

module attributes {stable_mosaic.version = 14 : i64} {
  func.func @_conv_head_body(%arg0: i32, %arg1: i32, %arg2: memref<2x256x64xf32, #tpu.memory_space<vmem>>, %arg3: memref<256x1xf32, #tpu.memory_space<vmem>>, %arg4: memref<1x128xf32, #tpu.memory_space<vmem>>, %arg5: memref<2x128xf32, #tpu.memory_space<vmem>>, %arg6: memref<256x128xf32, #tpu.memory_space<vmem>>, %arg7: memref<128x64xf32, #tpu.memory_space<vmem>>, %arg8: memref<1x64xf32, #tpu.memory_space<vmem>>, %arg9: memref<1x64xf32, #tpu.memory_space<vmem>>, %arg10: memref<1x1xf32, #tpu.memory_space<vmem>>, %arg11: memref<256x1xf32, #tpu.memory_space<vmem>>, %arg12: memref<10240x128xf32, #tpu.memory_space<vmem>>, %arg13: memref<2x128xf32, #tpu.memory_space<vmem>>) attributes {dimension_semantics = [#tpu.dimension_semantics<arbitrary>, #tpu.dimension_semantics<arbitrary>], iteration_bounds = array<i64: 2, 40>, scalar_prefetch = 0 : i64, scratch_operands = 2 : i64, tpu.core_type = #tpu.core_type<tc>, window_params = [{transform_indices = @transform_0, window_bounds = array<i64: 2, 256, 64>}, {transform_indices = @transform_1, window_bounds = array<i64: 256, 1>}, {pipeline_mode = #tpu.pipeline_mode<synchronous>, transform_indices = @transform_2, window_bounds = array<i64: 1, 128>}, {pipeline_mode = #tpu.pipeline_mode<synchronous>, transform_indices = @transform_3, window_bounds = array<i64: 2, 128>}, {transform_indices = @transform_4, window_bounds = array<i64: 256, 128>}, {pipeline_mode = #tpu.pipeline_mode<synchronous>, transform_indices = @transform_5, window_bounds = array<i64: 128, 64>}, {pipeline_mode = #tpu.pipeline_mode<synchronous>, transform_indices = @transform_6, window_bounds = array<i64: 1, 64>}, {pipeline_mode = #tpu.pipeline_mode<synchronous>, transform_indices = @transform_7, window_bounds = array<i64: 1, 64>}, {pipeline_mode = #tpu.pipeline_mode<synchronous>, transform_indices = @transform_8, window_bounds = array<i64: 1, 1>}, {transform_indices = @transform_9, window_bounds = array<i64: 256, 1>}]} {
    %eq3A = arith.constant 0 : i32
    %eq3A_0 = arith.cmpi eq, %arg0, %eq3A : i32
    %convert_element_type3A = arith.extui %eq3A_0 : i1 to i32
    %cond3A = arith.constant 0 : i32
    %cond3A_1 = arith.cmpi ne, %convert_element_type3A, %cond3A : i32
    scf.if %cond3A_1 {
      %get3A = arith.constant 0 : index
      %get3A_7 = arith.constant 0 : index
      %get3A_8 = arith.constant 0 : index
      %get3A_9 = vector.load %arg2[%get3A, %get3A_7, %get3A_8] : memref<2x256x64xf32, #tpu.memory_space<vmem>>, vector<2x256x64xf32>
      %slice3A = vector.extract_strided_slice %get3A_9 {offsets = [0, 0, 0], sizes = [1, 256, 64], strides = [1, 1, 1]} : vector<2x256x64xf32> to vector<1x256x64xf32>
      %squeeze3A = vector.shape_cast %slice3A : vector<1x256x64xf32> to vector<256x64xf32>
      %slice3A_10 = vector.extract_strided_slice %get3A_9 {offsets = [1, 0, 0], sizes = [1, 256, 64], strides = [1, 1, 1]} : vector<2x256x64xf32> to vector<1x256x64xf32>
      %squeeze3A_11 = vector.shape_cast %slice3A_10 : vector<1x256x64xf32> to vector<256x64xf32>
      %concatenate3A = tpu.concatenate %squeeze3A, %squeeze3A_11 in 1 : vector<256x64xf32>, vector<256x64xf32> -> vector<256x128xf32>
      %get3A_12 = arith.constant 0 : index
      %get3A_13 = arith.constant 0 : index
      %get3A_14 = vector.load %arg3[%get3A_12, %get3A_13] : memref<256x1xf32, #tpu.memory_space<vmem>>, vector<256x1xf32>
      %mul3A = vector.broadcast %get3A_14 : vector<256x1xf32> to vector<256x128xf32>
      %mul3A_15 = arith.mulf %concatenate3A, %mul3A : vector<256x128xf32>
      %get3A_16 = arith.constant 0 : index
      %get3A_17 = arith.constant 0 : index
      %get3A_18 = vector.load %arg4[%get3A_16, %get3A_17] : memref<1x128xf32, #tpu.memory_space<vmem>>, vector<1x128xf32>
      %add3A = vector.broadcast %get3A_18 : vector<1x128xf32> to vector<256x128xf32>
      %add3A_19 = arith.addf %mul3A_15, %add3A : vector<256x128xf32>
      %mul3A_20 = arith.constant 256 : i32
      %mul3A_21 = arith.muli %arg1, %mul3A_20 : i32
      %swap3A = arith.index_cast %mul3A_21 : i32 to index
      %swap3A_22 = arith.constant 0 : index
      %swap3A_23 = vector.load %arg12[%swap3A, %swap3A_22] : memref<10240x128xf32, #tpu.memory_space<vmem>>, vector<256x128xf32>
      tpu.vector_store %arg12[%swap3A, %swap3A_22], %add3A_19 {strides = array<i32>} : memref<10240x128xf32, #tpu.memory_space<vmem>>, vector<256x128xf32>,
      %iota3A = tpu.iota {dimensions = array<i32: 0>} : vector<256x1xi32>
      %mul3A_24 = arith.constant 256 : i32
      %mul3A_25 = arith.muli %arg1, %mul3A_24 : i32
      %add3A_26 = vector.broadcast %mul3A_25 : i32 to vector<256x1xi32>
      %add3A_27 = arith.addi %iota3A, %add3A_26 : vector<256x1xi32>
      %lt3A = arith.constant 10000 : i32
      %lt3A_28 = vector.broadcast %lt3A : i32 to vector<256x1xi32>
      %lt3A_29 = arith.cmpi slt, %add3A_27, %lt3A_28 : vector<256x1xi32>
      %jit3A = arith.constant 0.000000e+00 : f32
      %broadcast_in_dim3A = vector.shape_cast %lt3A_29 : vector<256x1xi1> to vector<256x1xi1>
      %broadcast_in_dim3A_30 = vector.broadcast %broadcast_in_dim3A : vector<256x1xi1> to vector<256x128xi1>
      %broadcast_in_dim3A_31 = vector.broadcast %jit3A : f32 to vector<256x128xf32>
      %select_n3A = arith.select %broadcast_in_dim3A_30, %add3A_19, %broadcast_in_dim3A_31 : vector<256x128xi1>, vector<256x128xf32>
      %reduce_sum3A = arith.constant dense<0.000000e+00> : vector<128xf32>
      %reduce_sum3A_32 = vector.multi_reduction <add>, %select_n3A, %reduce_sum3A [0] : vector<256x128xf32> to vector<128xf32>
      %broadcast_in_dim3A_33 = vector.shape_cast %reduce_sum3A_32 : vector<128xf32> to vector<1x128xf32>
      %mul3A_34 = arith.mulf %select_n3A, %select_n3A : vector<256x128xf32>
      %reduce_sum3A_35 = arith.constant dense<0.000000e+00> : vector<128xf32>
      %reduce_sum3A_36 = vector.multi_reduction <add>, %mul3A_34, %reduce_sum3A_35 [0] : vector<256x128xf32> to vector<128xf32>
      %broadcast_in_dim3A_37 = vector.shape_cast %reduce_sum3A_36 : vector<128xf32> to vector<1x128xf32>
      %concatenate3A_38 = tpu.concatenate %broadcast_in_dim3A_33, %broadcast_in_dim3A_37 in 0 : vector<1x128xf32>, vector<1x128xf32> -> vector<2x128xf32>
      %eq3A_39 = arith.constant 0 : i32
      %eq3A_40 = arith.cmpi eq, %arg1, %eq3A_39 : i32
      %convert_element_type3A_41 = arith.extui %eq3A_40 : i1 to i32
      %cond3A_42 = arith.constant 0 : i32
      %cond3A_43 = arith.cmpi ne, %convert_element_type3A_41, %cond3A_42 : i32
      scf.if %cond3A_43 {
        %swap3A_48 = arith.constant 0 : index
        %swap3A_49 = arith.constant 0 : index
        %swap3A_50 = vector.load %arg13[%swap3A_48, %swap3A_49] : memref<2x128xf32, #tpu.memory_space<vmem>>, vector<2x128xf32>
        tpu.vector_store %arg13[%swap3A_48, %swap3A_49], %concatenate3A_38 {strides = array<i32>} : memref<2x128xf32, #tpu.memory_space<vmem>>, vector<2x128xf32>,
      } else {
      }
      %gt3A = arith.constant 0 : i32
      %gt3A_44 = arith.cmpi sgt, %arg1, %gt3A : i32
      %convert_element_type3A_45 = arith.extui %gt3A_44 : i1 to i32
      %cond3A_46 = arith.constant 0 : i32
      %cond3A_47 = arith.cmpi ne, %convert_element_type3A_45, %cond3A_46 : i32
      scf.if %cond3A_47 {
        %get3A_48 = arith.constant 0 : index
        %get3A_49 = arith.constant 0 : index
        %get3A_50 = vector.load %arg13[%get3A_48, %get3A_49] : memref<2x128xf32, #tpu.memory_space<vmem>>, vector<2x128xf32>
        %add3A_51 = arith.addf %get3A_50, %concatenate3A_38 : vector<2x128xf32>
        %swap3A_52 = arith.constant 0 : index
        %swap3A_53 = arith.constant 0 : index
        %swap3A_54 = vector.load %arg13[%swap3A_52, %swap3A_53] : memref<2x128xf32, #tpu.memory_space<vmem>>, vector<2x128xf32>
        tpu.vector_store %arg13[%swap3A_52, %swap3A_53], %add3A_51 {strides = array<i32>} : memref<2x128xf32, #tpu.memory_space<vmem>>, vector<2x128xf32>,
      } else {
      }
    } else {
    }
    %eq3A_2 = arith.constant 1 : i32
    %eq3A_3 = arith.cmpi eq, %arg0, %eq3A_2 : i32
    %convert_element_type3A_4 = arith.extui %eq3A_3 : i1 to i32
    %cond3A_5 = arith.constant 0 : i32
    %cond3A_6 = arith.cmpi ne, %convert_element_type3A_4, %cond3A_5 : i32
    scf.if %cond3A_6 {
      %mul3A = arith.constant 256 : i32
      %mul3A_7 = arith.muli %arg1, %mul3A : i32
      %get3A = arith.index_cast %mul3A_7 : i32 to index
      %get3A_8 = arith.constant 0 : index
      %get3A_9 = vector.load %arg12[%get3A, %get3A_8] : memref<10240x128xf32, #tpu.memory_space<vmem>>, vector<256x128xf32>
      %get3A_10 = arith.constant 0 : index
      %get3A_11 = arith.constant 0 : index
      %get3A_12 = vector.load %arg13[%get3A_10, %get3A_11] : memref<2x128xf32, #tpu.memory_space<vmem>>, vector<2x128xf32>
      %get3A_13 = arith.constant 0 : index
      %get3A_14 = arith.constant 0 : index
      %get3A_15 = vector.load %arg5[%get3A_13, %get3A_14] : memref<2x128xf32, #tpu.memory_space<vmem>>, vector<2x128xf32>
      %slice3A = vector.extract_strided_slice %get3A_12 {offsets = [0, 0], sizes = [1, 128], strides = [1, 1]} : vector<2x128xf32> to vector<1x128xf32>
      %div3A = arith.constant 1.000000e+04 : f32
      %div3A_16 = vector.broadcast %div3A : f32 to vector<1x128xf32>
      %div3A_17 = arith.divf %slice3A, %div3A_16 : vector<1x128xf32>
      %slice3A_18 = vector.extract_strided_slice %get3A_12 {offsets = [1, 0], sizes = [1, 128], strides = [1, 1]} : vector<2x128xf32> to vector<1x128xf32>
      %div3A_19 = arith.constant 1.000000e+04 : f32
      %div3A_20 = vector.broadcast %div3A_19 : f32 to vector<1x128xf32>
      %div3A_21 = arith.divf %slice3A_18, %div3A_20 : vector<1x128xf32>
      %mul3A_22 = arith.mulf %div3A_17, %div3A_17 : vector<1x128xf32>
      %sub3A = arith.subf %div3A_21, %mul3A_22 : vector<1x128xf32>
      %slice3A_23 = vector.extract_strided_slice %get3A_15 {offsets = [0, 0], sizes = [1, 128], strides = [1, 1]} : vector<2x128xf32> to vector<1x128xf32>
      %add3A = arith.constant 9.99999974E-6 : f32
      %add3A_24 = vector.broadcast %add3A : f32 to vector<1x128xf32>
      %add3A_25 = arith.addf %sub3A, %add3A_24 : vector<1x128xf32>
      %rsqrt3A = math.rsqrt %add3A_25 : vector<1x128xf32>
      %mul3A_26 = arith.mulf %slice3A_23, %rsqrt3A : vector<1x128xf32>
      %slice3A_27 = vector.extract_strided_slice %get3A_15 {offsets = [1, 0], sizes = [1, 128], strides = [1, 1]} : vector<2x128xf32> to vector<1x128xf32>
      %mul3A_28 = arith.mulf %div3A_17, %mul3A_26 : vector<1x128xf32>
      %sub3A_29 = arith.subf %slice3A_27, %mul3A_28 : vector<1x128xf32>
      %mul3A_30 = vector.broadcast %mul3A_26 : vector<1x128xf32> to vector<256x128xf32>
      %mul3A_31 = arith.mulf %get3A_9, %mul3A_30 : vector<256x128xf32>
      %add3A_32 = vector.broadcast %sub3A_29 : vector<1x128xf32> to vector<256x128xf32>
      %add3A_33 = arith.addf %mul3A_31, %add3A_32 : vector<256x128xf32>
      %max3A = arith.constant 0.000000e+00 : f32
      %max3A_34 = vector.broadcast %max3A : f32 to vector<256x128xf32>
      %max3A_35 = arith.maximumf %add3A_33, %max3A_34 : vector<256x128xf32>
      %get3A_36 = arith.constant 0 : index
      %get3A_37 = arith.constant 0 : index
      %get3A_38 = vector.load %arg6[%get3A_36, %get3A_37] : memref<256x128xf32, #tpu.memory_space<vmem>>, vector<256x128xf32>
      %add3A_39 = arith.addf %max3A_35, %get3A_38 : vector<256x128xf32>
      %get3A_40 = arith.constant 0 : index
      %get3A_41 = arith.constant 0 : index
      %get3A_42 = vector.load %arg7[%get3A_40, %get3A_41] : memref<128x64xf32, #tpu.memory_space<vmem>>, vector<128x64xf32>
      %dot_general3A = arith.constant dense<0.000000e+00> : vector<256x64xf32>
      %dot_general3A_43 = tpu.matmul %add3A_39, %get3A_42, %dot_general3A {dimension_numbers = #tpu.dot_dimension_numbers<[1], [0], [0], [1], [0, 0, 1, 1], [], []>, transpose_lhs_hint = false} : vector<256x128xf32>, vector<128x64xf32>, vector<256x64xf32> -> vector<256x64xf32>
      %get3A_44 = arith.constant 0 : index
      %get3A_45 = arith.constant 0 : index
      %get3A_46 = vector.load %arg8[%get3A_44, %get3A_45] : memref<1x64xf32, #tpu.memory_space<vmem>>, vector<1x64xf32>
      %add3A_47 = vector.broadcast %get3A_46 : vector<1x64xf32> to vector<256x64xf32>
      %add3A_48 = arith.addf %dot_general3A_43, %add3A_47 : vector<256x64xf32>
      %max3A_49 = arith.constant 0.000000e+00 : f32
      %max3A_50 = vector.broadcast %max3A_49 : f32 to vector<256x64xf32>
      %max3A_51 = arith.maximumf %add3A_48, %max3A_50 : vector<256x64xf32>
      %get3A_52 = arith.constant 0 : index
      %get3A_53 = arith.constant 0 : index
      %get3A_54 = vector.load %arg9[%get3A_52, %get3A_53] : memref<1x64xf32, #tpu.memory_space<vmem>>, vector<1x64xf32>
      %mul3A_55 = vector.broadcast %get3A_54 : vector<1x64xf32> to vector<256x64xf32>
      %mul3A_56 = arith.mulf %max3A_51, %mul3A_55 : vector<256x64xf32>
      %reduce_sum3A = arith.constant dense<0.000000e+00> : vector<256xf32>
      %reduce_sum3A_57 = vector.multi_reduction <add>, %mul3A_56, %reduce_sum3A [1] : vector<256x64xf32> to vector<256xf32>
      %broadcast_in_dim3A = vector.shape_cast %reduce_sum3A_57 : vector<256xf32> to vector<256x1xf32>
      %get3A_58 = arith.constant 0 : index
      %get3A_59 = arith.constant 0 : index
      %get3A_60 = vector.load %arg10[%get3A_58, %get3A_59] : memref<1x1xf32, #tpu.memory_space<vmem>>, vector<1x1xf32>
      %add3A_61 = vector.broadcast %get3A_60 : vector<1x1xf32> to vector<256x1xf32>
      %add3A_62 = arith.addf %broadcast_in_dim3A, %add3A_61 : vector<256x1xf32>
      %swap3A = arith.constant 0 : index
      %swap3A_63 = arith.constant 0 : index
      %swap3A_64 = vector.load %arg11[%swap3A, %swap3A_63] : memref<256x1xf32, #tpu.memory_space<vmem>>, vector<256x1xf32>
      tpu.vector_store %arg11[%swap3A, %swap3A_63], %add3A_62 {strides = array<i32>} : memref<256x1xf32, #tpu.memory_space<vmem>>, vector<256x1xf32>,
    } else {
    }
    return
  }
  func.func @transform_0(%arg0: i32, %arg1: i32) -> (i32, i32, i32) {
    %sub3A = arith.constant 1 : i32
    %sub3A_0 = arith.subi %sub3A, %arg0 : i32
    %mul3A = arith.muli %arg1, %sub3A_0 : i32
    %c0_i32 = arith.constant 0 : i32
    %c0_i32_1 = arith.constant 0 : i32
    %c0_i32_2 = arith.constant 0 : i32
    return %c0_i32, %mul3A, %c0_i32_1 : i32, i32, i32
  }
  func.func @transform_1(%arg0: i32, %arg1: i32) -> (i32, i32) {
    %c0_i32 = arith.constant 0 : i32
    %c0_i32_0 = arith.constant 0 : i32
    return %arg1, %c0_i32 : i32, i32
  }
  func.func @transform_2(%arg0: i32, %arg1: i32) -> (i32, i32) {
    %c0_i32 = arith.constant 0 : i32
    %c0_i32_0 = arith.constant 0 : i32
    %c0_i32_1 = arith.constant 0 : i32
    return %c0_i32, %c0_i32_0 : i32, i32
  }
  func.func @transform_3(%arg0: i32, %arg1: i32) -> (i32, i32) {
    %c0_i32 = arith.constant 0 : i32
    %c0_i32_0 = arith.constant 0 : i32
    %c0_i32_1 = arith.constant 0 : i32
    return %c0_i32, %c0_i32_0 : i32, i32
  }
  func.func @transform_4(%arg0: i32, %arg1: i32) -> (i32, i32) {
    %mul3A = arith.muli %arg1, %arg0 : i32
    %c0_i32 = arith.constant 0 : i32
    %c0_i32_0 = arith.constant 0 : i32
    return %mul3A, %c0_i32 : i32, i32
  }
  func.func @transform_5(%arg0: i32, %arg1: i32) -> (i32, i32) {
    %c0_i32 = arith.constant 0 : i32
    %c0_i32_0 = arith.constant 0 : i32
    %c0_i32_1 = arith.constant 0 : i32
    return %c0_i32, %c0_i32_0 : i32, i32
  }
  func.func @transform_6(%arg0: i32, %arg1: i32) -> (i32, i32) {
    %c0_i32 = arith.constant 0 : i32
    %c0_i32_0 = arith.constant 0 : i32
    %c0_i32_1 = arith.constant 0 : i32
    return %c0_i32, %c0_i32_0 : i32, i32
  }
  func.func @transform_7(%arg0: i32, %arg1: i32) -> (i32, i32) {
    %c0_i32 = arith.constant 0 : i32
    %c0_i32_0 = arith.constant 0 : i32
    %c0_i32_1 = arith.constant 0 : i32
    return %c0_i32, %c0_i32_0 : i32, i32
  }
  func.func @transform_8(%arg0: i32, %arg1: i32) -> (i32, i32) {
    %c0_i32 = arith.constant 0 : i32
    %c0_i32_0 = arith.constant 0 : i32
    %c0_i32_1 = arith.constant 0 : i32
    return %c0_i32, %c0_i32_0 : i32, i32
  }
  func.func @transform_9(%arg0: i32, %arg1: i32) -> (i32, i32) {
    %mul3A = arith.muli %arg1, %arg0 : i32
    %c0_i32 = arith.constant 0 : i32
    %c0_i32_0 = arith.constant 0 : i32
    return %mul3A, %c0_i32 : i32, i32
  }
}

</mosaic_0001>

<sc_bundles>
// kernel: kernel.10.cloned.1.call-start
scs
__scs_entry_jumppad:
0x0: {  	(pc) =	sbr.rel $0x88, $3  }
0x1: {  	(tag) =	ssettag $0x0;
	lr =	simm.s32 $0x1  }
0x2: {  	[smem:$0x3F95] =	sst lr;
	_ =	strace $0xD0000000  }
0x3: {  	_ = 	snop  }
0x4: {  	_ = 	snop  }
0x5: {  	_ = 	snop  }
0x6: {  	_ = 	snop  }
0x7: {  	_ = 	snop  }
__scs_overlays_trampoline_lowered:
0x8: {  	[smem:$0x3FA4] =	sst s0  }
0x9: {  	[smem:$0x3FA5] =	sst s1  }
0xa: {  	[smem:$0x3FA6] =	sst s2  }
0xb: {  	[smem:$0x3FA7] =	sst s3  }
0xc: {  	[smem:$0x3FA8] =	sst s4  }
0xd: {  	[smem:$0x3FA9] =	sst s5  }
0xe: {  	[smem:$0x3FAA] =	sst s6  }
0xf: {  	[smem:$0x3FAB] =	sst s7  }
0x10: {  	[smem:$0x3FAC] =	sst s8  }
0x11: {  	[smem:$0x3FAD] =	sst s9;
	s0 =	simm.s32 @!p0 $0x0  }
0x12: {  	s1 =	sld [smem:$0x3F93];
	s0 =	simm.s32 @p0 $0x1  }
0x13: {  	[smem:$0x3FAE] =	sst s0;
	s0 =	simm.s32 @!p1 $0x0  }
0x14: {  	s2 =	sld [smem:$0x3F92];
	s0 =	simm.s32 @p1 $0x1  }
0x15: {  	[smem:$0x3FAF] =	sst s0;
	s0 =	simm.s32 @!p2 $0x0  }
0x16: {  	s3 =	sld [smem:$0x3FDB];
	s0 =	simm.s32 @p2 $0x1  }
0x17: {  	s4 =	simm.s32 $0x1BF5;
	[smem:$0x3FB1] =	sst s0  }
0x18: {  	s0 =	sld [smem:$0x3F94];
	_ =	swait.ge [sflag:s4], $0x0  }
0x19: {  	s7 =	sld [smem:$0x3F95]  }
0x1a: {  	s8 =	sadd.s32 $0xFFFFE003, lr  }
0x1b: {  	s9 =	sadd.s32 $0xFFFFFEF7, lr;
	s5 =	simm.s32 $0xFFFFFFFF;
	p2 =	slt.u32 s8, $0xFFFFF086  }
0x1c: {  	p1 =	slt.u32 s9, $0xF7A;
	s5 =	simm.s32 @!p2 $0x0  }
0x1d: {  	s5 =	simm.s32 @p1 $0x1;
	p0 =	seq.s32 s7, s2  }
0x1e: {  	s7 =	smul.u32 @!p0 $0xF7A, s2;
	p2 =	seq.s32 @!p0 s5, $0x0  }
0x1f: {  	s9 =	smul.u32 $0xF7A, s1;
	s8 =	simm.s32 @!p0 $0x1BF5;
	p2 =	por !p2, p0  }
0x20: {  	[sflag:s8] =	ssyncset.s32 @!p0 $0xFFFFF086;
	s6 =	sadd.s32 @!p0 s3, s7;
	s7 =	simm.s32 @!p0 $0x108  }
0x21: {  	s3 =	sadd.s32 s3, s9;
	s6 =	sadd.s32 @!p0 $0x88, s6;
	s7 =	simm.s32 @p2 $0x1082  }
0x22: {  	[simem:s7], [sflag:s8] =	dma.local @!p0 [hbm:s6], $0xF7A  }
0x23: {  	s9 =	sor.u32 $0xD0000000, s2;
	s6 =	simm.s32 $0x108;
	_ =	swait.ge @!p0 [sflag:s8], $0x0  }
0x24: {  	s3 =	sadd.s32 $0x88, s3;
	s6 =	simm.s32 @!p1 $0x1082;
	[sflag:s4] =	ssyncset.s32 $0xFFFFF086  }
0x25: {  	[simem:s6], [sflag:s4] =	dma.local [hbm:s3], $0xF7A  }
0x26: {  	[smem:$0x3F95] =	sst s1;
	(tag) =	ssettag s2;
	_ =	strace s9  }
0x27: {  	s1 =	sld [smem:$0x3FA5]  }
0x28: {  	s2 =	sld [smem:$0x3FA6]  }
0x29: {  	s4 =	sld [smem:$0x3FA8]  }
0x2a: {  	p0 =	seq.s32 s5, $0x0;
	s5 =	sld [smem:$0x3FA9]  }
0x2b: {  	s6 =	sld [smem:$0x3FAA]  }
0x2c: {  	s7 =	sld [smem:$0x3FAB]  }
0x2d: {  	s3 =	simm.s32 $0x108;
	s8 =	sld [smem:$0x3FAC]  }
0x2e: {  	s3 =	simm.s32 @!p0 $0x1082;
	s9 =	sld [smem:$0x3FAD]  }
0x2f: {  	lr =	sadd.s32 s0, s3;
	s0 =	sld [smem:$0x3FA4]  }
0x30: {  	s3 =	sld [smem:$0x3FA7]  }
0x31: {  	[smem:$0x3FB0] =	sst s10  }
0x32: {  	s10 =	sld [smem:$0x3FAE];
	_ =	sdelay $0x3  }
0x33: {  	p0 =	seq.s32 s10, $0x1;
	s10 =	sld [smem:$0x3FB0];
	_ =	sdelay $0x3  }
0x34: {  	[smem:$0x3FB0] =	sst s10  }
0x35: {  	s10 =	sld [smem:$0x3FAF];
	_ =	sdelay $0x3  }
0x36: {  	p1 =	seq.s32 s10, $0x1;
	s10 =	sld [smem:$0x3FB0];
	_ =	sdelay $0x3  }
0x37: {  	[smem:$0x3FB0] =	sst s10  }
0x38: {  	s10 =	sld [smem:$0x3FB1]  }
0x39: {  	_ = 	snop;
	(pc) =	sbr.ind lr, $3  }
0x3a: {  	_ = 	snop  }
0x3b: {  	_ = 	snop  }
0x3c: {  	p2 =	seq.s32 s10, $0x1;
	s10 =	sld [smem:$0x3FB0]  }
0x3d: {  	_ =	shalt  }
0x3e: {  	_ =	shalt  }
0x3f: {  	_ =	shalt  }
0x40: {  	_ =	shalt  }
0x41: {  	_ =	shalt  }
0x42: {  	_ =	shalt  }
0x43: {  	_ =	shalt  }
0x44: {  	_ =	shalt  }
0x45: {  	_ =	shalt  }
0x46: {  	_ =	shalt  }
0x47: {  	_ =	shalt  }
0x48: {  	_ =	shalt  }
0x49: {  	_ =	shalt  }
0x4a: {  	_ =	shalt  }
0x4b: {  	_ =	shalt  }
0x4c: {  	_ =	shalt  }
0x4d: {  	_ =	shalt  }
0x4e: {  	_ =	shalt  }
0x4f: {  	_ =	shalt  }
0x50: {  	_ =	shalt  }
0x51: {  	_ =	shalt  }
0x52: {  	_ =	shalt  }
0x53: {  	_ =	shalt  }
0x54: {  	_ =	shalt  }
0x55: {  	_ =	shalt  }
0x56: {  	_ =	shalt  }
0x57: {  	_ =	shalt  }
0x58: {  	_ =	shalt  }
0x59: {  	_ =	shalt  }
0x5a: {  	_ =	shalt  }
0x5b: {  	_ =	shalt  }
0x5c: {  	_ =	shalt  }
0x5d: {  	_ =	shalt  }
0x5e: {  	_ =	shalt  }
0x5f: {  	_ =	shalt  }
0x60: {  	_ =	shalt  }
0x61: {  	_ =	shalt  }
0x62: {  	_ =	shalt  }
0x63: {  	_ =	shalt  }
0x64: {  	_ =	shalt  }
0x65: {  	_ =	shalt  }
0x66: {  	_ =	shalt  }
0x67: {  	_ =	shalt  }
0x68: {  	_ =	shalt  }
0x69: {  	_ =	shalt  }
0x6a: {  	_ =	shalt  }
0x6b: {  	_ =	shalt  }
0x6c: {  	_ =	shalt  }
0x6d: {  	_ =	shalt  }
0x6e: {  	_ =	shalt  }
0x6f: {  	_ =	shalt  }
0x70: {  	_ =	shalt  }
0x71: {  	_ =	shalt  }
0x72: {  	_ =	shalt  }
0x73: {  	_ =	shalt  }
0x74: {  	_ =	shalt  }
0x75: {  	_ =	shalt  }
0x76: {  	_ =	shalt  }
0x77: {  	_ =	shalt  }
0x78: {  	_ =	shalt  }
0x79: {  	_ =	shalt  }
0x7a: {  	_ =	shalt  }
0x7b: {  	_ =	shalt  }
0x7c: {  	_ =	shalt  }
0x7d: {  	_ =	shalt  }
0x7e: {  	_ =	shalt  }
0x7f: {  	_ =	shalt  }
0x80: {  	_ =	shalt  }
0x81: {  	_ =	shalt  }
0x82: {  	_ =	shalt  }
0x83: {  	_ =	shalt  }
0x84: {  	_ =	shalt  }
0x85: {  	_ =	shalt  }
0x86: {  	_ =	shalt  }
0x87: {  	_ =	shalt  }
.Lfunc_end0:
.L_simem_size_0:
called_computation_lowered:
.L_overlay_start_0:
0x88: {  	s2 =	sld [smem:$0x3FD9]  }
0x89: {  	s3 =	sld [smem:$0x3FFE];
	_ =	sdelay $0x1  }
0x8a: {  	s1 =	srdreg.scid  }
0x8b: {  	s0 =	sand.u32 $0x1, s1  }
0x8c: {  	s17 =	sshll.u32 s0, $0xA;
	s2 =	sadd.s32 s3, s2  }
0x8d: {  	s2 =	sadd.s32 s2, s17  }
0x8e: {  	[smem:$0x3FBC] =	sst s2  }
0x8f: {  	_ = 	snop  }
0x90: {  	s2 =	sld [smem:$0x3FD0];
	(tm) =	ssettm $0x1  }
0x91: {  	s18 =	sld [smem:$0x3FFB];
	_ =	sdelay $0x3  }
0x92: {  	_ =	strace s18  }
0x93: {  	s3 =	sld [smem:$0x3FFC];
	_ =	sdelay $0x3  }
0x94: {  	_ =	strace s3  }
0x95: {  	s3 =	sld [smem:$0x3FFD];
	_ =	sdelay $0x3  }
0x96: {  	_ =	strace s3  }
0x97: {  	_ =	strace $0x8FFFFFFF  }
0x98: {  	s19 =	sld [smem:$0x3FDB];
	_ =	sdelay $0x1  }
0x99: {  	s4 =	simm.s32 $_scs_section_size  }
0x9a: {  	s5 =	simm.s32 $_size__tile_overlayer_lowered;
	s6 =	simm.s32 $_tile_overlayer_lowered  }
0x9b: {  	s22 =	simm.s32 $0x1BFF;
	s21 =	sshll.u32 s6, $0x1;
	s3 =	sadd.s32 s4, s19  }
0x9c: {  	s7 =	simm.s32 $0x0;
	s20 =	sshll.u32 s5, $0x1;
	s5 =	sadd.s32 s21, s3  }
0x9d: {  	[timem:s7], [sflag:s22] =	dma.local [hbm:s5], s20  }
0x9e: {  	_ =	swait.ge [sflag:s22], s20  }
0x9f: {  	s4 =	ssub.s32 $0x0, s20;
	[sflag:s22] =	ssyncset.done $0x0  }
0xa0: {  	[sflag:s22] =	ssyncadd.s32 s4;
	_ =	sdelay $0x1  }
0xa1: {  	s23 =	simm.s32 $0x1B8B  }
0xa2: {  	_ =	swait.ge [sflag:s23], $0x1  }
0xa3: {  	[sflag:s23] =	ssyncset.done $0x0  }
0xa4: {  	s25 =	simm.s32 $0x1B8E;
	s24 =	sld [smem:$0x3FFE];
	[sflag:s23] =	ssyncadd.s32 $0xFFFFFFFF  }
0xa5: {  	s26 =	simm.s32 $execute0_lowered;
	[smem:$0x3FD2] =	sst s25  }
0xa6: {  	s5 =	sshll.u32 s26, $0x1;
	_ =	strace $0x80000046;
	[dreg:$0x1] =	wrdreg $0xFFFFFFFF  }
0xa7: {  	s28 =	simm.s32 $_size_execute0_lowered;
	s3 =	sadd.s32 s3, s5;
	[dreg:$0x0] =	wrdreg $0x0  }
0xa8: {  	s5 =	sshll.u32 s28, $0x1;
	[dreg:$0x2] =	wrdreg s3  }
0xa9: {  	[dreg:$0x3] =	wrdreg s5  }
0xaa: {  	[dreg:$0x4] =	wrdreg $0xC0  }
0xab: {  	_ =	task [dreg:s7], $0x5FFFF  }
0xac: {  	[dreg:$0x1] =	wrdreg $0xFFFFFFFF  }
0xad: {  	[dreg:$0x0] =	wrdreg $0x60  }
0xae: {  	[dreg:$0x2] =	wrdreg s24  }
0xaf: {  	[dreg:$0x3] =	wrdreg s2  }
0xb0: {  	[dreg:$0x4] =	wrdreg $0x9  }
0xb1: {  	_ =	task.clear_ibuf [dreg:s7], $0x5FFFF;
	_ =	strace $0x90000046  }
0xb2: {  	s29 =	simm.s32 $0x9;
	_ =	strace $0x80000048  }
0xb3: {  	_ =	swait.ge [sflag:s29], $0x1  }
0xb4: {  	[sflag:s29] =	ssyncadd.s32 $0xFFFFFFFF  }
0xb5: {  	_ =	strace $0x90000048  }
0xb6: {  	_ =	sfence  }
0xb7: {  	s30 =	sld [smem:$0x0];
	_ =	sdelay $0x2  }
0xb8: {  	s31 =	sshll.u32 s1, $0xD;
	s1 =	sshrl.u32 s1, $0x2  }
0xb9: {  	s3 =	sand.u32 $0x4000, s31;
	s1 =	sadd.s32 s1, s30  }
0xba: {  	s0 =	sor.u32 s3, s0;
	s1 =	sshll.u32 s1, $0x11  }
0xbb: {  	s0 =	sor.u32 s1, s0  }
0xbc: {  	s0 =	sadd.s32 $0x8F2B, s0  }
0xbd: {  	[sflag:s0] =	ssyncadd.remote.s32 $0x1  }
0xbe: {  	_ =	sfence.sel $0xFFFF  }
0xbf: {  	[dreg:$0x0] =	wrdreg $0xFFFFFFFF;
	(pc) =	sbr.abs _section_cstart, $3  }
0xc0: {  	[dreg:$0x1] =	wrdreg $0xFFFFFFFF  }
0xc1: {  	_ =	task.clear_ibuf [dreg:s7], $0x2FFFF;
	_ =	strace $0x9FFFFFFF  }
0xc2: {  	(tm) =	ssettm $0x7FFFFFFF  }
0xc3: {  	_ =	shalt  }
tec
execute0_lowered:
.L_overlay_start_1:
0x0: {  	(tag) =	ssettag $0x1  }
0x1: {  	s0 =	srdreg.scid;
	s5 =	rddreg [dreg:$0x0]  }
0x2: {  	s2 =	rddreg [dreg:$0x1];
	s4 =	sand.u32 $0x1, s0  }
0x3: {  	s3 =	simm.s32 $0x0;
	s0 =	stileid.u32;
	s1 =	sshll.u32 s4, $0x4  }
0x4: {  	s9 =	simm.s32 $0x80;
	s10 =	simm.s32 $0x400;
	s6 =	sor.u32 s0, s1  }
0x5: {  	s11 =	simm.s32 $0x0;
	[smem:$0x7FF] =	sst s3;
	s7 =	sshrl.u32 s6, $0x3  }
0x6: {  	s8 =	sshll.u32 s0, $0x7;
	s4 =	ssub.s32 $0x2, s4;
	s7 =	smul.u32 $0x14000, s7  }
0x7: {  	s1 =	rddreg [dreg:$0x2];
	s8 =	sand.u32 $0x380, s8;
	_ =	strace $0x80000047  }
0x8: {  	s31 =	sshrl.u32 s4, $0x1;
	s6 =	sshll.u32 s6, $0xB;
	s7 =	sor.u32 s8, s7  }
0x9: {  	s6 =	sadd.s32 s6, s5;
	s8 =	simm.s32 $0x4000;
	s7 =	sshrl.u32 s7, $0x3  }
0xa: {  	s5 =	sadd.s32 s7, s5;
	s7 =	ssub.s32 s4, s31;
	s4 =	sadd.s32 $0x2C00, s6  }
0xb: {  	v0 =	vimm.f32 $1.000000000e+00;
	s5 =	sadd.s32 $0x12C00, s5;
	s6 =	smax.u32 s7, $0x1;
	s7 =	simm.s32 $0x1  }
.LBB2_1:
0xc: {  	[tilespmem:s3], [sflag:$0x1] =	stream.linear.gather [hbm4b:s4+s3], $0x3E80, $0x38;
	[tilespmem:$0x6800] =	vst v63  }
0xd: {  	_ =	swait.ge [sflag:s7], $0x3E80  }
0xe: {  	[sflag:s7] =	ssyncset.done $0x0  }
0xf: {  	[sflag:s7] =	ssyncadd.s32 $0xFFFFC180  }
0x10: {  	[tilespmem:s8], [sflag:$0x1] =	stream.linear.gather [hbm4b:s2+s3], $0x2800, $0x38;
	[tilespmem:$0x6800] =	vst v63  }
0x11: {  	_ =	swait.ge [sflag:s7], $0x2800  }
0x12: {  	[sflag:s7] =	ssyncset.done $0x0  }
0x13: {  	s12 =	simm.s32 $0x0;
	[sflag:s7] =	ssyncadd.s32 $0xFFFFD800  }
.LBB2_2:
0x14: {  	s13 =	sshra.s32 s12, $0x2  }
0x15: {  	v1 =	vld [tilespmem:s13+$0x0];
	_ =	sdelay $0x7  }
0x16: {  	[tilespmem:v1+s8+$0x0] =	vst.idx.add.f32.msk $0xffff, v0  }
0x17: {  	v1 =	vld [tilespmem:s13+$0x10];
	_ =	sdelay $0x7  }
0x18: {  	[tilespmem:v1+s8+$0x0] =	vst.idx.add.f32.msk $0xffff, v0  }
0x19: {  	v1 =	vld [tilespmem:s13+$0x20];
	_ =	sdelay $0x7  }
0x1a: {  	[tilespmem:v1+s8+$0x0] =	vst.idx.add.f32.msk $0xffff, v0  }
0x1b: {  	v1 =	vld [tilespmem:s13+$0x30];
	_ =	sdelay $0x7  }
0x1c: {  	[tilespmem:v1+s8+$0x0] =	vst.idx.add.f32.msk $0xffff, v0  }
0x1d: {  	v1 =	vld [tilespmem:s13+$0x40];
	_ =	sdelay $0x2  }
0x1e: {  	p0 =	sne.s32 s12, $0xF800  }
.Ltmp0:
0x1f: {  	_ = 	snop;
	(pc) =	sbr.rel @p0 .LBB2_2-.Ltmp0, $2  }
0x20: {  	_ =	sdelay $0x2  }
0x21: {  	s12 =	sadd.s32 $0x200, s12;
	[tilespmem:v1+s8+$0x0] =	vst.idx.add.f32.msk $0xffff, v0  }
0x22: {  	s11 =	sadd.s32 $0x1, s11  }
0x23: {  	p0 =	sne.s32 s11, s6  }
.Ltmp1:
0x24: {  	_ = 	snop;
	(pc) =	sbr.rel @p0 .LBB2_1-.Ltmp1, $4  }
0x25: {  	[hbm4b:s5+s9] =	stream.strided.scatter [tilespmem:s8], [sflag:$0x1], $0x2800, s10, s9, $0x38;
	[tilespmem:$0x6800] =	vst v63  }
0x26: {  	_ =	swait.ge [sflag:s7], $0x2800  }
0x27: {  	[sflag:s7] =	ssyncset.done $0x0  }
0x28: {  	[sflag:s7] =	ssyncadd.s32 $0xFFFFD800  }
0x29: {  	_ =	sfence.sel $0x180000  }
0x2a: {  	[bflag:$0x0] =	sbarrier.arrive $0xFFFF  }
0x2b: {  	p0 =	sne.s32 s0, $0x0;
	_ =	strace $0x90000047  }
0x2c: {  	s0 =	sadd.s32 @!p0 $0x100000, s1;
	[bflag:$0x2] =	sbarrier.arrive $0xFFFF  }
0x2d: {  	[sflag:s0] =	ssyncadd.tile.s32 @!p0 $0x1;
	_ =	shalt  }
.Lfunc_end2:
_tile_overlayer_lowered:
.L_overlay_start_2:
0x2e: {  	(tag) =	ssettag $0x2  }
0x2f: {  	s0 =	rddreg [dreg:$0x0];
	s2 =	stileid.u32  }
0x30: {  	s1 =	rddreg [dreg:$0x1];
	p0 =	sne.s32 s2, $0x0  }
0x31: {  	s3 =	rddreg [dreg:$0x2];
	[bflag:$0x3] =	sbarrier.arrive $0xFFFF;
	s2 =	simm.s32 @!p0 $0x1C01  }
0x32: {  	[timem:s3], [sflag:s2] =	dma.local @!p0 [hbm:s0], s1  }
0x33: {  	s0 =	simm.s32 @!p0 $0x1  }
0x34: {  	_ =	swait.ge @!p0 [sflag:s0], s1  }
0x35: {  	s1 =	ssub.s32 @!p0 $0x0, s1;
	[sflag:s0] =	ssyncset.done @!p0 $0x0  }
0x36: {  	[sflag:s0] =	ssyncadd.s32 @!p0 s1  }
0x37: {  	[bflag:$0x3] =	sbarrier.arrive $0xFFFF  }
0x38: {  	_ =	shalt  }

// kernel: kernel.13.cloned.1.call-start
scs
__scs_entry_jumppad:
0x0: {  	(pc) =	sbr.rel $0x88, $3  }
0x1: {  	(tag) =	ssettag $0x0;
	lr =	simm.s32 $0x1  }
0x2: {  	[smem:$0x3F95] =	sst lr;
	_ =	strace $0xD0000000  }
0x3: {  	_ = 	snop  }
0x4: {  	_ = 	snop  }
0x5: {  	_ = 	snop  }
0x6: {  	_ = 	snop  }
0x7: {  	_ = 	snop  }
__scs_overlays_trampoline_lowered:
0x8: {  	[smem:$0x3FA4] =	sst s0  }
0x9: {  	[smem:$0x3FA5] =	sst s1  }
0xa: {  	[smem:$0x3FA6] =	sst s2  }
0xb: {  	[smem:$0x3FA7] =	sst s3  }
0xc: {  	[smem:$0x3FA8] =	sst s4  }
0xd: {  	[smem:$0x3FA9] =	sst s5  }
0xe: {  	[smem:$0x3FAA] =	sst s6  }
0xf: {  	[smem:$0x3FAB] =	sst s7  }
0x10: {  	[smem:$0x3FAC] =	sst s8  }
0x11: {  	[smem:$0x3FAD] =	sst s9;
	s0 =	simm.s32 @!p0 $0x0  }
0x12: {  	s1 =	sld [smem:$0x3F93];
	s0 =	simm.s32 @p0 $0x1  }
0x13: {  	[smem:$0x3FAE] =	sst s0;
	s0 =	simm.s32 @!p1 $0x0  }
0x14: {  	s2 =	sld [smem:$0x3F92];
	s0 =	simm.s32 @p1 $0x1  }
0x15: {  	[smem:$0x3FAF] =	sst s0;
	s0 =	simm.s32 @!p2 $0x0  }
0x16: {  	s3 =	sld [smem:$0x3FDB];
	s0 =	simm.s32 @p2 $0x1  }
0x17: {  	s4 =	simm.s32 $0x1BF5;
	[smem:$0x3FB1] =	sst s0  }
0x18: {  	s0 =	sld [smem:$0x3F94];
	_ =	swait.ge [sflag:s4], $0x0  }
0x19: {  	s7 =	sld [smem:$0x3F95]  }
0x1a: {  	s8 =	sadd.s32 $0xFFFFE003, lr  }
0x1b: {  	s9 =	sadd.s32 $0xFFFFFEF7, lr;
	s5 =	simm.s32 $0xFFFFFFFF;
	p2 =	slt.u32 s8, $0xFFFFF086  }
0x1c: {  	p1 =	slt.u32 s9, $0xF7A;
	s5 =	simm.s32 @!p2 $0x0  }
0x1d: {  	s5 =	simm.s32 @p1 $0x1;
	p0 =	seq.s32 s7, s2  }
0x1e: {  	s7 =	smul.u32 @!p0 $0xF7A, s2;
	p2 =	seq.s32 @!p0 s5, $0x0  }
0x1f: {  	s9 =	smul.u32 $0xF7A, s1;
	s8 =	simm.s32 @!p0 $0x1BF5;
	p2 =	por !p2, p0  }
0x20: {  	[sflag:s8] =	ssyncset.s32 @!p0 $0xFFFFF086;
	s6 =	sadd.s32 @!p0 s3, s7;
	s7 =	simm.s32 @!p0 $0x108  }
0x21: {  	s3 =	sadd.s32 s3, s9;
	s6 =	sadd.s32 @!p0 $0x88, s6;
	s7 =	simm.s32 @p2 $0x1082  }
0x22: {  	[simem:s7], [sflag:s8] =	dma.local @!p0 [hbm:s6], $0xF7A  }
0x23: {  	s9 =	sor.u32 $0xD0000000, s2;
	s6 =	simm.s32 $0x108;
	_ =	swait.ge @!p0 [sflag:s8], $0x0  }
0x24: {  	s3 =	sadd.s32 $0x88, s3;
	s6 =	simm.s32 @!p1 $0x1082;
	[sflag:s4] =	ssyncset.s32 $0xFFFFF086  }
0x25: {  	[simem:s6], [sflag:s4] =	dma.local [hbm:s3], $0xF7A  }
0x26: {  	[smem:$0x3F95] =	sst s1;
	(tag) =	ssettag s2;
	_ =	strace s9  }
0x27: {  	s1 =	sld [smem:$0x3FA5]  }
0x28: {  	s2 =	sld [smem:$0x3FA6]  }
0x29: {  	s4 =	sld [smem:$0x3FA8]  }
0x2a: {  	p0 =	seq.s32 s5, $0x0;
	s5 =	sld [smem:$0x3FA9]  }
0x2b: {  	s6 =	sld [smem:$0x3FAA]  }
0x2c: {  	s7 =	sld [smem:$0x3FAB]  }
0x2d: {  	s3 =	simm.s32 $0x108;
	s8 =	sld [smem:$0x3FAC]  }
0x2e: {  	s3 =	simm.s32 @!p0 $0x1082;
	s9 =	sld [smem:$0x3FAD]  }
0x2f: {  	lr =	sadd.s32 s0, s3;
	s0 =	sld [smem:$0x3FA4]  }
0x30: {  	s3 =	sld [smem:$0x3FA7]  }
0x31: {  	[smem:$0x3FB0] =	sst s10  }
0x32: {  	s10 =	sld [smem:$0x3FAE];
	_ =	sdelay $0x3  }
0x33: {  	p0 =	seq.s32 s10, $0x1;
	s10 =	sld [smem:$0x3FB0];
	_ =	sdelay $0x3  }
0x34: {  	[smem:$0x3FB0] =	sst s10  }
0x35: {  	s10 =	sld [smem:$0x3FAF];
	_ =	sdelay $0x3  }
0x36: {  	p1 =	seq.s32 s10, $0x1;
	s10 =	sld [smem:$0x3FB0];
	_ =	sdelay $0x3  }
0x37: {  	[smem:$0x3FB0] =	sst s10  }
0x38: {  	s10 =	sld [smem:$0x3FB1]  }
0x39: {  	_ = 	snop;
	(pc) =	sbr.ind lr, $3  }
0x3a: {  	_ = 	snop  }
0x3b: {  	_ = 	snop  }
0x3c: {  	p2 =	seq.s32 s10, $0x1;
	s10 =	sld [smem:$0x3FB0]  }
0x3d: {  	_ =	shalt  }
0x3e: {  	_ =	shalt  }
0x3f: {  	_ =	shalt  }
0x40: {  	_ =	shalt  }
0x41: {  	_ =	shalt  }
0x42: {  	_ =	shalt  }
0x43: {  	_ =	shalt  }
0x44: {  	_ =	shalt  }
0x45: {  	_ =	shalt  }
0x46: {  	_ =	shalt  }
0x47: {  	_ =	shalt  }
0x48: {  	_ =	shalt  }
0x49: {  	_ =	shalt  }
0x4a: {  	_ =	shalt  }
0x4b: {  	_ =	shalt  }
0x4c: {  	_ =	shalt  }
0x4d: {  	_ =	shalt  }
0x4e: {  	_ =	shalt  }
0x4f: {  	_ =	shalt  }
0x50: {  	_ =	shalt  }
0x51: {  	_ =	shalt  }
0x52: {  	_ =	shalt  }
0x53: {  	_ =	shalt  }
0x54: {  	_ =	shalt  }
0x55: {  	_ =	shalt  }
0x56: {  	_ =	shalt  }
0x57: {  	_ =	shalt  }
0x58: {  	_ =	shalt  }
0x59: {  	_ =	shalt  }
0x5a: {  	_ =	shalt  }
0x5b: {  	_ =	shalt  }
0x5c: {  	_ =	shalt  }
0x5d: {  	_ =	shalt  }
0x5e: {  	_ =	shalt  }
0x5f: {  	_ =	shalt  }
0x60: {  	_ =	shalt  }
0x61: {  	_ =	shalt  }
0x62: {  	_ =	shalt  }
0x63: {  	_ =	shalt  }
0x64: {  	_ =	shalt  }
0x65: {  	_ =	shalt  }
0x66: {  	_ =	shalt  }
0x67: {  	_ =	shalt  }
0x68: {  	_ =	shalt  }
0x69: {  	_ =	shalt  }
0x6a: {  	_ =	shalt  }
0x6b: {  	_ =	shalt  }
0x6c: {  	_ =	shalt  }
0x6d: {  	_ =	shalt  }
0x6e: {  	_ =	shalt  }
0x6f: {  	_ =	shalt  }
0x70: {  	_ =	shalt  }
0x71: {  	_ =	shalt  }
0x72: {  	_ =	shalt  }
0x73: {  	_ =	shalt  }
0x74: {  	_ =	shalt  }
0x75: {  	_ =	shalt  }
0x76: {  	_ =	shalt  }
0x77: {  	_ =	shalt  }
0x78: {  	_ =	shalt  }
0x79: {  	_ =	shalt  }
0x7a: {  	_ =	shalt  }
0x7b: {  	_ =	shalt  }
0x7c: {  	_ =	shalt  }
0x7d: {  	_ =	shalt  }
0x7e: {  	_ =	shalt  }
0x7f: {  	_ =	shalt  }
0x80: {  	_ =	shalt  }
0x81: {  	_ =	shalt  }
0x82: {  	_ =	shalt  }
0x83: {  	_ =	shalt  }
0x84: {  	_ =	shalt  }
0x85: {  	_ =	shalt  }
0x86: {  	_ =	shalt  }
0x87: {  	_ =	shalt  }
.Lfunc_end0:
.L_simem_size_0:
called_computation.1_lowered:
.L_overlay_start_0:
0x88: {  	s2 =	sld [smem:$0x3FD9]  }
0x89: {  	s3 =	sld [smem:$0x3FFE];
	_ =	sdelay $0x1  }
0x8a: {  	s1 =	srdreg.scid  }
0x8b: {  	s0 =	sand.u32 $0x1, s1  }
0x8c: {  	s16 =	sshll.u32 s0, $0xA;
	s2 =	sadd.s32 s3, s2  }
0x8d: {  	s2 =	sadd.s32 s2, s16  }
0x8e: {  	[smem:$0x3FBC] =	sst s2  }
0x8f: {  	_ = 	snop  }
0x90: {  	(tm) =	ssettm $0x1  }
0x91: {  	s17 =	sld [smem:$0x3FFB];
	_ =	sdelay $0x3  }
0x92: {  	_ =	strace s17  }
0x93: {  	s2 =	sld [smem:$0x3FFC];
	_ =	sdelay $0x3  }
0x94: {  	_ =	strace s2  }
0x95: {  	s2 =	sld [smem:$0x3FFD];
	_ =	sdelay $0x3  }
0x96: {  	_ =	strace s2  }
0x97: {  	_ =	strace $0x8FFFFFFF  }
0x98: {  	s18 =	sld [smem:$0x3FDB];
	_ =	sdelay $0x1  }
0x99: {  	s19 =	simm.s32 $_scs_section_size  }
0x9a: {  	s4 =	simm.s32 $_size__tile_overlayer_lowered;
	s5 =	simm.s32 $_tile_overlayer_lowered  }
0x9b: {  	s22 =	simm.s32 $0x1BFF;
	s21 =	sshll.u32 s5, $0x1;
	s2 =	sadd.s32 s19, s18  }
0x9c: {  	s6 =	simm.s32 $0x0;
	s20 =	sshll.u32 s4, $0x1;
	s4 =	sadd.s32 s21, s2  }
0x9d: {  	[timem:s6], [sflag:s22] =	dma.local [hbm:s4], s20  }
0x9e: {  	_ =	swait.ge [sflag:s22], s20  }
0x9f: {  	s3 =	ssub.s32 $0x0, s20;
	[sflag:s22] =	ssyncset.done $0x0  }
0xa0: {  	[sflag:s22] =	ssyncadd.s32 s3;
	_ =	sdelay $0x1  }
0xa1: {  	s23 =	simm.s32 $0x1B8B  }
0xa2: {  	_ =	swait.ge [sflag:s23], $0x1  }
0xa3: {  	[sflag:s23] =	ssyncset.done $0x0  }
0xa4: {  	s25 =	simm.s32 $0x1B8E;
	s24 =	sld [smem:$0x3FFE];
	[sflag:s23] =	ssyncadd.s32 $0xFFFFFFFF  }
0xa5: {  	s26 =	simm.s32 $execute0_lowered;
	[smem:$0x3FD2] =	sst s25  }
0xa6: {  	s4 =	sshll.u32 s26, $0x1;
	_ =	strace $0x80000049;
	[dreg:$0x1] =	wrdreg $0xFFFFFFFF  }
0xa7: {  	s28 =	simm.s32 $_size_execute0_lowered;
	s2 =	sadd.s32 s2, s4;
	[dreg:$0x0] =	wrdreg $0x0  }
0xa8: {  	s4 =	sshll.u32 s28, $0x1;
	[dreg:$0x2] =	wrdreg s2  }
0xa9: {  	[dreg:$0x3] =	wrdreg s4  }
0xaa: {  	[dreg:$0x4] =	wrdreg $0xC0  }
0xab: {  	_ =	task [dreg:s6], $0x5FFFF  }
0xac: {  	[dreg:$0x1] =	wrdreg $0xFFFFFFFF  }
0xad: {  	[dreg:$0x0] =	wrdreg $0x60  }
0xae: {  	[dreg:$0x2] =	wrdreg s24  }
0xaf: {  	[dreg:$0x3] =	wrdreg $0x11F800  }
0xb0: {  	[dreg:$0x4] =	wrdreg $0x9  }
0xb1: {  	_ =	task.clear_ibuf [dreg:s6], $0x5FFFF;
	_ =	strace $0x90000049  }
0xb2: {  	s29 =	simm.s32 $0x9;
	_ =	strace $0x8000004B  }
0xb3: {  	_ =	swait.ge [sflag:s29], $0x1  }
0xb4: {  	[sflag:s29] =	ssyncadd.s32 $0xFFFFFFFF  }
0xb5: {  	_ =	strace $0x9000004B  }
0xb6: {  	_ =	sfence  }
0xb7: {  	s30 =	sld [smem:$0x0];
	_ =	sdelay $0x2  }
0xb8: {  	s31 =	sshll.u32 s1, $0xD;
	s1 =	sshrl.u32 s1, $0x2  }
0xb9: {  	s3 =	sand.u32 $0x4000, s31;
	s1 =	sadd.s32 s1, s30  }
0xba: {  	s0 =	sor.u32 s3, s0;
	s1 =	sshll.u32 s1, $0x11  }
0xbb: {  	s0 =	sor.u32 s1, s0  }
0xbc: {  	s0 =	sadd.s32 $0x8F2B, s0  }
0xbd: {  	[sflag:s0] =	ssyncadd.remote.s32 $0x1  }
0xbe: {  	_ =	sfence.sel $0xFFFF  }
0xbf: {  	[dreg:$0x0] =	wrdreg $0xFFFFFFFF;
	(pc) =	sbr.abs _section_cstart, $3  }
0xc0: {  	[dreg:$0x1] =	wrdreg $0xFFFFFFFF  }
0xc1: {  	_ =	task.clear_ibuf [dreg:s6], $0x2FFFF;
	_ =	strace $0x9FFFFFFF  }
0xc2: {  	(tm) =	ssettm $0x7FFFFFFF  }
0xc3: {  	_ =	shalt  }
tec
execute0_lowered:
.L_overlay_start_1:
0x0: {  	(tag) =	ssettag $0x1  }
0x1: {  	s0 =	rddreg [dreg:$0x0]  }
0x2: {  	s1 =	rddreg [dreg:$0x1]  }
0x3: {  	s2 =	srdreg.scid;
	s3 =	simm.s32 $0x0;
	s10 =	stileid.u32  }
0x4: {  	s12 =	simm.s32 $0x3;
	s13 =	simm.s32 $0x5140;
	s14 =	simm.s32 $0x64  }
0x5: {  	s15 =	simm.s32 $0xA280;
	s17 =	simm.s32 $0xBB80;
	s19 =	simm.s32 $0xD480  }
0x6: {  	s20 =	simm.s32 $0x1;
	s22 =	simm.s32 $0xED80;
	s25 =	simm.s32 $0x10680  }
0x7: {  	s28 =	simm.s32 $0x2;
	s30 =	simm.s32 $0x5278;
	s31 =	simm.s32 $0x270  }
0x8: {  	s16 =	simm.s32 $0x0;
	s2 =	sand.u32 $0x1, s2;
	s5 =	smul.u32 $0xA000, s10  }
0x9: {  	[smem:$0x7FF] =	sst s3;
	s7 =	smul.u32 $0xA28, s10;
	s29 =	sshll.u32 s10, $0x6  }
0xa: {  	s4 =	smul.u32 $0xA0000, s2;
	_ =	strace $0x8000004A;
	s2 =	ssub.s32 $0x2, s2  }
0xb: {  	s8 =	sshrl.u32 s2, $0x1;
	s9 =	sadd.s32 s7, s0;
	s26 =	sshrl.u32 s5, $0x3  }
0xc: {  	s11 =	sadd.s32 s5, s1;
	s6 =	sshrl.u32 s4, $0x3;
	s4 =	sadd.s32 s5, s4  }
.Ltmp0:
0xd: {  	s2 =	ssub.s32 s2, s8;
	s7 =	sadd.s32 $0x27000, s9;
	(pc) =	sbr.rel .LBB2_1-.Ltmp0, $4  }
0xe: {  	s8 =	sadd.s32 $0x1CC00, s9;
	s11 =	sshrl.u32 s11, $0x3;
	s6 =	sadd.s32 s6, s0  }
0xf: {  	s4 =	sshrl.u32 s4, $0x3;
	s10 =	smax.u32 s2, $0x1;
	s2 =	simm.s32 $0x2D8  }
0x10: {  	s0 =	sadd.s32 s4, s0;
	s4 =	sadd.s32 $0x31400, s6;
	s6 =	sor.u32 $0x1C03, s29  }
0x11: {  	s5 =	sadd.s32 s26, s4;
	s9 =	sadd.s32 $0x59400, s0;
	s0 =	simm.s32 $0x52E0  }
.LBB2_4:
0x12: {  	_ =	swait.ge [sflag:s28], $0x1900  }
0x13: {  	[sflag:s28] =	ssyncset.done $0x0  }
0x14: {  	[sflag:s28] =	ssyncadd.s32 $0xFFFFE700  }
0x15: {  	_ =	swait.ge [sflag:s28], $0x1900  }
0x16: {  	s16 =	sadd.s32 $0x1, s16;
	[sflag:s28] =	ssyncset.done $0x0  }
0x17: {  	p0 =	sne.s32 s16, s10;
	[sflag:s28] =	ssyncadd.s32 $0xFFFFE700  }
.Ltmp1:
0x18: {  	[bflag:$0x0] =	sbarrier.arrive $0xFFFF;
	(pc) =	sbr.rel @!p0 .LBB2_5-.Ltmp1, $4  }
0x19: {  	[hbm:s9], [sflag:s6] =	dma.local [spmem:s11], $0x1400  }
0x1a: {  	_ =	swait.ge [sflag:s12], $0x1400  }
0x1b: {  	[sflag:s12] =	ssyncset.done $0x0  }
0x1c: {  	[sflag:s12] =	ssyncadd.s32 $0xFFFFEC00  }
.LBB2_1:
0x1d: {  	[spmem:s11], [sflag:s6] =	dma.local [hbm:s5], $0x1400  }
0x1e: {  	_ =	swait.ge [sflag:s12], $0x1400  }
0x1f: {  	[sflag:s12] =	ssyncset.done $0x0  }
0x20: {  	[sflag:s12] =	ssyncadd.s32 $0xFFFFEC00  }
0x21: {  	[tilespmem:s3], [sflag:$0x3] =	stream.linear.gather [hbm4b:s7+s3], $0x5140, $0x38;
	[tilespmem:$0x1BF80] =	vst v63  }
0x22: {  	_ =	swait.ge [sflag:s12], $0x5140  }
0x23: {  	[sflag:s12] =	ssyncset.done $0x0  }
0x24: {  	[sflag:s12] =	ssyncadd.s32 $0xFFFFAEC0  }
0x25: {  	[tilespmem:s13], [sflag:$0x3] =	stream.linear.gather [hbm4b:s8+s3], $0x5140, $0x38;
	[tilespmem:$0x1BF80] =	vst v63  }
0x26: {  	_ =	swait.ge [sflag:s12], $0x5140  }
0x27: {  	[sflag:s12] =	ssyncset.done $0x0  }
0x28: {  	[sflag:s12] =	ssyncadd.s32 $0xFFFFAEC0  }
0x29: {  	[bflag:$0x0] =	sbarrier.arrive $0xFFFF  }
0x2a: {  	[tilespmem:s15], [sflag:$0x1] =	stream.indirect.gather [hbm4b:s4+s14], $0x40, s3, s14, $0xb8;
	[tilespmem:$0x1BF80] =	vst v63  }
0x2b: {  	s18 =	simm.s32 $0x68  }
0x2c: {  	[tilespmem:s17], [sflag:$0x1] =	stream.indirect.gather [hbm4b:s4+s14], $0x40, s18, s14, $0xb8;
	[tilespmem:$0x1BF80] =	vst v63  }
0x2d: {  	s29 =	simm.s32 $0xD0  }
0x2e: {  	[tilespmem:s19], [sflag:$0x1] =	stream.indirect.gather [hbm4b:s4+s14], $0x40, s29, s14, $0xb8;
	[tilespmem:$0x1BF80] =	vst v63  }
0x2f: {  	_ =	swait.ge [sflag:s20], $0x1900  }
0x30: {  	[sflag:s20] =	ssyncset.done $0x0  }
0x31: {  	[sflag:s20] =	ssyncadd.s32 $0xFFFFE700  }
0x32: {  	[spmem:s1] =	stream.indirect.scatter.add.f32 [tilespmem:s15], [sflag:$0x2], $0x40, s13, s14, $0xb8;
	[tilespmem:$0x1BF80] =	vst v63  }
0x33: {  	s21 =	simm.s32 $0x138  }
0x34: {  	[tilespmem:s22], [sflag:$0x1] =	stream.indirect.gather [hbm4b:s4+s14], $0x40, s21, s14, $0xb8;
	[tilespmem:$0x1BF80] =	vst v63  }
0x35: {  	_ =	swait.ge [sflag:s20], $0x1900  }
0x36: {  	[sflag:s20] =	ssyncset.done $0x0  }
0x37: {  	s23 =	simm.s32 $0x51A8;
	[sflag:s20] =	ssyncadd.s32 $0xFFFFE700  }
0x38: {  	[spmem:s1] =	stream.indirect.scatter.add.f32 [tilespmem:s17], [sflag:$0x2], $0x40, s23, s14, $0xb8;
	[tilespmem:$0x1BF80] =	vst v63  }
0x39: {  	s24 =	simm.s32 $0x1A0  }
0x3a: {  	[tilespmem:s25], [sflag:$0x1] =	stream.indirect.gather [hbm4b:s4+s14], $0x40, s24, s14, $0xb8;
	[tilespmem:$0x1BF80] =	vst v63  }
0x3b: {  	_ =	swait.ge [sflag:s20], $0x1900  }
0x3c: {  	[sflag:s20] =	ssyncset.done $0x0  }
0x3d: {  	s26 =	simm.s32 $0x5210;
	[sflag:s20] =	ssyncadd.s32 $0xFFFFE700  }
0x3e: {  	[spmem:s1] =	stream.indirect.scatter.add.f32 [tilespmem:s19], [sflag:$0x2], $0x40, s26, s14, $0xb8;
	[tilespmem:$0x1BF80] =	vst v63  }
0x3f: {  	_ =	swait.ge [sflag:s28], $0x1900  }
0x40: {  	[sflag:s28] =	ssyncset.done $0x0  }
0x41: {  	s29 =	simm.s32 $0x208;
	[sflag:s28] =	ssyncadd.s32 $0xFFFFE700  }
0x42: {  	[tilespmem:s15], [sflag:$0x1] =	stream.indirect.gather [hbm4b:s4+s14], $0x40, s29, s14, $0xb8;
	[tilespmem:$0x1BF80] =	vst v63  }
0x43: {  	_ =	swait.ge [sflag:s20], $0x1900  }
0x44: {  	[sflag:s20] =	ssyncset.done $0x0  }
0x45: {  	[sflag:s20] =	ssyncadd.s32 $0xFFFFE700  }
0x46: {  	[spmem:s1] =	stream.indirect.scatter.add.f32 [tilespmem:s22], [sflag:$0x2], $0x40, s30, s14, $0xb8;
	[tilespmem:$0x1BF80] =	vst v63  }
0x47: {  	_ =	swait.ge [sflag:s28], $0x1900  }
0x48: {  	[sflag:s28] =	ssyncset.done $0x0  }
0x49: {  	[sflag:s28] =	ssyncadd.s32 $0xFFFFE700  }
0x4a: {  	[tilespmem:s17], [sflag:$0x1] =	stream.indirect.gather [hbm4b:s4+s14], $0x40, s31, s14, $0xb8;
	[tilespmem:$0x1BF80] =	vst v63  }
0x4b: {  	_ =	swait.ge [sflag:s20], $0x1900  }
0x4c: {  	[sflag:s20] =	ssyncset.done $0x0  }
0x4d: {  	[sflag:s20] =	ssyncadd.s32 $0xFFFFE700  }
0x4e: {  	[spmem:s1] =	stream.indirect.scatter.add.f32 [tilespmem:s25], [sflag:$0x2], $0x40, s0, s14, $0xb8;
	[tilespmem:$0x1BF80] =	vst v63  }
0x4f: {  	_ =	swait.ge [sflag:s28], $0x1900  }
0x50: {  	[sflag:s28] =	ssyncset.done $0x0  }
0x51: {  	s18 =	simm.s32 $0x0;
	[sflag:s28] =	ssyncadd.s32 $0xFFFFE700  }
0x52: {  	[tilespmem:s19], [sflag:$0x1] =	stream.indirect.gather [hbm4b:s4+s14], $0x40, s2, s14, $0xb8;
	[tilespmem:$0x1BF80] =	vst v63  }
.LBB2_2:
0x53: {  	_ =	swait.ge [sflag:s20], $0x1900  }
0x54: {  	s21 =	sshra.s32 s18, $0x2;
	[sflag:s20] =	ssyncset.done $0x0  }
0x55: {  	s23 =	sadd.s32 $0x5348, s21;
	[sflag:s20] =	ssyncadd.s32 $0xFFFFE700  }
0x56: {  	[spmem:s1] =	stream.indirect.scatter.add.f32 [tilespmem:s15], [sflag:$0x2], $0x40, s23, s14, $0xb8;
	[tilespmem:$0x1BF80] =	vst v63  }
0x57: {  	_ =	swait.ge [sflag:s28], $0x1900  }
0x58: {  	[sflag:s28] =	ssyncset.done $0x0  }
0x59: {  	s26 =	sadd.s32 $0x340, s21;
	[sflag:s28] =	ssyncadd.s32 $0xFFFFE700  }
0x5a: {  	[tilespmem:s22], [sflag:$0x1] =	stream.indirect.gather [hbm4b:s4+s14], $0x40, s26, s14, $0xb8;
	[tilespmem:$0x1BF80] =	vst v63  }
0x5b: {  	_ =	swait.ge [sflag:s20], $0x1900  }
0x5c: {  	[sflag:s20] =	ssyncset.done $0x0  }
0x5d: {  	s29 =	sadd.s32 $0x53B0, s21;
	[sflag:s20] =	ssyncadd.s32 $0xFFFFE700  }
0x5e: {  	[spmem:s1] =	stream.indirect.scatter.add.f32 [tilespmem:s17], [sflag:$0x2], $0x40, s29, s14, $0xb8;
	[tilespmem:$0x1BF80] =	vst v63  }
0x5f: {  	_ =	swait.ge [sflag:s28], $0x1900  }
0x60: {  	[sflag:s28] =	ssyncset.done $0x0  }
0x61: {  	s24 =	sadd.s32 $0x3A8, s21;
	[sflag:s28] =	ssyncadd.s32 $0xFFFFE700  }
0x62: {  	[tilespmem:s25], [sflag:$0x1] =	stream.indirect.gather [hbm4b:s4+s14], $0x40, s24, s14, $0xb8;
	[tilespmem:$0x1BF80] =	vst v63  }
0x63: {  	_ =	swait.ge [sflag:s20], $0x1900  }
0x64: {  	[sflag:s20] =	ssyncset.done $0x0  }
0x65: {  	s26 =	sadd.s32 $0x5418, s21;
	[sflag:s20] =	ssyncadd.s32 $0xFFFFE700  }
0x66: {  	[spmem:s1] =	stream.indirect.scatter.add.f32 [tilespmem:s19], [sflag:$0x2], $0x40, s26, s14, $0xb8;
	[tilespmem:$0x1BF80] =	vst v63  }
0x67: {  	_ =	swait.ge [sflag:s28], $0x1900  }
0x68: {  	p0 =	seq.s32 s18, $0x134C0;
	[sflag:s28] =	ssyncset.done $0x0  }
0x69: {  	s23 =	simm.s32 @p0 $0x1;
	[sflag:s28] =	ssyncadd.s32 $0xFFFFE700  }
0x6a: {  	_ =	swait.ge @p0 [sflag:s23], $0x1900  }
0x6b: {  	[sflag:s23] =	ssyncset.done @p0 $0x0  }
0x6c: {  	[sflag:s23] =	ssyncadd.s32 @p0 $0xFFFFE700;
	s23 =	sshra.s32 @p0 s18, $0x2  }
0x6d: {  	s24 =	simm.s32 @p0 $0x64;
	s26 =	simm.s32 @p0 $0xED80;
	s23 =	sadd.s32 @p0 $0x5480, s23  }
0x6e: {  	[spmem:s1] =	stream.indirect.scatter.add.f32 @p0 [tilespmem:s26], [sflag:$0x2], $0x40, s23, s24, $0xb8;
	[tilespmem:$0x1BF80] =	vst v63  }
0x6f: {  	s23 =	simm.s32 @p0 $0x2  }
0x70: {  	_ =	swait.ge @p0 [sflag:s23], $0x1900  }
0x71: {  	[sflag:s23] =	ssyncset.done @p0 $0x0  }
0x72: {  	[sflag:s23] =	ssyncadd.s32 @p0 $0xFFFFE700;
	s23 =	sshra.s32 @!p0 s18, $0x2  }
0x73: {  	s29 =	simm.s32 @!p0 $0xA280;
	s26 =	simm.s32 @!p0 $0x64;
	s24 =	sadd.s32 @!p0 $0x410, s23  }
0x74: {  	[tilespmem:s29], [sflag:$0x1] =	stream.indirect.gather @!p0 [hbm4b:s4+s26], $0x40, s24, s26, $0xb8;
	[tilespmem:$0x1BF80] =	vst v63  }
0x75: {  	s24 =	simm.s32 @!p0 $0x1  }
0x76: {  	_ =	swait.ge @!p0 [sflag:s24], $0x1900  }
0x77: {  	[sflag:s24] =	ssyncset.done @!p0 $0x0  }
0x78: {  	s29 =	simm.s32 @!p0 $0xED80;
	[sflag:s24] =	ssyncadd.s32 @!p0 $0xFFFFE700;
	s24 =	sadd.s32 @!p0 $0x5480, s23  }
0x79: {  	[spmem:s1] =	stream.indirect.scatter.add.f32 @!p0 [tilespmem:s29], [sflag:$0x2], $0x40, s24, s26, $0xb8;
	[tilespmem:$0x1BF80] =	vst v63  }
0x7a: {  	s24 =	simm.s32 @!p0 $0x2  }
0x7b: {  	_ =	swait.ge @!p0 [sflag:s24], $0x1900  }
0x7c: {  	[sflag:s24] =	ssyncset.done @!p0 $0x0  }
0x7d: {  	s23 =	sadd.s32 @!p0 $0x478, s23;
	[sflag:s24] =	ssyncadd.s32 @!p0 $0xFFFFE700;
	s24 =	simm.s32 @!p0 $0xBB80  }
0x7e: {  	[tilespmem:s24], [sflag:$0x1] =	stream.indirect.gather @!p0 [hbm4b:s4+s26], $0x40, s23, s26, $0xb8;
	[tilespmem:$0x1BF80] =	vst v63  }
0x7f: {  	_ =	swait.ge [sflag:s20], $0x1900  }
0x80: {  	[sflag:s20] =	ssyncset.done $0x0  }
.Ltmp2:
0x81: {  	s29 =	sadd.s32 $0x54E8, s21;
	[sflag:s20] =	ssyncadd.s32 $0xFFFFE700;
	(pc) =	sbr.rel @p0 .LBB2_4-.Ltmp2, $4  }
0x82: {  	[spmem:s1] =	stream.indirect.scatter.add.f32 [tilespmem:s25], [sflag:$0x2], $0x40, s29, s14, $0xb8;
	[tilespmem:$0x1BF80] =	vst v63  }
0x83: {  	_ =	swait.ge [sflag:s28], $0x1900  }
0x84: {  	[sflag:s28] =	ssyncset.done $0x0  }
0x85: {  	[sflag:s28] =	ssyncadd.s32 $0xFFFFE700  }
.Ltmp3:
0x86: {  	(pc) =	sbr.rel .LBB2_2-.Ltmp3, $3  }
0x87: {  	_ =	sdelay $0x1  }
0x88: {  	s21 =	sadd.s32 $0x4E0, s21;
	s18 =	sadd.s32 $0x820, s18  }
0x89: {  	[tilespmem:s19], [sflag:$0x1] =	stream.indirect.gather [hbm4b:s4+s14], $0x40, s21, s14, $0xb8;
	[tilespmem:$0x1BF80] =	vst v63  }
.LBB2_5:
0x8a: {  	_ =	sfence.sel $0x180000  }
0x8b: {  	[bflag:$0x0] =	sbarrier.arrive $0xFFFF  }
0x8c: {  	_ =	strace $0x9000004A  }
0x8d: {  	s0 =	stileid.u32;
	[bflag:$0x2] =	sbarrier.arrive $0xFFFF  }
0x8e: {  	p0 =	sne.s32 s0, $0x0;
	s0 =	rddreg [dreg:$0x2]  }
0x8f: {  	s0 =	sadd.s32 @!p0 $0x100000, s0  }
0x90: {  	[sflag:s0] =	ssyncadd.tile.s32 @!p0 $0x1;
	_ =	shalt  }
.Lfunc_end2:
_tile_overlayer_lowered:
.L_overlay_start_2:
0x91: {  	(tag) =	ssettag $0x2  }
0x92: {  	s0 =	rddreg [dreg:$0x0];
	s2 =	stileid.u32  }
0x93: {  	s1 =	rddreg [dreg:$0x1];
	p0 =	sne.s32 s2, $0x0  }
0x94: {  	s3 =	rddreg [dreg:$0x2];
	[bflag:$0x3] =	sbarrier.arrive $0xFFFF;
	s2 =	simm.s32 @!p0 $0x1C03  }
0x95: {  	[timem:s3], [sflag:s2] =	dma.local @!p0 [hbm:s0], s1  }
0x96: {  	s0 =	simm.s32 @!p0 $0x3  }
0x97: {  	_ =	swait.ge @!p0 [sflag:s0], s1  }
0x98: {  	s1 =	ssub.s32 @!p0 $0x0, s1;
	[sflag:s0] =	ssyncset.done @!p0 $0x0  }
0x99: {  	[sflag:s0] =	ssyncadd.s32 @!p0 s1  }
0x9a: {  	[bflag:$0x3] =	sbarrier.arrive $0xFFFF  }
0x9b: {  	_ =	shalt  }

// kernel: kernel.16.cloned.1.call-start
scs
__scs_entry_jumppad:
0x0: {  	(pc) =	sbr.rel $0x88, $3  }
0x1: {  	(tag) =	ssettag $0x0;
	lr =	simm.s32 $0x1  }
0x2: {  	[smem:$0x3F95] =	sst lr;
	_ =	strace $0xD0000000  }
0x3: {  	_ = 	snop  }
0x4: {  	_ = 	snop  }
0x5: {  	_ = 	snop  }
0x6: {  	_ = 	snop  }
0x7: {  	_ = 	snop  }
__scs_overlays_trampoline_lowered:
0x8: {  	[smem:$0x3FA4] =	sst s0  }
0x9: {  	[smem:$0x3FA5] =	sst s1  }
0xa: {  	[smem:$0x3FA6] =	sst s2  }
0xb: {  	[smem:$0x3FA7] =	sst s3  }
0xc: {  	[smem:$0x3FA8] =	sst s4  }
0xd: {  	[smem:$0x3FA9] =	sst s5  }
0xe: {  	[smem:$0x3FAA] =	sst s6  }
0xf: {  	[smem:$0x3FAB] =	sst s7  }
0x10: {  	[smem:$0x3FAC] =	sst s8  }
0x11: {  	[smem:$0x3FAD] =	sst s9;
	s0 =	simm.s32 @!p0 $0x0  }
0x12: {  	s1 =	sld [smem:$0x3F93];
	s0 =	simm.s32 @p0 $0x1  }
0x13: {  	[smem:$0x3FAE] =	sst s0;
	s0 =	simm.s32 @!p1 $0x0  }
0x14: {  	s2 =	sld [smem:$0x3F92];
	s0 =	simm.s32 @p1 $0x1  }
0x15: {  	[smem:$0x3FAF] =	sst s0;
	s0 =	simm.s32 @!p2 $0x0  }
0x16: {  	s3 =	sld [smem:$0x3FDB];
	s0 =	simm.s32 @p2 $0x1  }
0x17: {  	s4 =	simm.s32 $0x1BF5;
	[smem:$0x3FB1] =	sst s0  }
0x18: {  	s0 =	sld [smem:$0x3F94];
	_ =	swait.ge [sflag:s4], $0x0  }
0x19: {  	s7 =	sld [smem:$0x3F95]  }
0x1a: {  	s8 =	sadd.s32 $0xFFFFE003, lr  }
0x1b: {  	s9 =	sadd.s32 $0xFFFFFEF7, lr;
	s5 =	simm.s32 $0xFFFFFFFF;
	p2 =	slt.u32 s8, $0xFFFFF086  }
0x1c: {  	p1 =	slt.u32 s9, $0xF7A;
	s5 =	simm.s32 @!p2 $0x0  }
0x1d: {  	s5 =	simm.s32 @p1 $0x1;
	p0 =	seq.s32 s7, s2  }
0x1e: {  	s7 =	smul.u32 @!p0 $0xF7A, s2;
	p2 =	seq.s32 @!p0 s5, $0x0  }
0x1f: {  	s9 =	smul.u32 $0xF7A, s1;
	s8 =	simm.s32 @!p0 $0x1BF5;
	p2 =	por !p2, p0  }
0x20: {  	[sflag:s8] =	ssyncset.s32 @!p0 $0xFFFFF086;
	s6 =	sadd.s32 @!p0 s3, s7;
	s7 =	simm.s32 @!p0 $0x108  }
0x21: {  	s3 =	sadd.s32 s3, s9;
	s6 =	sadd.s32 @!p0 $0x88, s6;
	s7 =	simm.s32 @p2 $0x1082  }
0x22: {  	[simem:s7], [sflag:s8] =	dma.local @!p0 [hbm:s6], $0xF7A  }
0x23: {  	s9 =	sor.u32 $0xD0000000, s2;
	s6 =	simm.s32 $0x108;
	_ =	swait.ge @!p0 [sflag:s8], $0x0  }
0x24: {  	s3 =	sadd.s32 $0x88, s3;
	s6 =	simm.s32 @!p1 $0x1082;
	[sflag:s4] =	ssyncset.s32 $0xFFFFF086  }
0x25: {  	[simem:s6], [sflag:s4] =	dma.local [hbm:s3], $0xF7A  }
0x26: {  	[smem:$0x3F95] =	sst s1;
	(tag) =	ssettag s2;
	_ =	strace s9  }
0x27: {  	s1 =	sld [smem:$0x3FA5]  }
0x28: {  	s2 =	sld [smem:$0x3FA6]  }
0x29: {  	s4 =	sld [smem:$0x3FA8]  }
0x2a: {  	p0 =	seq.s32 s5, $0x0;
	s5 =	sld [smem:$0x3FA9]  }
0x2b: {  	s6 =	sld [smem:$0x3FAA]  }
0x2c: {  	s7 =	sld [smem:$0x3FAB]  }
0x2d: {  	s3 =	simm.s32 $0x108;
	s8 =	sld [smem:$0x3FAC]  }
0x2e: {  	s3 =	simm.s32 @!p0 $0x1082;
	s9 =	sld [smem:$0x3FAD]  }
0x2f: {  	lr =	sadd.s32 s0, s3;
	s0 =	sld [smem:$0x3FA4]  }
0x30: {  	s3 =	sld [smem:$0x3FA7]  }
0x31: {  	[smem:$0x3FB0] =	sst s10  }
0x32: {  	s10 =	sld [smem:$0x3FAE];
	_ =	sdelay $0x3  }
0x33: {  	p0 =	seq.s32 s10, $0x1;
	s10 =	sld [smem:$0x3FB0];
	_ =	sdelay $0x3  }
0x34: {  	[smem:$0x3FB0] =	sst s10  }
0x35: {  	s10 =	sld [smem:$0x3FAF];
	_ =	sdelay $0x3  }
0x36: {  	p1 =	seq.s32 s10, $0x1;
	s10 =	sld [smem:$0x3FB0];
	_ =	sdelay $0x3  }
0x37: {  	[smem:$0x3FB0] =	sst s10  }
0x38: {  	s10 =	sld [smem:$0x3FB1]  }
0x39: {  	_ = 	snop;
	(pc) =	sbr.ind lr, $3  }
0x3a: {  	_ = 	snop  }
0x3b: {  	_ = 	snop  }
0x3c: {  	p2 =	seq.s32 s10, $0x1;
	s10 =	sld [smem:$0x3FB0]  }
0x3d: {  	_ =	shalt  }
0x3e: {  	_ =	shalt  }
0x3f: {  	_ =	shalt  }
0x40: {  	_ =	shalt  }
0x41: {  	_ =	shalt  }
0x42: {  	_ =	shalt  }
0x43: {  	_ =	shalt  }
0x44: {  	_ =	shalt  }
0x45: {  	_ =	shalt  }
0x46: {  	_ =	shalt  }
0x47: {  	_ =	shalt  }
0x48: {  	_ =	shalt  }
0x49: {  	_ =	shalt  }
0x4a: {  	_ =	shalt  }
0x4b: {  	_ =	shalt  }
0x4c: {  	_ =	shalt  }
0x4d: {  	_ =	shalt  }
0x4e: {  	_ =	shalt  }
0x4f: {  	_ =	shalt  }
0x50: {  	_ =	shalt  }
0x51: {  	_ =	shalt  }
0x52: {  	_ =	shalt  }
0x53: {  	_ =	shalt  }
0x54: {  	_ =	shalt  }
0x55: {  	_ =	shalt  }
0x56: {  	_ =	shalt  }
0x57: {  	_ =	shalt  }
0x58: {  	_ =	shalt  }
0x59: {  	_ =	shalt  }
0x5a: {  	_ =	shalt  }
0x5b: {  	_ =	shalt  }
0x5c: {  	_ =	shalt  }
0x5d: {  	_ =	shalt  }
0x5e: {  	_ =	shalt  }
0x5f: {  	_ =	shalt  }
0x60: {  	_ =	shalt  }
0x61: {  	_ =	shalt  }
0x62: {  	_ =	shalt  }
0x63: {  	_ =	shalt  }
0x64: {  	_ =	shalt  }
0x65: {  	_ =	shalt  }
0x66: {  	_ =	shalt  }
0x67: {  	_ =	shalt  }
0x68: {  	_ =	shalt  }
0x69: {  	_ =	shalt  }
0x6a: {  	_ =	shalt  }
0x6b: {  	_ =	shalt  }
0x6c: {  	_ =	shalt  }
0x6d: {  	_ =	shalt  }
0x6e: {  	_ =	shalt  }
0x6f: {  	_ =	shalt  }
0x70: {  	_ =	shalt  }
0x71: {  	_ =	shalt  }
0x72: {  	_ =	shalt  }
0x73: {  	_ =	shalt  }
0x74: {  	_ =	shalt  }
0x75: {  	_ =	shalt  }
0x76: {  	_ =	shalt  }
0x77: {  	_ =	shalt  }
0x78: {  	_ =	shalt  }
0x79: {  	_ =	shalt  }
0x7a: {  	_ =	shalt  }
0x7b: {  	_ =	shalt  }
0x7c: {  	_ =	shalt  }
0x7d: {  	_ =	shalt  }
0x7e: {  	_ =	shalt  }
0x7f: {  	_ =	shalt  }
0x80: {  	_ =	shalt  }
0x81: {  	_ =	shalt  }
0x82: {  	_ =	shalt  }
0x83: {  	_ =	shalt  }
0x84: {  	_ =	shalt  }
0x85: {  	_ =	shalt  }
0x86: {  	_ =	shalt  }
0x87: {  	_ =	shalt  }
.Lfunc_end0:
.L_simem_size_0:
called_computation.2_lowered:
.L_overlay_start_0:
0x88: {  	s2 =	sld [smem:$0x3FD9]  }
0x89: {  	s3 =	sld [smem:$0x3FFE];
	_ =	sdelay $0x1  }
0x8a: {  	s1 =	srdreg.scid  }
0x8b: {  	s0 =	sand.u32 $0x1, s1  }
0x8c: {  	s16 =	sshll.u32 s0, $0xA;
	s2 =	sadd.s32 s3, s2  }
0x8d: {  	s2 =	sadd.s32 s2, s16  }
0x8e: {  	[smem:$0x3FBC] =	sst s2  }
0x8f: {  	_ = 	snop  }
0x90: {  	(tm) =	ssettm $0x1  }
0x91: {  	s17 =	sld [smem:$0x3FFB];
	_ =	sdelay $0x3  }
0x92: {  	_ =	strace s17  }
0x93: {  	s2 =	sld [smem:$0x3FFC];
	_ =	sdelay $0x3  }
0x94: {  	_ =	strace s2  }
0x95: {  	s2 =	sld [smem:$0x3FFD];
	_ =	sdelay $0x3  }
0x96: {  	_ =	strace s2  }
0x97: {  	_ =	strace $0x8FFFFFFF  }
0x98: {  	s18 =	sld [smem:$0x3FDB];
	_ =	sdelay $0x1  }
0x99: {  	s19 =	simm.s32 $_scs_section_size  }
0x9a: {  	s4 =	simm.s32 $_size__tile_overlayer_lowered;
	s5 =	simm.s32 $_tile_overlayer_lowered  }
0x9b: {  	s22 =	simm.s32 $0x1BFF;
	s21 =	sshll.u32 s5, $0x1;
	s2 =	sadd.s32 s19, s18  }
0x9c: {  	s6 =	simm.s32 $0x0;
	s20 =	sshll.u32 s4, $0x1;
	s4 =	sadd.s32 s21, s2  }
0x9d: {  	[timem:s6], [sflag:s22] =	dma.local [hbm:s4], s20  }
0x9e: {  	_ =	swait.ge [sflag:s22], s20  }
0x9f: {  	s3 =	ssub.s32 $0x0, s20;
	[sflag:s22] =	ssyncset.done $0x0  }
0xa0: {  	[sflag:s22] =	ssyncadd.s32 s3;
	_ =	sdelay $0x1  }
0xa1: {  	s23 =	simm.s32 $0x1B8B  }
0xa2: {  	_ =	swait.ge [sflag:s23], $0x1  }
0xa3: {  	[sflag:s23] =	ssyncset.done $0x0  }
0xa4: {  	s25 =	simm.s32 $0x1B8E;
	s24 =	sld [smem:$0x3FFE];
	[sflag:s23] =	ssyncadd.s32 $0xFFFFFFFF  }
0xa5: {  	s26 =	simm.s32 $execute0_lowered;
	[smem:$0x3FD2] =	sst s25  }
0xa6: {  	s4 =	sshll.u32 s26, $0x1;
	_ =	strace $0x8000004C;
	[dreg:$0x1] =	wrdreg $0xFFFFFFFF  }
0xa7: {  	s28 =	simm.s32 $_size_execute0_lowered;
	s2 =	sadd.s32 s2, s4;
	[dreg:$0x0] =	wrdreg $0x0  }
0xa8: {  	s4 =	sshll.u32 s28, $0x1;
	[dreg:$0x2] =	wrdreg s2  }
0xa9: {  	[dreg:$0x3] =	wrdreg s4  }
0xaa: {  	[dreg:$0x4] =	wrdreg $0xC0  }
0xab: {  	_ =	task [dreg:s6], $0x5FFFF  }
0xac: {  	[dreg:$0x1] =	wrdreg $0xFFFFFFFF  }
0xad: {  	[dreg:$0x0] =	wrdreg $0x60  }
0xae: {  	[dreg:$0x2] =	wrdreg s24  }
0xaf: {  	[dreg:$0x3] =	wrdreg $0x11F800  }
0xb0: {  	[dreg:$0x4] =	wrdreg $0x9  }
0xb1: {  	_ =	task.clear_ibuf [dreg:s6], $0x5FFFF;
	_ =	strace $0x9000004C  }
0xb2: {  	s29 =	simm.s32 $0x9;
	_ =	strace $0x8000004E  }
0xb3: {  	_ =	swait.ge [sflag:s29], $0x1  }
0xb4: {  	[sflag:s29] =	ssyncadd.s32 $0xFFFFFFFF  }
0xb5: {  	_ =	strace $0x9000004E  }
0xb6: {  	_ =	sfence  }
0xb7: {  	s30 =	sld [smem:$0x0];
	_ =	sdelay $0x2  }
0xb8: {  	s31 =	sshll.u32 s1, $0xD;
	s1 =	sshrl.u32 s1, $0x2  }
0xb9: {  	s3 =	sand.u32 $0x4000, s31;
	s1 =	sadd.s32 s1, s30  }
0xba: {  	s0 =	sor.u32 s3, s0;
	s1 =	sshll.u32 s1, $0x11  }
0xbb: {  	s0 =	sor.u32 s1, s0  }
0xbc: {  	s0 =	sadd.s32 $0x8F2B, s0  }
0xbd: {  	[sflag:s0] =	ssyncadd.remote.s32 $0x1  }
0xbe: {  	_ =	sfence.sel $0xFFFF  }
0xbf: {  	[dreg:$0x0] =	wrdreg $0xFFFFFFFF;
	(pc) =	sbr.abs _section_cstart, $3  }
0xc0: {  	[dreg:$0x1] =	wrdreg $0xFFFFFFFF  }
0xc1: {  	_ =	task.clear_ibuf [dreg:s6], $0x2FFFF;
	_ =	strace $0x9FFFFFFF  }
0xc2: {  	(tm) =	ssettm $0x7FFFFFFF  }
0xc3: {  	_ =	shalt  }
tec
execute0_lowered:
.L_overlay_start_1:
0x0: {  	(tag) =	ssettag $0x1  }
0x1: {  	s0 =	rddreg [dreg:$0x0]  }
0x2: {  	s1 =	rddreg [dreg:$0x1]  }
0x3: {  	s2 =	srdreg.scid;
	s3 =	simm.s32 $0x0;
	s10 =	stileid.u32  }
0x4: {  	s12 =	simm.s32 $0x3;
	s13 =	simm.s32 $0x5140;
	s14 =	simm.s32 $0x64  }
0x5: {  	s15 =	simm.s32 $0xA280;
	s17 =	simm.s32 $0xBB80;
	s19 =	simm.s32 $0xD480  }
0x6: {  	s20 =	simm.s32 $0x1;
	s22 =	simm.s32 $0xED80;
	s25 =	simm.s32 $0x10680  }
0x7: {  	s28 =	simm.s32 $0x2;
	s30 =	simm.s32 $0x5278;
	s31 =	simm.s32 $0x270  }
0x8: {  	s16 =	simm.s32 $0x0;
	s2 =	sand.u32 $0x1, s2;
	s5 =	smul.u32 $0xA000, s10  }
0x9: {  	[smem:$0x7FF] =	sst s3;
	s7 =	smul.u32 $0xA28, s10;
	s29 =	sshll.u32 s10, $0x6  }
0xa: {  	s4 =	smul.u32 $0xA0000, s2;
	_ =	strace $0x8000004D;
	s2 =	ssub.s32 $0x2, s2  }
0xb: {  	s8 =	sshrl.u32 s2, $0x1;
	s9 =	sadd.s32 s7, s0;
	s26 =	sshrl.u32 s5, $0x3  }
0xc: {  	s11 =	sadd.s32 s5, s1;
	s6 =	sshrl.u32 s4, $0x3;
	s4 =	sadd.s32 s5, s4  }
.Ltmp0:
0xd: {  	s2 =	ssub.s32 s2, s8;
	s7 =	sadd.s32 $0x27000, s9;
	(pc) =	sbr.rel .LBB2_1-.Ltmp0, $4  }
0xe: {  	s8 =	sadd.s32 $0x1CC00, s9;
	s11 =	sshrl.u32 s11, $0x3;
	s6 =	sadd.s32 s6, s0  }
0xf: {  	s4 =	sshrl.u32 s4, $0x3;
	s10 =	smax.u32 s2, $0x1;
	s2 =	simm.s32 $0x2D8  }
0x10: {  	s0 =	sadd.s32 s4, s0;
	s4 =	sadd.s32 $0x31400, s6;
	s6 =	sor.u32 $0x1C03, s29  }
0x11: {  	s5 =	sadd.s32 s26, s4;
	s9 =	sadd.s32 $0x59400, s0;
	s0 =	simm.s32 $0x52E0  }
.LBB2_4:
0x12: {  	_ =	swait.ge [sflag:s28], $0x1900  }
0x13: {  	[sflag:s28] =	ssyncset.done $0x0  }
0x14: {  	[sflag:s28] =	ssyncadd.s32 $0xFFFFE700  }
0x15: {  	_ =	swait.ge [sflag:s28], $0x1900  }
0x16: {  	s16 =	sadd.s32 $0x1, s16;
	[sflag:s28] =	ssyncset.done $0x0  }
0x17: {  	p0 =	sne.s32 s16, s10;
	[sflag:s28] =	ssyncadd.s32 $0xFFFFE700  }
.Ltmp1:
0x18: {  	[bflag:$0x0] =	sbarrier.arrive $0xFFFF;
	(pc) =	sbr.rel @!p0 .LBB2_5-.Ltmp1, $4  }
0x19: {  	[hbm:s9], [sflag:s6] =	dma.local [spmem:s11], $0x1400  }
0x1a: {  	_ =	swait.ge [sflag:s12], $0x1400  }
0x1b: {  	[sflag:s12] =	ssyncset.done $0x0  }
0x1c: {  	[sflag:s12] =	ssyncadd.s32 $0xFFFFEC00  }
.LBB2_1:
0x1d: {  	[spmem:s11], [sflag:s6] =	dma.local [hbm:s5], $0x1400  }
0x1e: {  	_ =	swait.ge [sflag:s12], $0x1400  }
0x1f: {  	[sflag:s12] =	ssyncset.done $0x0  }
0x20: {  	[sflag:s12] =	ssyncadd.s32 $0xFFFFEC00  }
0x21: {  	[tilespmem:s3], [sflag:$0x3] =	stream.linear.gather [hbm4b:s7+s3], $0x5140, $0x38;
	[tilespmem:$0x1BF80] =	vst v63  }
0x22: {  	_ =	swait.ge [sflag:s12], $0x5140  }
0x23: {  	[sflag:s12] =	ssyncset.done $0x0  }
0x24: {  	[sflag:s12] =	ssyncadd.s32 $0xFFFFAEC0  }
0x25: {  	[tilespmem:s13], [sflag:$0x3] =	stream.linear.gather [hbm4b:s8+s3], $0x5140, $0x38;
	[tilespmem:$0x1BF80] =	vst v63  }
0x26: {  	_ =	swait.ge [sflag:s12], $0x5140  }
0x27: {  	[sflag:s12] =	ssyncset.done $0x0  }
0x28: {  	[sflag:s12] =	ssyncadd.s32 $0xFFFFAEC0  }
0x29: {  	[bflag:$0x0] =	sbarrier.arrive $0xFFFF  }
0x2a: {  	[tilespmem:s15], [sflag:$0x1] =	stream.indirect.gather [hbm4b:s4+s14], $0x40, s3, s14, $0xb8;
	[tilespmem:$0x1BF80] =	vst v63  }
0x2b: {  	s18 =	simm.s32 $0x68  }
0x2c: {  	[tilespmem:s17], [sflag:$0x1] =	stream.indirect.gather [hbm4b:s4+s14], $0x40, s18, s14, $0xb8;
	[tilespmem:$0x1BF80] =	vst v63  }
0x2d: {  	s29 =	simm.s32 $0xD0  }
0x2e: {  	[tilespmem:s19], [sflag:$0x1] =	stream.indirect.gather [hbm4b:s4+s14], $0x40, s29, s14, $0xb8;
	[tilespmem:$0x1BF80] =	vst v63  }
0x2f: {  	_ =	swait.ge [sflag:s20], $0x1900  }
0x30: {  	[sflag:s20] =	ssyncset.done $0x0  }
0x31: {  	[sflag:s20] =	ssyncadd.s32 $0xFFFFE700  }
0x32: {  	[spmem:s1] =	stream.indirect.scatter.add.f32 [tilespmem:s15], [sflag:$0x2], $0x40, s13, s14, $0xb8;
	[tilespmem:$0x1BF80] =	vst v63  }
0x33: {  	s21 =	simm.s32 $0x138  }
0x34: {  	[tilespmem:s22], [sflag:$0x1] =	stream.indirect.gather [hbm4b:s4+s14], $0x40, s21, s14, $0xb8;
	[tilespmem:$0x1BF80] =	vst v63  }
0x35: {  	_ =	swait.ge [sflag:s20], $0x1900  }
0x36: {  	[sflag:s20] =	ssyncset.done $0x0  }
0x37: {  	s23 =	simm.s32 $0x51A8;
	[sflag:s20] =	ssyncadd.s32 $0xFFFFE700  }
0x38: {  	[spmem:s1] =	stream.indirect.scatter.add.f32 [tilespmem:s17], [sflag:$0x2], $0x40, s23, s14, $0xb8;
	[tilespmem:$0x1BF80] =	vst v63  }
0x39: {  	s24 =	simm.s32 $0x1A0  }
0x3a: {  	[tilespmem:s25], [sflag:$0x1] =	stream.indirect.gather [hbm4b:s4+s14], $0x40, s24, s14, $0xb8;
	[tilespmem:$0x1BF80] =	vst v63  }
0x3b: {  	_ =	swait.ge [sflag:s20], $0x1900  }
0x3c: {  	[sflag:s20] =	ssyncset.done $0x0  }
0x3d: {  	s26 =	simm.s32 $0x5210;
	[sflag:s20] =	ssyncadd.s32 $0xFFFFE700  }
0x3e: {  	[spmem:s1] =	stream.indirect.scatter.add.f32 [tilespmem:s19], [sflag:$0x2], $0x40, s26, s14, $0xb8;
	[tilespmem:$0x1BF80] =	vst v63  }
0x3f: {  	_ =	swait.ge [sflag:s28], $0x1900  }
0x40: {  	[sflag:s28] =	ssyncset.done $0x0  }
0x41: {  	s29 =	simm.s32 $0x208;
	[sflag:s28] =	ssyncadd.s32 $0xFFFFE700  }
0x42: {  	[tilespmem:s15], [sflag:$0x1] =	stream.indirect.gather [hbm4b:s4+s14], $0x40, s29, s14, $0xb8;
	[tilespmem:$0x1BF80] =	vst v63  }
0x43: {  	_ =	swait.ge [sflag:s20], $0x1900  }
0x44: {  	[sflag:s20] =	ssyncset.done $0x0  }
0x45: {  	[sflag:s20] =	ssyncadd.s32 $0xFFFFE700  }
0x46: {  	[spmem:s1] =	stream.indirect.scatter.add.f32 [tilespmem:s22], [sflag:$0x2], $0x40, s30, s14, $0xb8;
	[tilespmem:$0x1BF80] =	vst v63  }
0x47: {  	_ =	swait.ge [sflag:s28], $0x1900  }
0x48: {  	[sflag:s28] =	ssyncset.done $0x0  }
0x49: {  	[sflag:s28] =	ssyncadd.s32 $0xFFFFE700  }
0x4a: {  	[tilespmem:s17], [sflag:$0x1] =	stream.indirect.gather [hbm4b:s4+s14], $0x40, s31, s14, $0xb8;
	[tilespmem:$0x1BF80] =	vst v63  }
0x4b: {  	_ =	swait.ge [sflag:s20], $0x1900  }
0x4c: {  	[sflag:s20] =	ssyncset.done $0x0  }
0x4d: {  	[sflag:s20] =	ssyncadd.s32 $0xFFFFE700  }
0x4e: {  	[spmem:s1] =	stream.indirect.scatter.add.f32 [tilespmem:s25], [sflag:$0x2], $0x40, s0, s14, $0xb8;
	[tilespmem:$0x1BF80] =	vst v63  }
0x4f: {  	_ =	swait.ge [sflag:s28], $0x1900  }
0x50: {  	[sflag:s28] =	ssyncset.done $0x0  }
0x51: {  	s18 =	simm.s32 $0x0;
	[sflag:s28] =	ssyncadd.s32 $0xFFFFE700  }
0x52: {  	[tilespmem:s19], [sflag:$0x1] =	stream.indirect.gather [hbm4b:s4+s14], $0x40, s2, s14, $0xb8;
	[tilespmem:$0x1BF80] =	vst v63  }
.LBB2_2:
0x53: {  	_ =	swait.ge [sflag:s20], $0x1900  }
0x54: {  	s21 =	sshra.s32 s18, $0x2;
	[sflag:s20] =	ssyncset.done $0x0  }
0x55: {  	s23 =	sadd.s32 $0x5348, s21;
	[sflag:s20] =	ssyncadd.s32 $0xFFFFE700  }
0x56: {  	[spmem:s1] =	stream.indirect.scatter.add.f32 [tilespmem:s15], [sflag:$0x2], $0x40, s23, s14, $0xb8;
	[tilespmem:$0x1BF80] =	vst v63  }
0x57: {  	_ =	swait.ge [sflag:s28], $0x1900  }
0x58: {  	[sflag:s28] =	ssyncset.done $0x0  }
0x59: {  	s26 =	sadd.s32 $0x340, s21;
	[sflag:s28] =	ssyncadd.s32 $0xFFFFE700  }
0x5a: {  	[tilespmem:s22], [sflag:$0x1] =	stream.indirect.gather [hbm4b:s4+s14], $0x40, s26, s14, $0xb8;
	[tilespmem:$0x1BF80] =	vst v63  }
0x5b: {  	_ =	swait.ge [sflag:s20], $0x1900  }
0x5c: {  	[sflag:s20] =	ssyncset.done $0x0  }
0x5d: {  	s29 =	sadd.s32 $0x53B0, s21;
	[sflag:s20] =	ssyncadd.s32 $0xFFFFE700  }
0x5e: {  	[spmem:s1] =	stream.indirect.scatter.add.f32 [tilespmem:s17], [sflag:$0x2], $0x40, s29, s14, $0xb8;
	[tilespmem:$0x1BF80] =	vst v63  }
0x5f: {  	_ =	swait.ge [sflag:s28], $0x1900  }
0x60: {  	[sflag:s28] =	ssyncset.done $0x0  }
0x61: {  	s24 =	sadd.s32 $0x3A8, s21;
	[sflag:s28] =	ssyncadd.s32 $0xFFFFE700  }
0x62: {  	[tilespmem:s25], [sflag:$0x1] =	stream.indirect.gather [hbm4b:s4+s14], $0x40, s24, s14, $0xb8;
	[tilespmem:$0x1BF80] =	vst v63  }
0x63: {  	_ =	swait.ge [sflag:s20], $0x1900  }
0x64: {  	[sflag:s20] =	ssyncset.done $0x0  }
0x65: {  	s26 =	sadd.s32 $0x5418, s21;
	[sflag:s20] =	ssyncadd.s32 $0xFFFFE700  }
0x66: {  	[spmem:s1] =	stream.indirect.scatter.add.f32 [tilespmem:s19], [sflag:$0x2], $0x40, s26, s14, $0xb8;
	[tilespmem:$0x1BF80] =	vst v63  }
0x67: {  	_ =	swait.ge [sflag:s28], $0x1900  }
0x68: {  	p0 =	seq.s32 s18, $0x134C0;
	[sflag:s28] =	ssyncset.done $0x0  }
0x69: {  	s23 =	simm.s32 @p0 $0x1;
	[sflag:s28] =	ssyncadd.s32 $0xFFFFE700  }
0x6a: {  	_ =	swait.ge @p0 [sflag:s23], $0x1900  }
0x6b: {  	[sflag:s23] =	ssyncset.done @p0 $0x0  }
0x6c: {  	[sflag:s23] =	ssyncadd.s32 @p0 $0xFFFFE700;
	s23 =	sshra.s32 @p0 s18, $0x2  }
0x6d: {  	s24 =	simm.s32 @p0 $0x64;
	s26 =	simm.s32 @p0 $0xED80;
	s23 =	sadd.s32 @p0 $0x5480, s23  }
0x6e: {  	[spmem:s1] =	stream.indirect.scatter.add.f32 @p0 [tilespmem:s26], [sflag:$0x2], $0x40, s23, s24, $0xb8;
	[tilespmem:$0x1BF80] =	vst v63  }
0x6f: {  	s23 =	simm.s32 @p0 $0x2  }
0x70: {  	_ =	swait.ge @p0 [sflag:s23], $0x1900  }
0x71: {  	[sflag:s23] =	ssyncset.done @p0 $0x0  }
0x72: {  	[sflag:s23] =	ssyncadd.s32 @p0 $0xFFFFE700;
	s23 =	sshra.s32 @!p0 s18, $0x2  }
0x73: {  	s29 =	simm.s32 @!p0 $0xA280;
	s26 =	simm.s32 @!p0 $0x64;
	s24 =	sadd.s32 @!p0 $0x410, s23  }
0x74: {  	[tilespmem:s29], [sflag:$0x1] =	stream.indirect.gather @!p0 [hbm4b:s4+s26], $0x40, s24, s26, $0xb8;
	[tilespmem:$0x1BF80] =	vst v63  }
0x75: {  	s24 =	simm.s32 @!p0 $0x1  }
0x76: {  	_ =	swait.ge @!p0 [sflag:s24], $0x1900  }
0x77: {  	[sflag:s24] =	ssyncset.done @!p0 $0x0  }
0x78: {  	s29 =	simm.s32 @!p0 $0xED80;
	[sflag:s24] =	ssyncadd.s32 @!p0 $0xFFFFE700;
	s24 =	sadd.s32 @!p0 $0x5480, s23  }
0x79: {  	[spmem:s1] =	stream.indirect.scatter.add.f32 @!p0 [tilespmem:s29], [sflag:$0x2], $0x40, s24, s26, $0xb8;
	[tilespmem:$0x1BF80] =	vst v63  }
0x7a: {  	s24 =	simm.s32 @!p0 $0x2  }
0x7b: {  	_ =	swait.ge @!p0 [sflag:s24], $0x1900  }
0x7c: {  	[sflag:s24] =	ssyncset.done @!p0 $0x0  }
0x7d: {  	s23 =	sadd.s32 @!p0 $0x478, s23;
	[sflag:s24] =	ssyncadd.s32 @!p0 $0xFFFFE700;
	s24 =	simm.s32 @!p0 $0xBB80  }
0x7e: {  	[tilespmem:s24], [sflag:$0x1] =	stream.indirect.gather @!p0 [hbm4b:s4+s26], $0x40, s23, s26, $0xb8;
	[tilespmem:$0x1BF80] =	vst v63  }
0x7f: {  	_ =	swait.ge [sflag:s20], $0x1900  }
0x80: {  	[sflag:s20] =	ssyncset.done $0x0  }
.Ltmp2:
0x81: {  	s29 =	sadd.s32 $0x54E8, s21;
	[sflag:s20] =	ssyncadd.s32 $0xFFFFE700;
	(pc) =	sbr.rel @p0 .LBB2_4-.Ltmp2, $4  }
0x82: {  	[spmem:s1] =	stream.indirect.scatter.add.f32 [tilespmem:s25], [sflag:$0x2], $0x40, s29, s14, $0xb8;
	[tilespmem:$0x1BF80] =	vst v63  }
0x83: {  	_ =	swait.ge [sflag:s28], $0x1900  }
0x84: {  	[sflag:s28] =	ssyncset.done $0x0  }
0x85: {  	[sflag:s28] =	ssyncadd.s32 $0xFFFFE700  }
.Ltmp3:
0x86: {  	(pc) =	sbr.rel .LBB2_2-.Ltmp3, $3  }
0x87: {  	_ =	sdelay $0x1  }
0x88: {  	s21 =	sadd.s32 $0x4E0, s21;
	s18 =	sadd.s32 $0x820, s18  }
0x89: {  	[tilespmem:s19], [sflag:$0x1] =	stream.indirect.gather [hbm4b:s4+s14], $0x40, s21, s14, $0xb8;
	[tilespmem:$0x1BF80] =	vst v63  }
.LBB2_5:
0x8a: {  	_ =	sfence.sel $0x180000  }
0x8b: {  	[bflag:$0x0] =	sbarrier.arrive $0xFFFF  }
0x8c: {  	_ =	strace $0x9000004D  }
0x8d: {  	s0 =	stileid.u32;
	[bflag:$0x2] =	sbarrier.arrive $0xFFFF  }
0x8e: {  	p0 =	sne.s32 s0, $0x0;
	s0 =	rddreg [dreg:$0x2]  }
0x8f: {  	s0 =	sadd.s32 @!p0 $0x100000, s0  }
0x90: {  	[sflag:s0] =	ssyncadd.tile.s32 @!p0 $0x1;
	_ =	shalt  }
.Lfunc_end2:
_tile_overlayer_lowered:
.L_overlay_start_2:
0x91: {  	(tag) =	ssettag $0x2  }
0x92: {  	s0 =	rddreg [dreg:$0x0];
	s2 =	stileid.u32  }
0x93: {  	s1 =	rddreg [dreg:$0x1];
	p0 =	sne.s32 s2, $0x0  }
0x94: {  	s3 =	rddreg [dreg:$0x2];
	[bflag:$0x3] =	sbarrier.arrive $0xFFFF;
	s2 =	simm.s32 @!p0 $0x1C03  }
0x95: {  	[timem:s3], [sflag:s2] =	dma.local @!p0 [hbm:s0], s1  }
0x96: {  	s0 =	simm.s32 @!p0 $0x3  }
0x97: {  	_ =	swait.ge @!p0 [sflag:s0], s1  }
0x98: {  	s1 =	ssub.s32 @!p0 $0x0, s1;
	[sflag:s0] =	ssyncset.done @!p0 $0x0  }
0x99: {  	[sflag:s0] =	ssyncadd.s32 @!p0 s1  }
0x9a: {  	[bflag:$0x3] =	sbarrier.arrive $0xFFFF  }
0x9b: {  	_ =	shalt  }

// kernel: kernel.19.cloned.1.call-start
scs
__scs_entry_jumppad:
0x0: {  	(pc) =	sbr.rel $0x88, $3  }
0x1: {  	(tag) =	ssettag $0x0;
	lr =	simm.s32 $0x1  }
0x2: {  	[smem:$0x3F95] =	sst lr;
	_ =	strace $0xD0000000  }
0x3: {  	_ = 	snop  }
0x4: {  	_ = 	snop  }
0x5: {  	_ = 	snop  }
0x6: {  	_ = 	snop  }
0x7: {  	_ = 	snop  }
__scs_overlays_trampoline_lowered:
0x8: {  	[smem:$0x3FA4] =	sst s0  }
0x9: {  	[smem:$0x3FA5] =	sst s1  }
0xa: {  	[smem:$0x3FA6] =	sst s2  }
0xb: {  	[smem:$0x3FA7] =	sst s3  }
0xc: {  	[smem:$0x3FA8] =	sst s4  }
0xd: {  	[smem:$0x3FA9] =	sst s5  }
0xe: {  	[smem:$0x3FAA] =	sst s6  }
0xf: {  	[smem:$0x3FAB] =	sst s7  }
0x10: {  	[smem:$0x3FAC] =	sst s8  }
0x11: {  	[smem:$0x3FAD] =	sst s9;
	s0 =	simm.s32 @!p0 $0x0  }
0x12: {  	s1 =	sld [smem:$0x3F93];
	s0 =	simm.s32 @p0 $0x1  }
0x13: {  	[smem:$0x3FAE] =	sst s0;
	s0 =	simm.s32 @!p1 $0x0  }
0x14: {  	s2 =	sld [smem:$0x3F92];
	s0 =	simm.s32 @p1 $0x1  }
0x15: {  	[smem:$0x3FAF] =	sst s0;
	s0 =	simm.s32 @!p2 $0x0  }
0x16: {  	s3 =	sld [smem:$0x3FDB];
	s0 =	simm.s32 @p2 $0x1  }
0x17: {  	s4 =	simm.s32 $0x1BF5;
	[smem:$0x3FB1] =	sst s0  }
0x18: {  	s0 =	sld [smem:$0x3F94];
	_ =	swait.ge [sflag:s4], $0x0  }
0x19: {  	s7 =	sld [smem:$0x3F95]  }
0x1a: {  	s8 =	sadd.s32 $0xFFFFE003, lr  }
0x1b: {  	s9 =	sadd.s32 $0xFFFFFEF7, lr;
	s5 =	simm.s32 $0xFFFFFFFF;
	p2 =	slt.u32 s8, $0xFFFFF086  }
0x1c: {  	p1 =	slt.u32 s9, $0xF7A;
	s5 =	simm.s32 @!p2 $0x0  }
0x1d: {  	s5 =	simm.s32 @p1 $0x1;
	p0 =	seq.s32 s7, s2  }
0x1e: {  	s7 =	smul.u32 @!p0 $0xF7A, s2;
	p2 =	seq.s32 @!p0 s5, $0x0  }
0x1f: {  	s9 =	smul.u32 $0xF7A, s1;
	s8 =	simm.s32 @!p0 $0x1BF5;
	p2 =	por !p2, p0  }
0x20: {  	[sflag:s8] =	ssyncset.s32 @!p0 $0xFFFFF086;
	s6 =	sadd.s32 @!p0 s3, s7;
	s7 =	simm.s32 @!p0 $0x108  }
0x21: {  	s3 =	sadd.s32 s3, s9;
	s6 =	sadd.s32 @!p0 $0x88, s6;
	s7 =	simm.s32 @p2 $0x1082  }
0x22: {  	[simem:s7], [sflag:s8] =	dma.local @!p0 [hbm:s6], $0xF7A  }
0x23: {  	s9 =	sor.u32 $0xD0000000, s2;
	s6 =	simm.s32 $0x108;
	_ =	swait.ge @!p0 [sflag:s8], $0x0  }
0x24: {  	s3 =	sadd.s32 $0x88, s3;
	s6 =	simm.s32 @!p1 $0x1082;
	[sflag:s4] =	ssyncset.s32 $0xFFFFF086  }
0x25: {  	[simem:s6], [sflag:s4] =	dma.local [hbm:s3], $0xF7A  }
0x26: {  	[smem:$0x3F95] =	sst s1;
	(tag) =	ssettag s2;
	_ =	strace s9  }
0x27: {  	s1 =	sld [smem:$0x3FA5]  }
0x28: {  	s2 =	sld [smem:$0x3FA6]  }
0x29: {  	s4 =	sld [smem:$0x3FA8]  }
0x2a: {  	p0 =	seq.s32 s5, $0x0;
	s5 =	sld [smem:$0x3FA9]  }
0x2b: {  	s6 =	sld [smem:$0x3FAA]  }
0x2c: {  	s7 =	sld [smem:$0x3FAB]  }
0x2d: {  	s3 =	simm.s32 $0x108;
	s8 =	sld [smem:$0x3FAC]  }
0x2e: {  	s3 =	simm.s32 @!p0 $0x1082;
	s9 =	sld [smem:$0x3FAD]  }
0x2f: {  	lr =	sadd.s32 s0, s3;
	s0 =	sld [smem:$0x3FA4]  }
0x30: {  	s3 =	sld [smem:$0x3FA7]  }
0x31: {  	[smem:$0x3FB0] =	sst s10  }
0x32: {  	s10 =	sld [smem:$0x3FAE];
	_ =	sdelay $0x3  }
0x33: {  	p0 =	seq.s32 s10, $0x1;
	s10 =	sld [smem:$0x3FB0];
	_ =	sdelay $0x3  }
0x34: {  	[smem:$0x3FB0] =	sst s10  }
0x35: {  	s10 =	sld [smem:$0x3FAF];
	_ =	sdelay $0x3  }
0x36: {  	p1 =	seq.s32 s10, $0x1;
	s10 =	sld [smem:$0x3FB0];
	_ =	sdelay $0x3  }
0x37: {  	[smem:$0x3FB0] =	sst s10  }
0x38: {  	s10 =	sld [smem:$0x3FB1]  }
0x39: {  	_ = 	snop;
	(pc) =	sbr.ind lr, $3  }
0x3a: {  	_ = 	snop  }
0x3b: {  	_ = 	snop  }
0x3c: {  	p2 =	seq.s32 s10, $0x1;
	s10 =	sld [smem:$0x3FB0]  }
0x3d: {  	_ =	shalt  }
0x3e: {  	_ =	shalt  }
0x3f: {  	_ =	shalt  }
0x40: {  	_ =	shalt  }
0x41: {  	_ =	shalt  }
0x42: {  	_ =	shalt  }
0x43: {  	_ =	shalt  }
0x44: {  	_ =	shalt  }
0x45: {  	_ =	shalt  }
0x46: {  	_ =	shalt  }
0x47: {  	_ =	shalt  }
0x48: {  	_ =	shalt  }
0x49: {  	_ =	shalt  }
0x4a: {  	_ =	shalt  }
0x4b: {  	_ =	shalt  }
0x4c: {  	_ =	shalt  }
0x4d: {  	_ =	shalt  }
0x4e: {  	_ =	shalt  }
0x4f: {  	_ =	shalt  }
0x50: {  	_ =	shalt  }
0x51: {  	_ =	shalt  }
0x52: {  	_ =	shalt  }
0x53: {  	_ =	shalt  }
0x54: {  	_ =	shalt  }
0x55: {  	_ =	shalt  }
0x56: {  	_ =	shalt  }
0x57: {  	_ =	shalt  }
0x58: {  	_ =	shalt  }
0x59: {  	_ =	shalt  }
0x5a: {  	_ =	shalt  }
0x5b: {  	_ =	shalt  }
0x5c: {  	_ =	shalt  }
0x5d: {  	_ =	shalt  }
0x5e: {  	_ =	shalt  }
0x5f: {  	_ =	shalt  }
0x60: {  	_ =	shalt  }
0x61: {  	_ =	shalt  }
0x62: {  	_ =	shalt  }
0x63: {  	_ =	shalt  }
0x64: {  	_ =	shalt  }
0x65: {  	_ =	shalt  }
0x66: {  	_ =	shalt  }
0x67: {  	_ =	shalt  }
0x68: {  	_ =	shalt  }
0x69: {  	_ =	shalt  }
0x6a: {  	_ =	shalt  }
0x6b: {  	_ =	shalt  }
0x6c: {  	_ =	shalt  }
0x6d: {  	_ =	shalt  }
0x6e: {  	_ =	shalt  }
0x6f: {  	_ =	shalt  }
0x70: {  	_ =	shalt  }
0x71: {  	_ =	shalt  }
0x72: {  	_ =	shalt  }
0x73: {  	_ =	shalt  }
0x74: {  	_ =	shalt  }
0x75: {  	_ =	shalt  }
0x76: {  	_ =	shalt  }
0x77: {  	_ =	shalt  }
0x78: {  	_ =	shalt  }
0x79: {  	_ =	shalt  }
0x7a: {  	_ =	shalt  }
0x7b: {  	_ =	shalt  }
0x7c: {  	_ =	shalt  }
0x7d: {  	_ =	shalt  }
0x7e: {  	_ =	shalt  }
0x7f: {  	_ =	shalt  }
0x80: {  	_ =	shalt  }
0x81: {  	_ =	shalt  }
0x82: {  	_ =	shalt  }
0x83: {  	_ =	shalt  }
0x84: {  	_ =	shalt  }
0x85: {  	_ =	shalt  }
0x86: {  	_ =	shalt  }
0x87: {  	_ =	shalt  }
.Lfunc_end0:
.L_simem_size_0:
called_computation.3_lowered:
.L_overlay_start_0:
0x88: {  	s2 =	sld [smem:$0x3FD9]  }
0x89: {  	s3 =	sld [smem:$0x3FFE];
	_ =	sdelay $0x1  }
0x8a: {  	s1 =	srdreg.scid  }
0x8b: {  	s0 =	sand.u32 $0x1, s1  }
0x8c: {  	s16 =	sshll.u32 s0, $0xA;
	s2 =	sadd.s32 s3, s2  }
0x8d: {  	s2 =	sadd.s32 s2, s16  }
0x8e: {  	[smem:$0x3FBC] =	sst s2  }
0x8f: {  	_ = 	snop  }
0x90: {  	(tm) =	ssettm $0x1  }
0x91: {  	s17 =	sld [smem:$0x3FFB];
	_ =	sdelay $0x3  }
0x92: {  	_ =	strace s17  }
0x93: {  	s2 =	sld [smem:$0x3FFC];
	_ =	sdelay $0x3  }
0x94: {  	_ =	strace s2  }
0x95: {  	s2 =	sld [smem:$0x3FFD];
	_ =	sdelay $0x3  }
0x96: {  	_ =	strace s2  }
0x97: {  	_ =	strace $0x8FFFFFFF  }
0x98: {  	s18 =	sld [smem:$0x3FDB];
	_ =	sdelay $0x1  }
0x99: {  	s19 =	simm.s32 $_scs_section_size  }
0x9a: {  	s4 =	simm.s32 $_size__tile_overlayer_lowered;
	s5 =	simm.s32 $_tile_overlayer_lowered  }
0x9b: {  	s22 =	simm.s32 $0x1BFF;
	s21 =	sshll.u32 s5, $0x1;
	s2 =	sadd.s32 s19, s18  }
0x9c: {  	s6 =	simm.s32 $0x0;
	s20 =	sshll.u32 s4, $0x1;
	s4 =	sadd.s32 s21, s2  }
0x9d: {  	[timem:s6], [sflag:s22] =	dma.local [hbm:s4], s20  }
0x9e: {  	_ =	swait.ge [sflag:s22], s20  }
0x9f: {  	s3 =	ssub.s32 $0x0, s20;
	[sflag:s22] =	ssyncset.done $0x0  }
0xa0: {  	[sflag:s22] =	ssyncadd.s32 s3;
	_ =	sdelay $0x1  }
0xa1: {  	s23 =	simm.s32 $0x1B8B  }
0xa2: {  	_ =	swait.ge [sflag:s23], $0x1  }
0xa3: {  	[sflag:s23] =	ssyncset.done $0x0  }
0xa4: {  	s25 =	simm.s32 $0x1B8E;
	s24 =	sld [smem:$0x3FFE];
	[sflag:s23] =	ssyncadd.s32 $0xFFFFFFFF  }
0xa5: {  	s26 =	simm.s32 $execute0_lowered;
	[smem:$0x3FD2] =	sst s25  }
0xa6: {  	s4 =	sshll.u32 s26, $0x1;
	_ =	strace $0x8000004F;
	[dreg:$0x1] =	wrdreg $0xFFFFFFFF  }
0xa7: {  	s28 =	simm.s32 $_size_execute0_lowered;
	s2 =	sadd.s32 s2, s4;
	[dreg:$0x0] =	wrdreg $0x0  }
0xa8: {  	s4 =	sshll.u32 s28, $0x1;
	[dreg:$0x2] =	wrdreg s2  }
0xa9: {  	[dreg:$0x3] =	wrdreg s4  }
0xaa: {  	[dreg:$0x4] =	wrdreg $0xC0  }
0xab: {  	_ =	task [dreg:s6], $0x5FFFF  }
0xac: {  	[dreg:$0x1] =	wrdreg $0xFFFFFFFF  }
0xad: {  	[dreg:$0x0] =	wrdreg $0x60  }
0xae: {  	[dreg:$0x2] =	wrdreg s24  }
0xaf: {  	[dreg:$0x3] =	wrdreg $0x11F800  }
0xb0: {  	[dreg:$0x4] =	wrdreg $0x9  }
0xb1: {  	_ =	task.clear_ibuf [dreg:s6], $0x5FFFF;
	_ =	strace $0x9000004F  }
0xb2: {  	s29 =	simm.s32 $0x9;
	_ =	strace $0x80000051  }
0xb3: {  	_ =	swait.ge [sflag:s29], $0x1  }
0xb4: {  	[sflag:s29] =	ssyncadd.s32 $0xFFFFFFFF  }
0xb5: {  	_ =	strace $0x90000051  }
0xb6: {  	_ =	sfence  }
0xb7: {  	s30 =	sld [smem:$0x0];
	_ =	sdelay $0x2  }
0xb8: {  	s31 =	sshll.u32 s1, $0xD;
	s1 =	sshrl.u32 s1, $0x2  }
0xb9: {  	s3 =	sand.u32 $0x4000, s31;
	s1 =	sadd.s32 s1, s30  }
0xba: {  	s0 =	sor.u32 s3, s0;
	s1 =	sshll.u32 s1, $0x11  }
0xbb: {  	s0 =	sor.u32 s1, s0  }
0xbc: {  	s0 =	sadd.s32 $0x8F2B, s0  }
0xbd: {  	[sflag:s0] =	ssyncadd.remote.s32 $0x1  }
0xbe: {  	_ =	sfence.sel $0xFFFF  }
0xbf: {  	[dreg:$0x0] =	wrdreg $0xFFFFFFFF;
	(pc) =	sbr.abs _section_cstart, $3  }
0xc0: {  	[dreg:$0x1] =	wrdreg $0xFFFFFFFF  }
0xc1: {  	_ =	task.clear_ibuf [dreg:s6], $0x2FFFF;
	_ =	strace $0x9FFFFFFF  }
0xc2: {  	(tm) =	ssettm $0x7FFFFFFF  }
0xc3: {  	_ =	shalt  }
tec
execute0_lowered:
.L_overlay_start_1:
0x0: {  	(tag) =	ssettag $0x1  }
0x1: {  	s0 =	rddreg [dreg:$0x0]  }
0x2: {  	s1 =	rddreg [dreg:$0x1]  }
0x3: {  	s2 =	srdreg.scid;
	s3 =	simm.s32 $0x0;
	s10 =	stileid.u32  }
0x4: {  	s12 =	simm.s32 $0x3;
	s13 =	simm.s32 $0x5140;
	s14 =	simm.s32 $0x64  }
0x5: {  	s15 =	simm.s32 $0xA280;
	s17 =	simm.s32 $0xBB80;
	s19 =	simm.s32 $0xD480  }
0x6: {  	s20 =	simm.s32 $0x1;
	s22 =	simm.s32 $0xED80;
	s25 =	simm.s32 $0x10680  }
0x7: {  	s28 =	simm.s32 $0x2;
	s30 =	simm.s32 $0x5278;
	s31 =	simm.s32 $0x270  }
0x8: {  	s16 =	simm.s32 $0x0;
	s2 =	sand.u32 $0x1, s2;
	s5 =	smul.u32 $0xA000, s10  }
0x9: {  	[smem:$0x7FF] =	sst s3;
	s7 =	smul.u32 $0xA28, s10;
	s29 =	sshll.u32 s10, $0x6  }
0xa: {  	s4 =	smul.u32 $0xA0000, s2;
	_ =	strace $0x80000050;
	s2 =	ssub.s32 $0x2, s2  }
0xb: {  	s8 =	sshrl.u32 s2, $0x1;
	s9 =	sadd.s32 s7, s0;
	s26 =	sshrl.u32 s5, $0x3  }
0xc: {  	s11 =	sadd.s32 s5, s1;
	s6 =	sshrl.u32 s4, $0x3;
	s4 =	sadd.s32 s5, s4  }
.Ltmp0:
0xd: {  	s2 =	ssub.s32 s2, s8;
	s7 =	sadd.s32 $0x27000, s9;
	(pc) =	sbr.rel .LBB2_1-.Ltmp0, $4  }
0xe: {  	s8 =	sadd.s32 $0x1CC00, s9;
	s11 =	sshrl.u32 s11, $0x3;
	s6 =	sadd.s32 s6, s0  }
0xf: {  	s4 =	sshrl.u32 s4, $0x3;
	s10 =	smax.u32 s2, $0x1;
	s2 =	simm.s32 $0x2D8  }
0x10: {  	s0 =	sadd.s32 s4, s0;
	s4 =	sadd.s32 $0x81400, s6;
	s6 =	sor.u32 $0x1C03, s29  }
0x11: {  	s5 =	sadd.s32 s26, s4;
	s9 =	sadd.s32 $0x31400, s0;
	s0 =	simm.s32 $0x52E0  }
.LBB2_4:
0x12: {  	_ =	swait.ge [sflag:s28], $0x1900  }
0x13: {  	[sflag:s28] =	ssyncset.done $0x0  }
0x14: {  	[sflag:s28] =	ssyncadd.s32 $0xFFFFE700  }
0x15: {  	_ =	swait.ge [sflag:s28], $0x1900  }
0x16: {  	s16 =	sadd.s32 $0x1, s16;
	[sflag:s28] =	ssyncset.done $0x0  }
0x17: {  	p0 =	sne.s32 s16, s10;
	[sflag:s28] =	ssyncadd.s32 $0xFFFFE700  }
.Ltmp1:
0x18: {  	[bflag:$0x0] =	sbarrier.arrive $0xFFFF;
	(pc) =	sbr.rel @!p0 .LBB2_5-.Ltmp1, $4  }
0x19: {  	[hbm:s9], [sflag:s6] =	dma.local [spmem:s11], $0x1400  }
0x1a: {  	_ =	swait.ge [sflag:s12], $0x1400  }
0x1b: {  	[sflag:s12] =	ssyncset.done $0x0  }
0x1c: {  	[sflag:s12] =	ssyncadd.s32 $0xFFFFEC00  }
.LBB2_1:
0x1d: {  	[spmem:s11], [sflag:s6] =	dma.local [hbm:s5], $0x1400  }
0x1e: {  	_ =	swait.ge [sflag:s12], $0x1400  }
0x1f: {  	[sflag:s12] =	ssyncset.done $0x0  }
0x20: {  	[sflag:s12] =	ssyncadd.s32 $0xFFFFEC00  }
0x21: {  	[tilespmem:s3], [sflag:$0x3] =	stream.linear.gather [hbm4b:s7+s3], $0x5140, $0x38;
	[tilespmem:$0x1BF80] =	vst v63  }
0x22: {  	_ =	swait.ge [sflag:s12], $0x5140  }
0x23: {  	[sflag:s12] =	ssyncset.done $0x0  }
0x24: {  	[sflag:s12] =	ssyncadd.s32 $0xFFFFAEC0  }
0x25: {  	[tilespmem:s13], [sflag:$0x3] =	stream.linear.gather [hbm4b:s8+s3], $0x5140, $0x38;
	[tilespmem:$0x1BF80] =	vst v63  }
0x26: {  	_ =	swait.ge [sflag:s12], $0x5140  }
0x27: {  	[sflag:s12] =	ssyncset.done $0x0  }
0x28: {  	[sflag:s12] =	ssyncadd.s32 $0xFFFFAEC0  }
0x29: {  	[bflag:$0x0] =	sbarrier.arrive $0xFFFF  }
0x2a: {  	[tilespmem:s15], [sflag:$0x1] =	stream.indirect.gather [hbm4b:s4+s14], $0x40, s3, s14, $0xb8;
	[tilespmem:$0x1BF80] =	vst v63  }
0x2b: {  	s18 =	simm.s32 $0x68  }
0x2c: {  	[tilespmem:s17], [sflag:$0x1] =	stream.indirect.gather [hbm4b:s4+s14], $0x40, s18, s14, $0xb8;
	[tilespmem:$0x1BF80] =	vst v63  }
0x2d: {  	s29 =	simm.s32 $0xD0  }
0x2e: {  	[tilespmem:s19], [sflag:$0x1] =	stream.indirect.gather [hbm4b:s4+s14], $0x40, s29, s14, $0xb8;
	[tilespmem:$0x1BF80] =	vst v63  }
0x2f: {  	_ =	swait.ge [sflag:s20], $0x1900  }
0x30: {  	[sflag:s20] =	ssyncset.done $0x0  }
0x31: {  	[sflag:s20] =	ssyncadd.s32 $0xFFFFE700  }
0x32: {  	[spmem:s1] =	stream.indirect.scatter.add.f32 [tilespmem:s15], [sflag:$0x2], $0x40, s13, s14, $0xb8;
	[tilespmem:$0x1BF80] =	vst v63  }
0x33: {  	s21 =	simm.s32 $0x138  }
0x34: {  	[tilespmem:s22], [sflag:$0x1] =	stream.indirect.gather [hbm4b:s4+s14], $0x40, s21, s14, $0xb8;
	[tilespmem:$0x1BF80] =	vst v63  }
0x35: {  	_ =	swait.ge [sflag:s20], $0x1900  }
0x36: {  	[sflag:s20] =	ssyncset.done $0x0  }
0x37: {  	s23 =	simm.s32 $0x51A8;
	[sflag:s20] =	ssyncadd.s32 $0xFFFFE700  }
0x38: {  	[spmem:s1] =	stream.indirect.scatter.add.f32 [tilespmem:s17], [sflag:$0x2], $0x40, s23, s14, $0xb8;
	[tilespmem:$0x1BF80] =	vst v63  }
0x39: {  	s24 =	simm.s32 $0x1A0  }
0x3a: {  	[tilespmem:s25], [sflag:$0x1] =	stream.indirect.gather [hbm4b:s4+s14], $0x40, s24, s14, $0xb8;
	[tilespmem:$0x1BF80] =	vst v63  }
0x3b: {  	_ =	swait.ge [sflag:s20], $0x1900  }
0x3c: {  	[sflag:s20] =	ssyncset.done $0x0  }
0x3d: {  	s26 =	simm.s32 $0x5210;
	[sflag:s20] =	ssyncadd.s32 $0xFFFFE700  }
0x3e: {  	[spmem:s1] =	stream.indirect.scatter.add.f32 [tilespmem:s19], [sflag:$0x2], $0x40, s26, s14, $0xb8;
	[tilespmem:$0x1BF80] =	vst v63  }
0x3f: {  	_ =	swait.ge [sflag:s28], $0x1900  }
0x40: {  	[sflag:s28] =	ssyncset.done $0x0  }
0x41: {  	s29 =	simm.s32 $0x208;
	[sflag:s28] =	ssyncadd.s32 $0xFFFFE700  }
0x42: {  	[tilespmem:s15], [sflag:$0x1] =	stream.indirect.gather [hbm4b:s4+s14], $0x40, s29, s14, $0xb8;
	[tilespmem:$0x1BF80] =	vst v63  }
0x43: {  	_ =	swait.ge [sflag:s20], $0x1900  }
0x44: {  	[sflag:s20] =	ssyncset.done $0x0  }
0x45: {  	[sflag:s20] =	ssyncadd.s32 $0xFFFFE700  }
0x46: {  	[spmem:s1] =	stream.indirect.scatter.add.f32 [tilespmem:s22], [sflag:$0x2], $0x40, s30, s14, $0xb8;
	[tilespmem:$0x1BF80] =	vst v63  }
0x47: {  	_ =	swait.ge [sflag:s28], $0x1900  }
0x48: {  	[sflag:s28] =	ssyncset.done $0x0  }
0x49: {  	[sflag:s28] =	ssyncadd.s32 $0xFFFFE700  }
0x4a: {  	[tilespmem:s17], [sflag:$0x1] =	stream.indirect.gather [hbm4b:s4+s14], $0x40, s31, s14, $0xb8;
	[tilespmem:$0x1BF80] =	vst v63  }
0x4b: {  	_ =	swait.ge [sflag:s20], $0x1900  }
0x4c: {  	[sflag:s20] =	ssyncset.done $0x0  }
0x4d: {  	[sflag:s20] =	ssyncadd.s32 $0xFFFFE700  }
0x4e: {  	[spmem:s1] =	stream.indirect.scatter.add.f32 [tilespmem:s25], [sflag:$0x2], $0x40, s0, s14, $0xb8;
	[tilespmem:$0x1BF80] =	vst v63  }
0x4f: {  	_ =	swait.ge [sflag:s28], $0x1900  }
0x50: {  	[sflag:s28] =	ssyncset.done $0x0  }
0x51: {  	s18 =	simm.s32 $0x0;
	[sflag:s28] =	ssyncadd.s32 $0xFFFFE700  }
0x52: {  	[tilespmem:s19], [sflag:$0x1] =	stream.indirect.gather [hbm4b:s4+s14], $0x40, s2, s14, $0xb8;
	[tilespmem:$0x1BF80] =	vst v63  }
.LBB2_2:
0x53: {  	_ =	swait.ge [sflag:s20], $0x1900  }
0x54: {  	s21 =	sshra.s32 s18, $0x2;
	[sflag:s20] =	ssyncset.done $0x0  }
0x55: {  	s23 =	sadd.s32 $0x5348, s21;
	[sflag:s20] =	ssyncadd.s32 $0xFFFFE700  }
0x56: {  	[spmem:s1] =	stream.indirect.scatter.add.f32 [tilespmem:s15], [sflag:$0x2], $0x40, s23, s14, $0xb8;
	[tilespmem:$0x1BF80] =	vst v63  }
0x57: {  	_ =	swait.ge [sflag:s28], $0x1900  }
0x58: {  	[sflag:s28] =	ssyncset.done $0x0  }
0x59: {  	s26 =	sadd.s32 $0x340, s21;
	[sflag:s28] =	ssyncadd.s32 $0xFFFFE700  }
0x5a: {  	[tilespmem:s22], [sflag:$0x1] =	stream.indirect.gather [hbm4b:s4+s14], $0x40, s26, s14, $0xb8;
	[tilespmem:$0x1BF80] =	vst v63  }
0x5b: {  	_ =	swait.ge [sflag:s20], $0x1900  }
0x5c: {  	[sflag:s20] =	ssyncset.done $0x0  }
0x5d: {  	s29 =	sadd.s32 $0x53B0, s21;
	[sflag:s20] =	ssyncadd.s32 $0xFFFFE700  }
0x5e: {  	[spmem:s1] =	stream.indirect.scatter.add.f32 [tilespmem:s17], [sflag:$0x2], $0x40, s29, s14, $0xb8;
	[tilespmem:$0x1BF80] =	vst v63  }
0x5f: {  	_ =	swait.ge [sflag:s28], $0x1900  }
0x60: {  	[sflag:s28] =	ssyncset.done $0x0  }
0x61: {  	s24 =	sadd.s32 $0x3A8, s21;
	[sflag:s28] =	ssyncadd.s32 $0xFFFFE700  }
0x62: {  	[tilespmem:s25], [sflag:$0x1] =	stream.indirect.gather [hbm4b:s4+s14], $0x40, s24, s14, $0xb8;
	[tilespmem:$0x1BF80] =	vst v63  }
0x63: {  	_ =	swait.ge [sflag:s20], $0x1900  }
0x64: {  	[sflag:s20] =	ssyncset.done $0x0  }
0x65: {  	s26 =	sadd.s32 $0x5418, s21;
	[sflag:s20] =	ssyncadd.s32 $0xFFFFE700  }
0x66: {  	[spmem:s1] =	stream.indirect.scatter.add.f32 [tilespmem:s19], [sflag:$0x2], $0x40, s26, s14, $0xb8;
	[tilespmem:$0x1BF80] =	vst v63  }
0x67: {  	_ =	swait.ge [sflag:s28], $0x1900  }
0x68: {  	p0 =	seq.s32 s18, $0x134C0;
	[sflag:s28] =	ssyncset.done $0x0  }
0x69: {  	s23 =	simm.s32 @p0 $0x1;
	[sflag:s28] =	ssyncadd.s32 $0xFFFFE700  }
0x6a: {  	_ =	swait.ge @p0 [sflag:s23], $0x1900  }
0x6b: {  	[sflag:s23] =	ssyncset.done @p0 $0x0  }
0x6c: {  	[sflag:s23] =	ssyncadd.s32 @p0 $0xFFFFE700;
	s23 =	sshra.s32 @p0 s18, $0x2  }
0x6d: {  	s24 =	simm.s32 @p0 $0x64;
	s26 =	simm.s32 @p0 $0xED80;
	s23 =	sadd.s32 @p0 $0x5480, s23  }
0x6e: {  	[spmem:s1] =	stream.indirect.scatter.add.f32 @p0 [tilespmem:s26], [sflag:$0x2], $0x40, s23, s24, $0xb8;
	[tilespmem:$0x1BF80] =	vst v63  }
0x6f: {  	s23 =	simm.s32 @p0 $0x2  }
0x70: {  	_ =	swait.ge @p0 [sflag:s23], $0x1900  }
0x71: {  	[sflag:s23] =	ssyncset.done @p0 $0x0  }
0x72: {  	[sflag:s23] =	ssyncadd.s32 @p0 $0xFFFFE700;
	s23 =	sshra.s32 @!p0 s18, $0x2  }
0x73: {  	s29 =	simm.s32 @!p0 $0xA280;
	s26 =	simm.s32 @!p0 $0x64;
	s24 =	sadd.s32 @!p0 $0x410, s23  }
0x74: {  	[tilespmem:s29], [sflag:$0x1] =	stream.indirect.gather @!p0 [hbm4b:s4+s26], $0x40, s24, s26, $0xb8;
	[tilespmem:$0x1BF80] =	vst v63  }
0x75: {  	s24 =	simm.s32 @!p0 $0x1  }
0x76: {  	_ =	swait.ge @!p0 [sflag:s24], $0x1900  }
0x77: {  	[sflag:s24] =	ssyncset.done @!p0 $0x0  }
0x78: {  	s29 =	simm.s32 @!p0 $0xED80;
	[sflag:s24] =	ssyncadd.s32 @!p0 $0xFFFFE700;
	s24 =	sadd.s32 @!p0 $0x5480, s23  }
0x79: {  	[spmem:s1] =	stream.indirect.scatter.add.f32 @!p0 [tilespmem:s29], [sflag:$0x2], $0x40, s24, s26, $0xb8;
	[tilespmem:$0x1BF80] =	vst v63  }
0x7a: {  	s24 =	simm.s32 @!p0 $0x2  }
0x7b: {  	_ =	swait.ge @!p0 [sflag:s24], $0x1900  }
0x7c: {  	[sflag:s24] =	ssyncset.done @!p0 $0x0  }
0x7d: {  	s23 =	sadd.s32 @!p0 $0x478, s23;
	[sflag:s24] =	ssyncadd.s32 @!p0 $0xFFFFE700;
	s24 =	simm.s32 @!p0 $0xBB80  }
0x7e: {  	[tilespmem:s24], [sflag:$0x1] =	stream.indirect.gather @!p0 [hbm4b:s4+s26], $0x40, s23, s26, $0xb8;
	[tilespmem:$0x1BF80] =	vst v63  }
0x7f: {  	_ =	swait.ge [sflag:s20], $0x1900  }
0x80: {  	[sflag:s20] =	ssyncset.done $0x0  }
.Ltmp2:
0x81: {  	s29 =	sadd.s32 $0x54E8, s21;
	[sflag:s20] =	ssyncadd.s32 $0xFFFFE700;
	(pc) =	sbr.rel @p0 .LBB2_4-.Ltmp2, $4  }
0x82: {  	[spmem:s1] =	stream.indirect.scatter.add.f32 [tilespmem:s25], [sflag:$0x2], $0x40, s29, s14, $0xb8;
	[tilespmem:$0x1BF80] =	vst v63  }
0x83: {  	_ =	swait.ge [sflag:s28], $0x1900  }
0x84: {  	[sflag:s28] =	ssyncset.done $0x0  }
0x85: {  	[sflag:s28] =	ssyncadd.s32 $0xFFFFE700  }
.Ltmp3:
0x86: {  	(pc) =	sbr.rel .LBB2_2-.Ltmp3, $3  }
0x87: {  	_ =	sdelay $0x1  }
0x88: {  	s21 =	sadd.s32 $0x4E0, s21;
	s18 =	sadd.s32 $0x820, s18  }
0x89: {  	[tilespmem:s19], [sflag:$0x1] =	stream.indirect.gather [hbm4b:s4+s14], $0x40, s21, s14, $0xb8;
	[tilespmem:$0x1BF80] =	vst v63  }
.LBB2_5:
0x8a: {  	_ =	sfence.sel $0x180000  }
0x8b: {  	[bflag:$0x0] =	sbarrier.arrive $0xFFFF  }
0x8c: {  	_ =	strace $0x90000050  }
0x8d: {  	s0 =	stileid.u32;
	[bflag:$0x2] =	sbarrier.arrive $0xFFFF  }
0x8e: {  	p0 =	sne.s32 s0, $0x0;
	s0 =	rddreg [dreg:$0x2]  }
0x8f: {  	s0 =	sadd.s32 @!p0 $0x100000, s0  }
0x90: {  	[sflag:s0] =	ssyncadd.tile.s32 @!p0 $0x1;
	_ =	shalt  }
.Lfunc_end2:
_tile_overlayer_lowered:
.L_overlay_start_2:
0x91: {  	(tag) =	ssettag $0x2  }
0x92: {  	s0 =	rddreg [dreg:$0x0];
	s2 =	stileid.u32  }
0x93: {  	s1 =	rddreg [dreg:$0x1];
	p0 =	sne.s32 s2, $0x0  }
0x94: {  	s3 =	rddreg [dreg:$0x2];
	[bflag:$0x3] =	sbarrier.arrive $0xFFFF;
	s2 =	simm.s32 @!p0 $0x1C03  }
0x95: {  	[timem:s3], [sflag:s2] =	dma.local @!p0 [hbm:s0], s1  }
0x96: {  	s0 =	simm.s32 @!p0 $0x3  }
0x97: {  	_ =	swait.ge @!p0 [sflag:s0], s1  }
0x98: {  	s1 =	ssub.s32 @!p0 $0x0, s1;
	[sflag:s0] =	ssyncset.done @!p0 $0x0  }
0x99: {  	[sflag:s0] =	ssyncadd.s32 @!p0 s1  }
0x9a: {  	[bflag:$0x3] =	sbarrier.arrive $0xFFFF  }
0x9b: {  	_ =	shalt  }

</sc_bundles>
